<compile_context>
chip_gen: v7x
topology: tpu7x:2x2x1
jax: 0.10.2.dev20260603
libtpu: 0.0.44.dev20260713+nightly
codegen_flags: <defaults>
</compile_context>

<pallas_src>
import functools

import jax
import jax.numpy as jnp
from jax import lax
from jax.experimental import pallas as pl
from jax.experimental.pallas import tpu as pltpu
from jax.experimental.pallas import tpu_sc as plsc

_D = 64
_DP = 128
_H = 50
_B = 16384
_NC = 2
_NS = 16
_NW = _NC * _NS
_BW = _B // _NW
_BC = 128

_mesh = plsc.VectorSubcoreMesh(core_axis_name="c", subcore_axis_name="s")


@functools.partial(
    pl.kernel,
    mesh=_mesh,
    out_type=jax.ShapeDtypeStruct((_H, _D, _B), jnp.float32),
    scratch_types=[
        pltpu.VMEM((4, _H, _BC), jnp.int32),
        pltpu.VMEM((2, _BC, _DP), jnp.float32),
        pltpu.VMEM((2, _D, _BC), jnp.float32),
        pltpu.SemaphoreType.DMA,
        pltpu.SemaphoreType.DMA,
        pltpu.SemaphoreType.DMA,
        pltpu.SemaphoreType.DMA,
    ],
    compiler_params=pltpu.CompilerParams(needs_layout_passes=False, disable_bounds_checks=True),
)
def _embed_gather(table_hbm, idx_hbm, out_hbm, idx_v, rows_v, plane_v,
                  sem_g0, sem_g1, sem_w0, sem_w1):
    wid = lax.axis_index("s") * _NC + lax.axis_index("c")
    b0 = wid * _BW
    sem_g = (sem_g0, sem_g1)
    sem_w = (sem_w0, sem_w1)
    iota = lax.iota(jnp.int32, 16)
    rowk = [iota + 16 * k for k in range(4)]

    for c in range(4):
        pltpu.sync_copy(idx_hbm.at[:, pl.ds(b0 + c * _BC, _BC)], idx_v.at[c])

    def gather(h, c, p):
        return pltpu.make_async_copy(
            table_hbm.at[idx_v.at[c, h]], rows_v.at[p], sem_g[p])

    gather(0, 0, 0).start()

    def step(j, carry):
        for c in range(4):
            p = c % 2
            gather(j, c, p).wait()
            if c < 3:
                gather(j, c + 1, 1 - p).start()
            else:
                @pl.when(j + 1 < _H)
                def _pre():
                    gather(j + 1, 0, 1 - p).start()

            jd, cd = (j, c - 2) if c >= 2 else (j - 1, c + 2)

            def _drain():
                pltpu.make_async_copy(
                    plane_v.at[p],
                    out_hbm.at[jd, :, pl.ds(b0 + cd * _BC, _BC)],
                    sem_w[p]).wait()

            if c >= 2:
                _drain()
            else:
                pl.when(j > 0)(_drain)

            @plsc.parallel_loop(0, _BC, unroll=16)
            def tb(b):
                col = jnp.zeros((16,), jnp.int32) + b
                for k in range(4):
                    v = rows_v[p, b, pl.ds(16 * k, 16)]
                    plsc.store_scatter(plane_v.at[p], [rowk[k], col], v)
            pltpu.async_copy(plane_v.at[p],
                             out_hbm.at[j, :, pl.ds(b0 + c * _BC, _BC)],
                             sem_w[p])
        return carry

    lax.fori_loop(0, _H, step, 0)
    for c in (2, 3):
        pltpu.make_async_copy(
            plane_v.at[c % 2],
            out_hbm.at[_H - 1, :, pl.ds(b0 + c * _BC, _BC)],
            sem_w[c % 2]).wait()


def kernel(table, indices):
    table_p = jnp.pad(table, ((0, 0), (0, _DP - _D)))
    idx_t = indices.T.astype(jnp.int32)
    out_phys = _embed_gather(table_p, idx_t)
    return jnp.transpose(out_phys, (2, 0, 1))

# --- scband reference (transcript-rebuilt; emitter-appended) ---
"""Pipeline reference for scband-embedder-27805618274350 (READ-ONLY COPY).

The authoritative reference and input builder live on the scoring server;
editing this copy changes nothing except your own understanding.
"""

import jax, jax.numpy as jnp
import numpy as np

VOCAB = 1000000
EMBED_DIM = 64
BATCH = 16384
HIST = 50


def setup_inputs(seed: int = 0) -> dict:
    key = jax.random.key(seed)
    k_idx, k_tab = jax.random.split(key)
    indices = jax.random.randint(k_idx, (BATCH, HIST), 0, VOCAB, dtype=jnp.int64 if jax.config.jax_enable_x64 else jnp.int32)
    table = jax.random.normal(k_tab, (VOCAB, EMBED_DIM), dtype=jnp.float32)
    return {"table": table, "indices": indices}


def reference(table, indices):
    # Faithful translation of nn.Embedding forward: row gather from the table.
    return jnp.take(table, indices, axis=0)

if __name__ == "__main__":
    import jax
    _d = setup_inputs()
    print(jax.jit(kernel)(*tuple(_d.values())))

</pallas_src>

<mosaic_0001>
#map = affine_map<(d0, d1) -> (0, 0)>
#map1 = affine_map<(d0, d1) -> (0, 0, 0)>
module attributes {stable_mosaic.version = 14 : i64} {
  func.func @_embed_gather(%arg0: i32, %arg1: i32, %arg2: memref<1000000x128xf32, #tpu.memory_space<hbm>>, %arg3: memref<50x16384xi32, #tpu.memory_space<hbm>>, %arg4: memref<50x64x16384xf32, #tpu.memory_space<hbm>>, %arg5: memref<4x50x128xi32, #tpu.memory_space<vmem>>, %arg6: memref<2x128x128xf32, #tpu.memory_space<vmem>>, %arg7: memref<2x64x128xf32, #tpu.memory_space<vmem>>, %arg8: memref<!tpu.dma_semaphore, #tpu.memory_space<semaphore_mem>>, %arg9: memref<!tpu.dma_semaphore, #tpu.memory_space<semaphore_mem>>, %arg10: memref<!tpu.dma_semaphore, #tpu.memory_space<semaphore_mem>>, %arg11: memref<!tpu.dma_semaphore, #tpu.memory_space<semaphore_mem>>) attributes {dimension_semantics = [#tpu.dimension_semantics<core_parallel>, #tpu.dimension_semantics<subcore_parallel>], iteration_bounds = array<i64: 2, 16>, scalar_prefetch = 0 : i64, scratch_operands = 7 : i64, tpu.core_type = #tpu.core_type<sc_vector_subcore>, window_params = [{transform_indices = #map}, {transform_indices = #map}, {transform_indices = #map1}]} {
    %mul3A = arith.constant 2 : i32
    %mul3A_0 = arith.muli %arg1, %mul3A : i32
    %add3A = arith.addi %mul3A_0, %arg0 : i32
    %mul3A_1 = arith.constant 512 : i32
    %mul3A_2 = arith.muli %add3A, %mul3A_1 : i32
    %iota3A = tpu.iota {dimensions = array<i32: 0>} : vector<16xi32>
    %add3A_3 = arith.constant 0 : i32
    %add3A_4 = vector.broadcast %add3A_3 : i32 to vector<16xi32>
    %add3A_5 = arith.addi %iota3A, %add3A_4 : vector<16xi32>
    %add3A_6 = arith.constant 16 : i32
    %add3A_7 = vector.broadcast %add3A_6 : i32 to vector<16xi32>
    %add3A_8 = arith.addi %iota3A, %add3A_7 : vector<16xi32>
    %add3A_9 = arith.constant 32 : i32
    %add3A_10 = vector.broadcast %add3A_9 : i32 to vector<16xi32>
    %add3A_11 = arith.addi %iota3A, %add3A_10 : vector<16xi32>
    %add3A_12 = arith.constant 48 : i32
    %add3A_13 = vector.broadcast %add3A_12 : i32 to vector<16xi32>
    %add3A_14 = arith.addi %iota3A, %add3A_13 : vector<16xi32>
    %add3A_15 = arith.constant 0 : i32
    %add3A_16 = arith.addi %mul3A_2, %add3A_15 : i32
    %run_scoped3A = arith.constant 0 : i32
    "tpu.region"() ({
      %run_scoped3A_78 = tpu.sem_alloc : memref<!tpu.dma_semaphore, #tpu.memory_space<semaphore_mem>>
      %dma_start3A_79 = arith.constant 0 : i32
      %dma_start3A_80 = arith.constant 0 : i32
      %dma_start3A_81 = tpu.memref_slice %arg5[%run_scoped3A, %dma_start3A_79, %dma_start3A_80] : memref<4x50x128xi32, #tpu.memory_space<vmem>> -> memref<1x50x128xi32, #tpu.memory_space<vmem>>
      %dma_start3A_82 = tpu.memref_squeeze %dma_start3A_81 : memref<1x50x128xi32, #tpu.memory_space<vmem>> -> memref<50x128xi32, #tpu.memory_space<vmem>>
      %dma_start3A_83 = arith.constant 0 : i32
      %dma_start3A_84 = tpu.memref_slice %arg3[%dma_start3A_83, %add3A_16] : memref<50x16384xi32, #tpu.memory_space<hbm>> -> memref<50x128xi32, #tpu.memory_space<hbm>>
      %dma_start3A_85 = arith.constant 0 : i32
      %dma_start3A_86 = arith.constant 0 : i32
      %dma_start3A_87 = tpu.memref_slice %arg5[%run_scoped3A, %dma_start3A_85, %dma_start3A_86] : memref<4x50x128xi32, #tpu.memory_space<vmem>> -> memref<1x50x128xi32, #tpu.memory_space<vmem>>
      %dma_start3A_88 = tpu.memref_squeeze %dma_start3A_87 : memref<1x50x128xi32, #tpu.memory_space<vmem>> -> memref<50x128xi32, #tpu.memory_space<vmem>>
      %dma_start3A_89 = arith.constant 0 : i32
      %dma_start3A_90 = tpu.memref_slice %arg3[%dma_start3A_89, %add3A_16] : memref<50x16384xi32, #tpu.memory_space<hbm>> -> memref<50x128xi32, #tpu.memory_space<hbm>>
      tpu.enqueue_dma source(%dma_start3A_90 : memref<50x128xi32, #tpu.memory_space<hbm>>) target(%dma_start3A_88 : memref<50x128xi32, #tpu.memory_space<vmem>>) target_semaphore(%run_scoped3A_78 : memref<!tpu.dma_semaphore, #tpu.memory_space<semaphore_mem>>)
      %dma_wait3A_91 = arith.constant 0 : i32
      %dma_wait3A_92 = arith.constant 0 : i32
      %dma_wait3A_93 = tpu.memref_slice %arg5[%run_scoped3A, %dma_wait3A_91, %dma_wait3A_92] : memref<4x50x128xi32, #tpu.memory_space<vmem>> -> memref<1x50x128xi32, #tpu.memory_space<vmem>>
      %dma_wait3A_94 = tpu.memref_squeeze %dma_wait3A_93 : memref<1x50x128xi32, #tpu.memory_space<vmem>> -> memref<50x128xi32, #tpu.memory_space<vmem>>
      %dma_wait3A_95 = arith.constant 0 : i32
      %dma_wait3A_96 = tpu.memref_slice %arg3[%dma_wait3A_95, %add3A_16] : memref<50x16384xi32, #tpu.memory_space<hbm>> -> memref<50x128xi32, #tpu.memory_space<hbm>>
      %dma_wait3A_97 = arith.constant 0 : i32
      %dma_wait3A_98 = arith.constant 0 : i32
      %dma_wait3A_99 = tpu.memref_slice %arg5[%run_scoped3A, %dma_wait3A_97, %dma_wait3A_98] : memref<4x50x128xi32, #tpu.memory_space<vmem>> -> memref<1x50x128xi32, #tpu.memory_space<vmem>>
      %dma_wait3A_100 = tpu.memref_squeeze %dma_wait3A_99 : memref<1x50x128xi32, #tpu.memory_space<vmem>> -> memref<50x128xi32, #tpu.memory_space<vmem>>
      %dma_wait3A_101 = arith.constant 0 : i32
      %dma_wait3A_102 = tpu.memref_slice %arg3[%dma_wait3A_101, %add3A_16] : memref<50x16384xi32, #tpu.memory_space<hbm>> -> memref<50x128xi32, #tpu.memory_space<hbm>>
      tpu.wait_dma2 semaphore(%run_scoped3A_78 : memref<!tpu.dma_semaphore, #tpu.memory_space<semaphore_mem>>) src(%dma_wait3A_102 : memref<50x128xi32, #tpu.memory_space<hbm>>) dst(%dma_wait3A_100 : memref<50x128xi32, #tpu.memory_space<vmem>>)
      tpu.yield
    }) : () -> ()
    %add3A_17 = arith.constant 128 : i32
    %add3A_18 = arith.addi %mul3A_2, %add3A_17 : i32
    %run_scoped3A_19 = arith.constant 1 : i32
    "tpu.region"() ({
      %run_scoped3A_78 = tpu.sem_alloc : memref<!tpu.dma_semaphore, #tpu.memory_space<semaphore_mem>>
      %dma_start3A_79 = arith.constant 0 : i32
      %dma_start3A_80 = arith.constant 0 : i32
      %dma_start3A_81 = tpu.memref_slice %arg5[%run_scoped3A_19, %dma_start3A_79, %dma_start3A_80] : memref<4x50x128xi32, #tpu.memory_space<vmem>> -> memref<1x50x128xi32, #tpu.memory_space<vmem>>
      %dma_start3A_82 = tpu.memref_squeeze %dma_start3A_81 : memref<1x50x128xi32, #tpu.memory_space<vmem>> -> memref<50x128xi32, #tpu.memory_space<vmem>>
      %dma_start3A_83 = arith.constant 0 : i32
      %dma_start3A_84 = tpu.memref_slice %arg3[%dma_start3A_83, %add3A_18] : memref<50x16384xi32, #tpu.memory_space<hbm>> -> memref<50x128xi32, #tpu.memory_space<hbm>>
      %dma_start3A_85 = arith.constant 0 : i32
      %dma_start3A_86 = arith.constant 0 : i32
      %dma_start3A_87 = tpu.memref_slice %arg5[%run_scoped3A_19, %dma_start3A_85, %dma_start3A_86] : memref<4x50x128xi32, #tpu.memory_space<vmem>> -> memref<1x50x128xi32, #tpu.memory_space<vmem>>
      %dma_start3A_88 = tpu.memref_squeeze %dma_start3A_87 : memref<1x50x128xi32, #tpu.memory_space<vmem>> -> memref<50x128xi32, #tpu.memory_space<vmem>>
      %dma_start3A_89 = arith.constant 0 : i32
      %dma_start3A_90 = tpu.memref_slice %arg3[%dma_start3A_89, %add3A_18] : memref<50x16384xi32, #tpu.memory_space<hbm>> -> memref<50x128xi32, #tpu.memory_space<hbm>>
      tpu.enqueue_dma source(%dma_start3A_90 : memref<50x128xi32, #tpu.memory_space<hbm>>) target(%dma_start3A_88 : memref<50x128xi32, #tpu.memory_space<vmem>>) target_semaphore(%run_scoped3A_78 : memref<!tpu.dma_semaphore, #tpu.memory_space<semaphore_mem>>)
      %dma_wait3A_91 = arith.constant 0 : i32
      %dma_wait3A_92 = arith.constant 0 : i32
      %dma_wait3A_93 = tpu.memref_slice %arg5[%run_scoped3A_19, %dma_wait3A_91, %dma_wait3A_92] : memref<4x50x128xi32, #tpu.memory_space<vmem>> -> memref<1x50x128xi32, #tpu.memory_space<vmem>>
      %dma_wait3A_94 = tpu.memref_squeeze %dma_wait3A_93 : memref<1x50x128xi32, #tpu.memory_space<vmem>> -> memref<50x128xi32, #tpu.memory_space<vmem>>
      %dma_wait3A_95 = arith.constant 0 : i32
      %dma_wait3A_96 = tpu.memref_slice %arg3[%dma_wait3A_95, %add3A_18] : memref<50x16384xi32, #tpu.memory_space<hbm>> -> memref<50x128xi32, #tpu.memory_space<hbm>>
      %dma_wait3A_97 = arith.constant 0 : i32
      %dma_wait3A_98 = arith.constant 0 : i32
      %dma_wait3A_99 = tpu.memref_slice %arg5[%run_scoped3A_19, %dma_wait3A_97, %dma_wait3A_98] : memref<4x50x128xi32, #tpu.memory_space<vmem>> -> memref<1x50x128xi32, #tpu.memory_space<vmem>>
      %dma_wait3A_100 = tpu.memref_squeeze %dma_wait3A_99 : memref<1x50x128xi32, #tpu.memory_space<vmem>> -> memref<50x128xi32, #tpu.memory_space<vmem>>
      %dma_wait3A_101 = arith.constant 0 : i32
      %dma_wait3A_102 = tpu.memref_slice %arg3[%dma_wait3A_101, %add3A_18] : memref<50x16384xi32, #tpu.memory_space<hbm>> -> memref<50x128xi32, #tpu.memory_space<hbm>>
      tpu.wait_dma2 semaphore(%run_scoped3A_78 : memref<!tpu.dma_semaphore, #tpu.memory_space<semaphore_mem>>) src(%dma_wait3A_102 : memref<50x128xi32, #tpu.memory_space<hbm>>) dst(%dma_wait3A_100 : memref<50x128xi32, #tpu.memory_space<vmem>>)
      tpu.yield
    }) : () -> ()
    %add3A_20 = arith.constant 256 : i32
    %add3A_21 = arith.addi %mul3A_2, %add3A_20 : i32
    %run_scoped3A_22 = arith.constant 2 : i32
    "tpu.region"() ({
      %run_scoped3A_78 = tpu.sem_alloc : memref<!tpu.dma_semaphore, #tpu.memory_space<semaphore_mem>>
      %dma_start3A_79 = arith.constant 0 : i32
      %dma_start3A_80 = arith.constant 0 : i32
      %dma_start3A_81 = tpu.memref_slice %arg5[%run_scoped3A_22, %dma_start3A_79, %dma_start3A_80] : memref<4x50x128xi32, #tpu.memory_space<vmem>> -> memref<1x50x128xi32, #tpu.memory_space<vmem>>
      %dma_start3A_82 = tpu.memref_squeeze %dma_start3A_81 : memref<1x50x128xi32, #tpu.memory_space<vmem>> -> memref<50x128xi32, #tpu.memory_space<vmem>>
      %dma_start3A_83 = arith.constant 0 : i32
      %dma_start3A_84 = tpu.memref_slice %arg3[%dma_start3A_83, %add3A_21] : memref<50x16384xi32, #tpu.memory_space<hbm>> -> memref<50x128xi32, #tpu.memory_space<hbm>>
      %dma_start3A_85 = arith.constant 0 : i32
      %dma_start3A_86 = arith.constant 0 : i32
      %dma_start3A_87 = tpu.memref_slice %arg5[%run_scoped3A_22, %dma_start3A_85, %dma_start3A_86] : memref<4x50x128xi32, #tpu.memory_space<vmem>> -> memref<1x50x128xi32, #tpu.memory_space<vmem>>
      %dma_start3A_88 = tpu.memref_squeeze %dma_start3A_87 : memref<1x50x128xi32, #tpu.memory_space<vmem>> -> memref<50x128xi32, #tpu.memory_space<vmem>>
      %dma_start3A_89 = arith.constant 0 : i32
      %dma_start3A_90 = tpu.memref_slice %arg3[%dma_start3A_89, %add3A_21] : memref<50x16384xi32, #tpu.memory_space<hbm>> -> memref<50x128xi32, #tpu.memory_space<hbm>>
      tpu.enqueue_dma source(%dma_start3A_90 : memref<50x128xi32, #tpu.memory_space<hbm>>) target(%dma_start3A_88 : memref<50x128xi32, #tpu.memory_space<vmem>>) target_semaphore(%run_scoped3A_78 : memref<!tpu.dma_semaphore, #tpu.memory_space<semaphore_mem>>)
      %dma_wait3A_91 = arith.constant 0 : i32
      %dma_wait3A_92 = arith.constant 0 : i32
      %dma_wait3A_93 = tpu.memref_slice %arg5[%run_scoped3A_22, %dma_wait3A_91, %dma_wait3A_92] : memref<4x50x128xi32, #tpu.memory_space<vmem>> -> memref<1x50x128xi32, #tpu.memory_space<vmem>>
      %dma_wait3A_94 = tpu.memref_squeeze %dma_wait3A_93 : memref<1x50x128xi32, #tpu.memory_space<vmem>> -> memref<50x128xi32, #tpu.memory_space<vmem>>
      %dma_wait3A_95 = arith.constant 0 : i32
      %dma_wait3A_96 = tpu.memref_slice %arg3[%dma_wait3A_95, %add3A_21] : memref<50x16384xi32, #tpu.memory_space<hbm>> -> memref<50x128xi32, #tpu.memory_space<hbm>>
      %dma_wait3A_97 = arith.constant 0 : i32
      %dma_wait3A_98 = arith.constant 0 : i32
      %dma_wait3A_99 = tpu.memref_slice %arg5[%run_scoped3A_22, %dma_wait3A_97, %dma_wait3A_98] : memref<4x50x128xi32, #tpu.memory_space<vmem>> -> memref<1x50x128xi32, #tpu.memory_space<vmem>>
      %dma_wait3A_100 = tpu.memref_squeeze %dma_wait3A_99 : memref<1x50x128xi32, #tpu.memory_space<vmem>> -> memref<50x128xi32, #tpu.memory_space<vmem>>
      %dma_wait3A_101 = arith.constant 0 : i32
      %dma_wait3A_102 = tpu.memref_slice %arg3[%dma_wait3A_101, %add3A_21] : memref<50x16384xi32, #tpu.memory_space<hbm>> -> memref<50x128xi32, #tpu.memory_space<hbm>>
      tpu.wait_dma2 semaphore(%run_scoped3A_78 : memref<!tpu.dma_semaphore, #tpu.memory_space<semaphore_mem>>) src(%dma_wait3A_102 : memref<50x128xi32, #tpu.memory_space<hbm>>) dst(%dma_wait3A_100 : memref<50x128xi32, #tpu.memory_space<vmem>>)
      tpu.yield
    }) : () -> ()
    %add3A_23 = arith.constant 384 : i32
    %add3A_24 = arith.addi %mul3A_2, %add3A_23 : i32
    %run_scoped3A_25 = arith.constant 3 : i32
    "tpu.region"() ({
      %run_scoped3A_78 = tpu.sem_alloc : memref<!tpu.dma_semaphore, #tpu.memory_space<semaphore_mem>>
      %dma_start3A_79 = arith.constant 0 : i32
      %dma_start3A_80 = arith.constant 0 : i32
      %dma_start3A_81 = tpu.memref_slice %arg5[%run_scoped3A_25, %dma_start3A_79, %dma_start3A_80] : memref<4x50x128xi32, #tpu.memory_space<vmem>> -> memref<1x50x128xi32, #tpu.memory_space<vmem>>
      %dma_start3A_82 = tpu.memref_squeeze %dma_start3A_81 : memref<1x50x128xi32, #tpu.memory_space<vmem>> -> memref<50x128xi32, #tpu.memory_space<vmem>>
      %dma_start3A_83 = arith.constant 0 : i32
      %dma_start3A_84 = tpu.memref_slice %arg3[%dma_start3A_83, %add3A_24] : memref<50x16384xi32, #tpu.memory_space<hbm>> -> memref<50x128xi32, #tpu.memory_space<hbm>>
      %dma_start3A_85 = arith.constant 0 : i32
      %dma_start3A_86 = arith.constant 0 : i32
      %dma_start3A_87 = tpu.memref_slice %arg5[%run_scoped3A_25, %dma_start3A_85, %dma_start3A_86] : memref<4x50x128xi32, #tpu.memory_space<vmem>> -> memref<1x50x128xi32, #tpu.memory_space<vmem>>
      %dma_start3A_88 = tpu.memref_squeeze %dma_start3A_87 : memref<1x50x128xi32, #tpu.memory_space<vmem>> -> memref<50x128xi32, #tpu.memory_space<vmem>>
      %dma_start3A_89 = arith.constant 0 : i32
      %dma_start3A_90 = tpu.memref_slice %arg3[%dma_start3A_89, %add3A_24] : memref<50x16384xi32, #tpu.memory_space<hbm>> -> memref<50x128xi32, #tpu.memory_space<hbm>>
      tpu.enqueue_dma source(%dma_start3A_90 : memref<50x128xi32, #tpu.memory_space<hbm>>) target(%dma_start3A_88 : memref<50x128xi32, #tpu.memory_space<vmem>>) target_semaphore(%run_scoped3A_78 : memref<!tpu.dma_semaphore, #tpu.memory_space<semaphore_mem>>)
      %dma_wait3A_91 = arith.constant 0 : i32
      %dma_wait3A_92 = arith.constant 0 : i32
      %dma_wait3A_93 = tpu.memref_slice %arg5[%run_scoped3A_25, %dma_wait3A_91, %dma_wait3A_92] : memref<4x50x128xi32, #tpu.memory_space<vmem>> -> memref<1x50x128xi32, #tpu.memory_space<vmem>>
      %dma_wait3A_94 = tpu.memref_squeeze %dma_wait3A_93 : memref<1x50x128xi32, #tpu.memory_space<vmem>> -> memref<50x128xi32, #tpu.memory_space<vmem>>
      %dma_wait3A_95 = arith.constant 0 : i32
      %dma_wait3A_96 = tpu.memref_slice %arg3[%dma_wait3A_95, %add3A_24] : memref<50x16384xi32, #tpu.memory_space<hbm>> -> memref<50x128xi32, #tpu.memory_space<hbm>>
      %dma_wait3A_97 = arith.constant 0 : i32
      %dma_wait3A_98 = arith.constant 0 : i32
      %dma_wait3A_99 = tpu.memref_slice %arg5[%run_scoped3A_25, %dma_wait3A_97, %dma_wait3A_98] : memref<4x50x128xi32, #tpu.memory_space<vmem>> -> memref<1x50x128xi32, #tpu.memory_space<vmem>>
      %dma_wait3A_100 = tpu.memref_squeeze %dma_wait3A_99 : memref<1x50x128xi32, #tpu.memory_space<vmem>> -> memref<50x128xi32, #tpu.memory_space<vmem>>
      %dma_wait3A_101 = arith.constant 0 : i32
      %dma_wait3A_102 = tpu.memref_slice %arg3[%dma_wait3A_101, %add3A_24] : memref<50x16384xi32, #tpu.memory_space<hbm>> -> memref<50x128xi32, #tpu.memory_space<hbm>>
      tpu.wait_dma2 semaphore(%run_scoped3A_78 : memref<!tpu.dma_semaphore, #tpu.memory_space<semaphore_mem>>) src(%dma_wait3A_102 : memref<50x128xi32, #tpu.memory_space<hbm>>) dst(%dma_wait3A_100 : memref<50x128xi32, #tpu.memory_space<vmem>>)
      tpu.yield
    }) : () -> ()
    %dma_start3A = arith.constant 0 : i32
    %dma_start3A_26 = arith.constant 0 : i32
    %dma_start3A_27 = arith.constant 0 : i32
    %dma_start3A_28 = arith.constant 0 : i32
    %dma_start3A_29 = arith.constant 0 : i32
    %dma_start3A_30 = tpu.memref_slice %arg6[%dma_start3A_27, %dma_start3A_28, %dma_start3A_29] : memref<2x128x128xf32, #tpu.memory_space<vmem>> -> memref<1x128x128xf32, #tpu.memory_space<vmem>>
    %dma_start3A_31 = tpu.memref_squeeze %dma_start3A_30 : memref<1x128x128xf32, #tpu.memory_space<vmem>> -> memref<128x128xf32, #tpu.memory_space<vmem>>
    %dma_start3A_32 = arith.constant 0 : i32
    %dma_start3A_33 = tpu.memref_slice %arg5[%dma_start3A, %dma_start3A_26, %dma_start3A_32] : memref<4x50x128xi32, #tpu.memory_space<vmem>> -> memref<1x1x128xi32, #tpu.memory_space<vmem>>
    %dma_start3A_34 = tpu.memref_squeeze %dma_start3A_33 : memref<1x1x128xi32, #tpu.memory_space<vmem>> -> memref<128xi32, #tpu.memory_space<vmem>>
    %dma_start3A_35 = arith.constant 0 : i32
    %dma_start3A_36 = arith.constant 0 : i32
    %dma_start3A_37 = tpu.memref_slice %arg2[%dma_start3A_35, %dma_start3A_36] : memref<1000000x128xf32, #tpu.memory_space<hbm>> -> memref<1000000x128xf32, #tpu.memory_space<hbm>>
    tpu.enqueue_indirect_dma source(%dma_start3A_37 : memref<1000000x128xf32, #tpu.memory_space<hbm>>) target(%dma_start3A_31 : memref<128x128xf32, #tpu.memory_space<vmem>>) offsets(%dma_start3A_34 : memref<128xi32, #tpu.memory_space<vmem>>) semaphore(%arg8 : memref<!tpu.dma_semaphore, #tpu.memory_space<semaphore_mem>>)
    %scan3A = arith.constant 0 : i32
    %scan3A_38 = arith.constant 0 : i32
    %scan3A_39 = arith.constant 50 : i32
    %scan3A_40 = arith.addi %scan3A_38, %scan3A_39 : i32
    %scan3A_41 = arith.constant 1 : i32
    scf.for %scan3A_78 = %scan3A_38 to %scan3A_40 step %scan3A_41  : i32 {
      %dma_wait3A_79 = arith.constant 0 : i32
      %dma_wait3A_80 = arith.constant 0 : i32
      %dma_wait3A_81 = arith.constant 0 : i32
      %dma_wait3A_82 = arith.constant 0 : i32
      %dma_wait3A_83 = tpu.memref_slice %arg6[%dma_wait3A_80, %dma_wait3A_81, %dma_wait3A_82] : memref<2x128x128xf32, #tpu.memory_space<vmem>> -> memref<1x128x128xf32, #tpu.memory_space<vmem>>
      %dma_wait3A_84 = tpu.memref_squeeze %dma_wait3A_83 : memref<1x128x128xf32, #tpu.memory_space<vmem>> -> memref<128x128xf32, #tpu.memory_space<vmem>>
      %dma_wait3A_85 = arith.constant 0 : i32
      %dma_wait3A_86 = tpu.memref_slice %arg5[%dma_wait3A_79, %scan3A_78, %dma_wait3A_85] : memref<4x50x128xi32, #tpu.memory_space<vmem>> -> memref<1x1x128xi32, #tpu.memory_space<vmem>>
      %dma_wait3A_87 = tpu.memref_squeeze %dma_wait3A_86 : memref<1x1x128xi32, #tpu.memory_space<vmem>> -> memref<128xi32, #tpu.memory_space<vmem>>
      %dma_wait3A_88 = arith.constant 0 : i32
      %dma_wait3A_89 = arith.constant 0 : i32
      %dma_wait3A_90 = tpu.memref_slice %arg2[%dma_wait3A_88, %dma_wait3A_89] : memref<1000000x128xf32, #tpu.memory_space<hbm>> -> memref<1000000x128xf32, #tpu.memory_space<hbm>>
      tpu.wait_indirect_dma semaphore(%arg8 : memref<!tpu.dma_semaphore, #tpu.memory_space<semaphore_mem>>) src(%dma_wait3A_90 : memref<1000000x128xf32, #tpu.memory_space<hbm>>) dst(%dma_wait3A_84 : memref<128x128xf32, #tpu.memory_space<vmem>>)
      %dma_start3A_91 = arith.constant 1 : i32
      %dma_start3A_92 = arith.constant 1 : i32
      %dma_start3A_93 = arith.constant 0 : i32
      %dma_start3A_94 = arith.constant 0 : i32
      %dma_start3A_95 = tpu.memref_slice %arg6[%dma_start3A_92, %dma_start3A_93, %dma_start3A_94] : memref<2x128x128xf32, #tpu.memory_space<vmem>> -> memref<1x128x128xf32, #tpu.memory_space<vmem>>
      %dma_start3A_96 = tpu.memref_squeeze %dma_start3A_95 : memref<1x128x128xf32, #tpu.memory_space<vmem>> -> memref<128x128xf32, #tpu.memory_space<vmem>>
      %dma_start3A_97 = arith.constant 0 : i32
      %dma_start3A_98 = tpu.memref_slice %arg5[%dma_start3A_91, %scan3A_78, %dma_start3A_97] : memref<4x50x128xi32, #tpu.memory_space<vmem>> -> memref<1x1x128xi32, #tpu.memory_space<vmem>>
      %dma_start3A_99 = tpu.memref_squeeze %dma_start3A_98 : memref<1x1x128xi32, #tpu.memory_space<vmem>> -> memref<128xi32, #tpu.memory_space<vmem>>
      %dma_start3A_100 = arith.constant 0 : i32
      %dma_start3A_101 = arith.constant 0 : i32
      %dma_start3A_102 = tpu.memref_slice %arg2[%dma_start3A_100, %dma_start3A_101] : memref<1000000x128xf32, #tpu.memory_space<hbm>> -> memref<1000000x128xf32, #tpu.memory_space<hbm>>
      tpu.enqueue_indirect_dma source(%dma_start3A_102 : memref<1000000x128xf32, #tpu.memory_space<hbm>>) target(%dma_start3A_96 : memref<128x128xf32, #tpu.memory_space<vmem>>) offsets(%dma_start3A_99 : memref<128xi32, #tpu.memory_space<vmem>>) semaphore(%arg9 : memref<!tpu.dma_semaphore, #tpu.memory_space<semaphore_mem>>)
      %sub3A = arith.constant 1 : i32
      %sub3A_103 = arith.subi %scan3A_78, %sub3A : i32
      %gt3A = arith.constant 0 : i32
      %gt3A_104 = arith.cmpi sgt, %scan3A_78, %gt3A : i32
      %convert_element_type3A = arith.extui %gt3A_104 : i1 to i32
      %cond3A = arith.constant 0 : i32
      %cond3A_105 = arith.cmpi ne, %convert_element_type3A, %cond3A : i32
      scf.if %cond3A_105 {
        %add3A_292 = arith.constant 256 : i32
        %add3A_293 = arith.addi %mul3A_2, %add3A_292 : i32
        %dma_wait3A_294 = arith.constant 0 : i32
        %dma_wait3A_295 = arith.constant 0 : i32
        %dma_wait3A_296 = arith.constant 0 : i32
        %dma_wait3A_297 = tpu.memref_slice %arg7[%dma_wait3A_294, %dma_wait3A_295, %dma_wait3A_296] : memref<2x64x128xf32, #tpu.memory_space<vmem>> -> memref<1x64x128xf32, #tpu.memory_space<vmem>>
        %dma_wait3A_298 = tpu.memref_squeeze %dma_wait3A_297 : memref<1x64x128xf32, #tpu.memory_space<vmem>> -> memref<64x128xf32, #tpu.memory_space<vmem>>
        %dma_wait3A_299 = arith.constant 0 : i32
        %dma_wait3A_300 = tpu.memref_slice %arg4[%sub3A_103, %dma_wait3A_299, %add3A_293] : memref<50x64x16384xf32, #tpu.memory_space<hbm>> -> memref<1x64x128xf32, #tpu.memory_space<hbm>>
        %dma_wait3A_301 = tpu.memref_squeeze %dma_wait3A_300 : memref<1x64x128xf32, #tpu.memory_space<hbm>> -> memref<64x128xf32, #tpu.memory_space<hbm>>
        %dma_wait3A_302 = arith.constant 0 : i32
        %dma_wait3A_303 = tpu.memref_slice %arg4[%sub3A_103, %dma_wait3A_302, %add3A_293] : memref<50x64x16384xf32, #tpu.memory_space<hbm>> -> memref<1x64x128xf32, #tpu.memory_space<hbm>>
        %dma_wait3A_304 = tpu.memref_squeeze %dma_wait3A_303 : memref<1x64x128xf32, #tpu.memory_space<hbm>> -> memref<64x128xf32, #tpu.memory_space<hbm>>
        %dma_wait3A_305 = arith.constant 0 : i32
        %dma_wait3A_306 = arith.constant 0 : i32
        %dma_wait3A_307 = tpu.memref_slice %arg7[%dma_wait3A_294, %dma_wait3A_305, %dma_wait3A_306] : memref<2x64x128xf32, #tpu.memory_space<vmem>> -> memref<1x64x128xf32, #tpu.memory_space<vmem>>
        %dma_wait3A_308 = tpu.memref_squeeze %dma_wait3A_307 : memref<1x64x128xf32, #tpu.memory_space<vmem>> -> memref<64x128xf32, #tpu.memory_space<vmem>>
        tpu.wait_dma2 semaphore(%arg10 : memref<!tpu.dma_semaphore, #tpu.memory_space<semaphore_mem>>) src(%dma_wait3A_308 : memref<64x128xf32, #tpu.memory_space<vmem>>) dst(%dma_wait3A_304 : memref<64x128xf32, #tpu.memory_space<hbm>>)
      } else {
      }
      %parallel_loop3A = arith.constant 0 : i32
      %parallel_loop3A_106 = arith.constant 128 : i32
      %parallel_loop3A_107 = arith.constant 1 : i32
      scf.for %parallel_loop3A_292 = %parallel_loop3A to %parallel_loop3A_106 step %parallel_loop3A_107  : i32 {
        %parallel_loop3A_293 = arith.constant 0 : i32
        %parallel_loop3A_294 = vector.broadcast %parallel_loop3A_293 : i32 to vector<16xi32>
        %parallel_loop3A_295 = vector.broadcast %parallel_loop3A_292 : i32 to vector<16xi32>
        %parallel_loop3A_296 = arith.addi %parallel_loop3A_294, %parallel_loop3A_295 : vector<16xi32>
        %parallel_loop3A_297 = arith.constant 0 : i32
        %parallel_loop3A_298 = arith.index_cast %parallel_loop3A_297 : i32 to index
        %parallel_loop3A_299 = arith.index_cast %parallel_loop3A_292 : i32 to index
        %parallel_loop3A_300 = arith.constant 0 : index
        %parallel_loop3A_301 = tpu.vector_load %arg6[%parallel_loop3A_298, %parallel_loop3A_299, %parallel_loop3A_300] {strides = array<i32>} : memref<2x128x128xf32, #tpu.memory_space<vmem>>, vector<16xf32>,
        %parallel_loop3A_302 = arith.constant 0 : i32
        %parallel_loop3A_303 = arith.constant 0 : i32
        %parallel_loop3A_304 = arith.constant 0 : i32
        %parallel_loop3A_305 = tpu.memref_slice %arg7[%parallel_loop3A_302, %parallel_loop3A_303, %parallel_loop3A_304] : memref<2x64x128xf32, #tpu.memory_space<vmem>> -> memref<1x64x128xf32, #tpu.memory_space<vmem>>
        %parallel_loop3A_306 = tpu.memref_squeeze %parallel_loop3A_305 : memref<1x64x128xf32, #tpu.memory_space<vmem>> -> memref<64x128xf32, #tpu.memory_space<vmem>>
        tpu.vector_store_idx %parallel_loop3A_306[%add3A_5, %parallel_loop3A_296], %parallel_loop3A_301 : memref<64x128xf32, #tpu.memory_space<vmem>>[vector<16xi32>, vector<16xi32>], vector<16xf32>,
        %parallel_loop3A_307 = arith.constant 0 : i32
        %parallel_loop3A_308 = arith.index_cast %parallel_loop3A_307 : i32 to index
        %parallel_loop3A_309 = arith.index_cast %parallel_loop3A_292 : i32 to index
        %parallel_loop3A_310 = arith.constant 16 : index
        %parallel_loop3A_311 = tpu.vector_load %arg6[%parallel_loop3A_308, %parallel_loop3A_309, %parallel_loop3A_310] {strides = array<i32>} : memref<2x128x128xf32, #tpu.memory_space<vmem>>, vector<16xf32>,
        %parallel_loop3A_312 = arith.constant 0 : i32
        %parallel_loop3A_313 = arith.constant 0 : i32
        %parallel_loop3A_314 = arith.constant 0 : i32
        %parallel_loop3A_315 = tpu.memref_slice %arg7[%parallel_loop3A_312, %parallel_loop3A_313, %parallel_loop3A_314] : memref<2x64x128xf32, #tpu.memory_space<vmem>> -> memref<1x64x128xf32, #tpu.memory_space<vmem>>
        %parallel_loop3A_316 = tpu.memref_squeeze %parallel_loop3A_315 : memref<1x64x128xf32, #tpu.memory_space<vmem>> -> memref<64x128xf32, #tpu.memory_space<vmem>>
        tpu.vector_store_idx %parallel_loop3A_316[%add3A_8, %parallel_loop3A_296], %parallel_loop3A_311 : memref<64x128xf32, #tpu.memory_space<vmem>>[vector<16xi32>, vector<16xi32>], vector<16xf32>,
        %parallel_loop3A_317 = arith.constant 0 : i32
        %parallel_loop3A_318 = arith.index_cast %parallel_loop3A_317 : i32 to index
        %parallel_loop3A_319 = arith.index_cast %parallel_loop3A_292 : i32 to index
        %parallel_loop3A_320 = arith.constant 32 : index
        %parallel_loop3A_321 = tpu.vector_load %arg6[%parallel_loop3A_318, %parallel_loop3A_319, %parallel_loop3A_320] {strides = array<i32>} : memref<2x128x128xf32, #tpu.memory_space<vmem>>, vector<16xf32>,
        %parallel_loop3A_322 = arith.constant 0 : i32
        %parallel_loop3A_323 = arith.constant 0 : i32
        %parallel_loop3A_324 = arith.constant 0 : i32
        %parallel_loop3A_325 = tpu.memref_slice %arg7[%parallel_loop3A_322, %parallel_loop3A_323, %parallel_loop3A_324] : memref<2x64x128xf32, #tpu.memory_space<vmem>> -> memref<1x64x128xf32, #tpu.memory_space<vmem>>
        %parallel_loop3A_326 = tpu.memref_squeeze %parallel_loop3A_325 : memref<1x64x128xf32, #tpu.memory_space<vmem>> -> memref<64x128xf32, #tpu.memory_space<vmem>>
        tpu.vector_store_idx %parallel_loop3A_326[%add3A_11, %parallel_loop3A_296], %parallel_loop3A_321 : memref<64x128xf32, #tpu.memory_space<vmem>>[vector<16xi32>, vector<16xi32>], vector<16xf32>,
        %parallel_loop3A_327 = arith.constant 0 : i32
        %parallel_loop3A_328 = arith.index_cast %parallel_loop3A_327 : i32 to index
        %parallel_loop3A_329 = arith.index_cast %parallel_loop3A_292 : i32 to index
        %parallel_loop3A_330 = arith.constant 48 : index
        %parallel_loop3A_331 = tpu.vector_load %arg6[%parallel_loop3A_328, %parallel_loop3A_329, %parallel_loop3A_330] {strides = array<i32>} : memref<2x128x128xf32, #tpu.memory_space<vmem>>, vector<16xf32>,
        %parallel_loop3A_332 = arith.constant 0 : i32
        %parallel_loop3A_333 = arith.constant 0 : i32
        %parallel_loop3A_334 = arith.constant 0 : i32
        %parallel_loop3A_335 = tpu.memref_slice %arg7[%parallel_loop3A_332, %parallel_loop3A_333, %parallel_loop3A_334] : memref<2x64x128xf32, #tpu.memory_space<vmem>> -> memref<1x64x128xf32, #tpu.memory_space<vmem>>
        %parallel_loop3A_336 = tpu.memref_squeeze %parallel_loop3A_335 : memref<1x64x128xf32, #tpu.memory_space<vmem>> -> memref<64x128xf32, #tpu.memory_space<vmem>>
        tpu.vector_store_idx %parallel_loop3A_336[%add3A_14, %parallel_loop3A_296], %parallel_loop3A_331 : memref<64x128xf32, #tpu.memory_space<vmem>>[vector<16xi32>, vector<16xi32>], vector<16xf32>,
      } {sc.loop_unroll_factor = 16 : i64, sc.parallel_access}
      %add3A_108 = arith.constant 0 : i32
      %add3A_109 = arith.addi %mul3A_2, %add3A_108 : i32
      %dma_start3A_110 = arith.constant 0 : i32
      %dma_start3A_111 = arith.constant 0 : i32
      %dma_start3A_112 = arith.constant 0 : i32
      %dma_start3A_113 = tpu.memref_slice %arg7[%dma_start3A_110, %dma_start3A_111, %dma_start3A_112] : memref<2x64x128xf32, #tpu.memory_space<vmem>> -> memref<1x64x128xf32, #tpu.memory_space<vmem>>
      %dma_start3A_114 = tpu.memref_squeeze %dma_start3A_113 : memref<1x64x128xf32, #tpu.memory_space<vmem>> -> memref<64x128xf32, #tpu.memory_space<vmem>>
      %dma_start3A_115 = arith.constant 0 : i32
      %dma_start3A_116 = tpu.memref_slice %arg4[%scan3A_78, %dma_start3A_115, %add3A_109] : memref<50x64x16384xf32, #tpu.memory_space<hbm>> -> memref<1x64x128xf32, #tpu.memory_space<hbm>>
      %dma_start3A_117 = tpu.memref_squeeze %dma_start3A_116 : memref<1x64x128xf32, #tpu.memory_space<hbm>> -> memref<64x128xf32, #tpu.memory_space<hbm>>
      %dma_start3A_118 = arith.constant 0 : i32
      %dma_start3A_119 = tpu.memref_slice %arg4[%scan3A_78, %dma_start3A_118, %add3A_109] : memref<50x64x16384xf32, #tpu.memory_space<hbm>> -> memref<1x64x128xf32, #tpu.memory_space<hbm>>
      %dma_start3A_120 = tpu.memref_squeeze %dma_start3A_119 : memref<1x64x128xf32, #tpu.memory_space<hbm>> -> memref<64x128xf32, #tpu.memory_space<hbm>>
      %dma_start3A_121 = arith.constant 0 : i32
      %dma_start3A_122 = arith.constant 0 : i32
      %dma_start3A_123 = tpu.memref_slice %arg7[%dma_start3A_110, %dma_start3A_121, %dma_start3A_122] : memref<2x64x128xf32, #tpu.memory_space<vmem>> -> memref<1x64x128xf32, #tpu.memory_space<vmem>>
      %dma_start3A_124 = tpu.memref_squeeze %dma_start3A_123 : memref<1x64x128xf32, #tpu.memory_space<vmem>> -> memref<64x128xf32, #tpu.memory_space<vmem>>
      tpu.enqueue_dma source(%dma_start3A_124 : memref<64x128xf32, #tpu.memory_space<vmem>>) target(%dma_start3A_120 : memref<64x128xf32, #tpu.memory_space<hbm>>) target_semaphore(%arg10 : memref<!tpu.dma_semaphore, #tpu.memory_space<semaphore_mem>>)
      %dma_wait3A_125 = arith.constant 1 : i32
      %dma_wait3A_126 = arith.constant 1 : i32
      %dma_wait3A_127 = arith.constant 0 : i32
      %dma_wait3A_128 = arith.constant 0 : i32
      %dma_wait3A_129 = tpu.memref_slice %arg6[%dma_wait3A_126, %dma_wait3A_127, %dma_wait3A_128] : memref<2x128x128xf32, #tpu.memory_space<vmem>> -> memref<1x128x128xf32, #tpu.memory_space<vmem>>
      %dma_wait3A_130 = tpu.memref_squeeze %dma_wait3A_129 : memref<1x128x128xf32, #tpu.memory_space<vmem>> -> memref<128x128xf32, #tpu.memory_space<vmem>>
      %dma_wait3A_131 = arith.constant 0 : i32
      %dma_wait3A_132 = tpu.memref_slice %arg5[%dma_wait3A_125, %scan3A_78, %dma_wait3A_131] : memref<4x50x128xi32, #tpu.memory_space<vmem>> -> memref<1x1x128xi32, #tpu.memory_space<vmem>>
      %dma_wait3A_133 = tpu.memref_squeeze %dma_wait3A_132 : memref<1x1x128xi32, #tpu.memory_space<vmem>> -> memref<128xi32, #tpu.memory_space<vmem>>
      %dma_wait3A_134 = arith.constant 0 : i32
      %dma_wait3A_135 = arith.constant 0 : i32
      %dma_wait3A_136 = tpu.memref_slice %arg2[%dma_wait3A_134, %dma_wait3A_135] : memref<1000000x128xf32, #tpu.memory_space<hbm>> -> memref<1000000x128xf32, #tpu.memory_space<hbm>>
      tpu.wait_indirect_dma semaphore(%arg9 : memref<!tpu.dma_semaphore, #tpu.memory_space<semaphore_mem>>) src(%dma_wait3A_136 : memref<1000000x128xf32, #tpu.memory_space<hbm>>) dst(%dma_wait3A_130 : memref<128x128xf32, #tpu.memory_space<vmem>>)
      %dma_start3A_137 = arith.constant 2 : i32
      %dma_start3A_138 = arith.constant 0 : i32
      %dma_start3A_139 = arith.constant 0 : i32
      %dma_start3A_140 = arith.constant 0 : i32
      %dma_start3A_141 = tpu.memref_slice %arg6[%dma_start3A_138, %dma_start3A_139, %dma_start3A_140] : memref<2x128x128xf32, #tpu.memory_space<vmem>> -> memref<1x128x128xf32, #tpu.memory_space<vmem>>
      %dma_start3A_142 = tpu.memref_squeeze %dma_start3A_141 : memref<1x128x128xf32, #tpu.memory_space<vmem>> -> memref<128x128xf32, #tpu.memory_space<vmem>>
      %dma_start3A_143 = arith.constant 0 : i32
      %dma_start3A_144 = tpu.memref_slice %arg5[%dma_start3A_137, %scan3A_78, %dma_start3A_143] : memref<4x50x128xi32, #tpu.memory_space<vmem>> -> memref<1x1x128xi32, #tpu.memory_space<vmem>>
      %dma_start3A_145 = tpu.memref_squeeze %dma_start3A_144 : memref<1x1x128xi32, #tpu.memory_space<vmem>> -> memref<128xi32, #tpu.memory_space<vmem>>
      %dma_start3A_146 = arith.constant 0 : i32
      %dma_start3A_147 = arith.constant 0 : i32
      %dma_start3A_148 = tpu.memref_slice %arg2[%dma_start3A_146, %dma_start3A_147] : memref<1000000x128xf32, #tpu.memory_space<hbm>> -> memref<1000000x128xf32, #tpu.memory_space<hbm>>
      tpu.enqueue_indirect_dma source(%dma_start3A_148 : memref<1000000x128xf32, #tpu.memory_space<hbm>>) target(%dma_start3A_142 : memref<128x128xf32, #tpu.memory_space<vmem>>) offsets(%dma_start3A_145 : memref<128xi32, #tpu.memory_space<vmem>>) semaphore(%arg8 : memref<!tpu.dma_semaphore, #tpu.memory_space<semaphore_mem>>)
      %sub3A_149 = arith.constant 1 : i32
      %sub3A_150 = arith.subi %scan3A_78, %sub3A_149 : i32
      %gt3A_151 = arith.constant 0 : i32
      %gt3A_152 = arith.cmpi sgt, %scan3A_78, %gt3A_151 : i32
      %convert_element_type3A_153 = arith.extui %gt3A_152 : i1 to i32
      %cond3A_154 = arith.constant 0 : i32
      %cond3A_155 = arith.cmpi ne, %convert_element_type3A_153, %cond3A_154 : i32
      scf.if %cond3A_155 {
        %add3A_292 = arith.constant 384 : i32
        %add3A_293 = arith.addi %mul3A_2, %add3A_292 : i32
        %dma_wait3A_294 = arith.constant 1 : i32
        %dma_wait3A_295 = arith.constant 0 : i32
        %dma_wait3A_296 = arith.constant 0 : i32
        %dma_wait3A_297 = tpu.memref_slice %arg7[%dma_wait3A_294, %dma_wait3A_295, %dma_wait3A_296] : memref<2x64x128xf32, #tpu.memory_space<vmem>> -> memref<1x64x128xf32, #tpu.memory_space<vmem>>
        %dma_wait3A_298 = tpu.memref_squeeze %dma_wait3A_297 : memref<1x64x128xf32, #tpu.memory_space<vmem>> -> memref<64x128xf32, #tpu.memory_space<vmem>>
        %dma_wait3A_299 = arith.constant 0 : i32
        %dma_wait3A_300 = tpu.memref_slice %arg4[%sub3A_150, %dma_wait3A_299, %add3A_293] : memref<50x64x16384xf32, #tpu.memory_space<hbm>> -> memref<1x64x128xf32, #tpu.memory_space<hbm>>
        %dma_wait3A_301 = tpu.memref_squeeze %dma_wait3A_300 : memref<1x64x128xf32, #tpu.memory_space<hbm>> -> memref<64x128xf32, #tpu.memory_space<hbm>>
        %dma_wait3A_302 = arith.constant 0 : i32
        %dma_wait3A_303 = tpu.memref_slice %arg4[%sub3A_150, %dma_wait3A_302, %add3A_293] : memref<50x64x16384xf32, #tpu.memory_space<hbm>> -> memref<1x64x128xf32, #tpu.memory_space<hbm>>
        %dma_wait3A_304 = tpu.memref_squeeze %dma_wait3A_303 : memref<1x64x128xf32, #tpu.memory_space<hbm>> -> memref<64x128xf32, #tpu.memory_space<hbm>>
        %dma_wait3A_305 = arith.constant 0 : i32
        %dma_wait3A_306 = arith.constant 0 : i32
        %dma_wait3A_307 = tpu.memref_slice %arg7[%dma_wait3A_294, %dma_wait3A_305, %dma_wait3A_306] : memref<2x64x128xf32, #tpu.memory_space<vmem>> -> memref<1x64x128xf32, #tpu.memory_space<vmem>>
        %dma_wait3A_308 = tpu.memref_squeeze %dma_wait3A_307 : memref<1x64x128xf32, #tpu.memory_space<vmem>> -> memref<64x128xf32, #tpu.memory_space<vmem>>
        tpu.wait_dma2 semaphore(%arg11 : memref<!tpu.dma_semaphore, #tpu.memory_space<semaphore_mem>>) src(%dma_wait3A_308 : memref<64x128xf32, #tpu.memory_space<vmem>>) dst(%dma_wait3A_304 : memref<64x128xf32, #tpu.memory_space<hbm>>)
      } else {
      }
      %parallel_loop3A_156 = arith.constant 0 : i32
      %parallel_loop3A_157 = arith.constant 128 : i32
      %parallel_loop3A_158 = arith.constant 1 : i32
      scf.for %parallel_loop3A_292 = %parallel_loop3A_156 to %parallel_loop3A_157 step %parallel_loop3A_158  : i32 {
        %parallel_loop3A_293 = arith.constant 0 : i32
        %parallel_loop3A_294 = vector.broadcast %parallel_loop3A_293 : i32 to vector<16xi32>
        %parallel_loop3A_295 = vector.broadcast %parallel_loop3A_292 : i32 to vector<16xi32>
        %parallel_loop3A_296 = arith.addi %parallel_loop3A_294, %parallel_loop3A_295 : vector<16xi32>
        %parallel_loop3A_297 = arith.constant 1 : i32
        %parallel_loop3A_298 = arith.index_cast %parallel_loop3A_297 : i32 to index
        %parallel_loop3A_299 = arith.index_cast %parallel_loop3A_292 : i32 to index
        %parallel_loop3A_300 = arith.constant 0 : index
        %parallel_loop3A_301 = tpu.vector_load %arg6[%parallel_loop3A_298, %parallel_loop3A_299, %parallel_loop3A_300] {strides = array<i32>} : memref<2x128x128xf32, #tpu.memory_space<vmem>>, vector<16xf32>,
        %parallel_loop3A_302 = arith.constant 1 : i32
        %parallel_loop3A_303 = arith.constant 0 : i32
        %parallel_loop3A_304 = arith.constant 0 : i32
        %parallel_loop3A_305 = tpu.memref_slice %arg7[%parallel_loop3A_302, %parallel_loop3A_303, %parallel_loop3A_304] : memref<2x64x128xf32, #tpu.memory_space<vmem>> -> memref<1x64x128xf32, #tpu.memory_space<vmem>>
        %parallel_loop3A_306 = tpu.memref_squeeze %parallel_loop3A_305 : memref<1x64x128xf32, #tpu.memory_space<vmem>> -> memref<64x128xf32, #tpu.memory_space<vmem>>
        tpu.vector_store_idx %parallel_loop3A_306[%add3A_5, %parallel_loop3A_296], %parallel_loop3A_301 : memref<64x128xf32, #tpu.memory_space<vmem>>[vector<16xi32>, vector<16xi32>], vector<16xf32>,
        %parallel_loop3A_307 = arith.constant 1 : i32
        %parallel_loop3A_308 = arith.index_cast %parallel_loop3A_307 : i32 to index
        %parallel_loop3A_309 = arith.index_cast %parallel_loop3A_292 : i32 to index
        %parallel_loop3A_310 = arith.constant 16 : index
        %parallel_loop3A_311 = tpu.vector_load %arg6[%parallel_loop3A_308, %parallel_loop3A_309, %parallel_loop3A_310] {strides = array<i32>} : memref<2x128x128xf32, #tpu.memory_space<vmem>>, vector<16xf32>,
        %parallel_loop3A_312 = arith.constant 1 : i32
        %parallel_loop3A_313 = arith.constant 0 : i32
        %parallel_loop3A_314 = arith.constant 0 : i32
        %parallel_loop3A_315 = tpu.memref_slice %arg7[%parallel_loop3A_312, %parallel_loop3A_313, %parallel_loop3A_314] : memref<2x64x128xf32, #tpu.memory_space<vmem>> -> memref<1x64x128xf32, #tpu.memory_space<vmem>>
        %parallel_loop3A_316 = tpu.memref_squeeze %parallel_loop3A_315 : memref<1x64x128xf32, #tpu.memory_space<vmem>> -> memref<64x128xf32, #tpu.memory_space<vmem>>
        tpu.vector_store_idx %parallel_loop3A_316[%add3A_8, %parallel_loop3A_296], %parallel_loop3A_311 : memref<64x128xf32, #tpu.memory_space<vmem>>[vector<16xi32>, vector<16xi32>], vector<16xf32>,
        %parallel_loop3A_317 = arith.constant 1 : i32
        %parallel_loop3A_318 = arith.index_cast %parallel_loop3A_317 : i32 to index
        %parallel_loop3A_319 = arith.index_cast %parallel_loop3A_292 : i32 to index
        %parallel_loop3A_320 = arith.constant 32 : index
        %parallel_loop3A_321 = tpu.vector_load %arg6[%parallel_loop3A_318, %parallel_loop3A_319, %parallel_loop3A_320] {strides = array<i32>} : memref<2x128x128xf32, #tpu.memory_space<vmem>>, vector<16xf32>,
        %parallel_loop3A_322 = arith.constant 1 : i32
        %parallel_loop3A_323 = arith.constant 0 : i32
        %parallel_loop3A_324 = arith.constant 0 : i32
        %parallel_loop3A_325 = tpu.memref_slice %arg7[%parallel_loop3A_322, %parallel_loop3A_323, %parallel_loop3A_324] : memref<2x64x128xf32, #tpu.memory_space<vmem>> -> memref<1x64x128xf32, #tpu.memory_space<vmem>>
        %parallel_loop3A_326 = tpu.memref_squeeze %parallel_loop3A_325 : memref<1x64x128xf32, #tpu.memory_space<vmem>> -> memref<64x128xf32, #tpu.memory_space<vmem>>
        tpu.vector_store_idx %parallel_loop3A_326[%add3A_11, %parallel_loop3A_296], %parallel_loop3A_321 : memref<64x128xf32, #tpu.memory_space<vmem>>[vector<16xi32>, vector<16xi32>], vector<16xf32>,
        %parallel_loop3A_327 = arith.constant 1 : i32
        %parallel_loop3A_328 = arith.index_cast %parallel_loop3A_327 : i32 to index
        %parallel_loop3A_329 = arith.index_cast %parallel_loop3A_292 : i32 to index
        %parallel_loop3A_330 = arith.constant 48 : index
        %parallel_loop3A_331 = tpu.vector_load %arg6[%parallel_loop3A_328, %parallel_loop3A_329, %parallel_loop3A_330] {strides = array<i32>} : memref<2x128x128xf32, #tpu.memory_space<vmem>>, vector<16xf32>,
        %parallel_loop3A_332 = arith.constant 1 : i32
        %parallel_loop3A_333 = arith.constant 0 : i32
        %parallel_loop3A_334 = arith.constant 0 : i32
        %parallel_loop3A_335 = tpu.memref_slice %arg7[%parallel_loop3A_332, %parallel_loop3A_333, %parallel_loop3A_334] : memref<2x64x128xf32, #tpu.memory_space<vmem>> -> memref<1x64x128xf32, #tpu.memory_space<vmem>>
        %parallel_loop3A_336 = tpu.memref_squeeze %parallel_loop3A_335 : memref<1x64x128xf32, #tpu.memory_space<vmem>> -> memref<64x128xf32, #tpu.memory_space<vmem>>
        tpu.vector_store_idx %parallel_loop3A_336[%add3A_14, %parallel_loop3A_296], %parallel_loop3A_331 : memref<64x128xf32, #tpu.memory_space<vmem>>[vector<16xi32>, vector<16xi32>], vector<16xf32>,
      } {sc.loop_unroll_factor = 16 : i64, sc.parallel_access}
      %add3A_159 = arith.constant 128 : i32
      %add3A_160 = arith.addi %mul3A_2, %add3A_159 : i32
      %dma_start3A_161 = arith.constant 1 : i32
      %dma_start3A_162 = arith.constant 0 : i32
      %dma_start3A_163 = arith.constant 0 : i32
      %dma_start3A_164 = tpu.memref_slice %arg7[%dma_start3A_161, %dma_start3A_162, %dma_start3A_163] : memref<2x64x128xf32, #tpu.memory_space<vmem>> -> memref<1x64x128xf32, #tpu.memory_space<vmem>>
      %dma_start3A_165 = tpu.memref_squeeze %dma_start3A_164 : memref<1x64x128xf32, #tpu.memory_space<vmem>> -> memref<64x128xf32, #tpu.memory_space<vmem>>
      %dma_start3A_166 = arith.constant 0 : i32
      %dma_start3A_167 = tpu.memref_slice %arg4[%scan3A_78, %dma_start3A_166, %add3A_160] : memref<50x64x16384xf32, #tpu.memory_space<hbm>> -> memref<1x64x128xf32, #tpu.memory_space<hbm>>
      %dma_start3A_168 = tpu.memref_squeeze %dma_start3A_167 : memref<1x64x128xf32, #tpu.memory_space<hbm>> -> memref<64x128xf32, #tpu.memory_space<hbm>>
      %dma_start3A_169 = arith.constant 0 : i32
      %dma_start3A_170 = tpu.memref_slice %arg4[%scan3A_78, %dma_start3A_169, %add3A_160] : memref<50x64x16384xf32, #tpu.memory_space<hbm>> -> memref<1x64x128xf32, #tpu.memory_space<hbm>>
      %dma_start3A_171 = tpu.memref_squeeze %dma_start3A_170 : memref<1x64x128xf32, #tpu.memory_space<hbm>> -> memref<64x128xf32, #tpu.memory_space<hbm>>
      %dma_start3A_172 = arith.constant 0 : i32
      %dma_start3A_173 = arith.constant 0 : i32
      %dma_start3A_174 = tpu.memref_slice %arg7[%dma_start3A_161, %dma_start3A_172, %dma_start3A_173] : memref<2x64x128xf32, #tpu.memory_space<vmem>> -> memref<1x64x128xf32, #tpu.memory_space<vmem>>
      %dma_start3A_175 = tpu.memref_squeeze %dma_start3A_174 : memref<1x64x128xf32, #tpu.memory_space<vmem>> -> memref<64x128xf32, #tpu.memory_space<vmem>>
      tpu.enqueue_dma source(%dma_start3A_175 : memref<64x128xf32, #tpu.memory_space<vmem>>) target(%dma_start3A_171 : memref<64x128xf32, #tpu.memory_space<hbm>>) target_semaphore(%arg11 : memref<!tpu.dma_semaphore, #tpu.memory_space<semaphore_mem>>)
      %dma_wait3A_176 = arith.constant 2 : i32
      %dma_wait3A_177 = arith.constant 0 : i32
      %dma_wait3A_178 = arith.constant 0 : i32
      %dma_wait3A_179 = arith.constant 0 : i32
      %dma_wait3A_180 = tpu.memref_slice %arg6[%dma_wait3A_177, %dma_wait3A_178, %dma_wait3A_179] : memref<2x128x128xf32, #tpu.memory_space<vmem>> -> memref<1x128x128xf32, #tpu.memory_space<vmem>>
      %dma_wait3A_181 = tpu.memref_squeeze %dma_wait3A_180 : memref<1x128x128xf32, #tpu.memory_space<vmem>> -> memref<128x128xf32, #tpu.memory_space<vmem>>
      %dma_wait3A_182 = arith.constant 0 : i32
      %dma_wait3A_183 = tpu.memref_slice %arg5[%dma_wait3A_176, %scan3A_78, %dma_wait3A_182] : memref<4x50x128xi32, #tpu.memory_space<vmem>> -> memref<1x1x128xi32, #tpu.memory_space<vmem>>
      %dma_wait3A_184 = tpu.memref_squeeze %dma_wait3A_183 : memref<1x1x128xi32, #tpu.memory_space<vmem>> -> memref<128xi32, #tpu.memory_space<vmem>>
      %dma_wait3A_185 = arith.constant 0 : i32
      %dma_wait3A_186 = arith.constant 0 : i32
      %dma_wait3A_187 = tpu.memref_slice %arg2[%dma_wait3A_185, %dma_wait3A_186] : memref<1000000x128xf32, #tpu.memory_space<hbm>> -> memref<1000000x128xf32, #tpu.memory_space<hbm>>
      tpu.wait_indirect_dma semaphore(%arg8 : memref<!tpu.dma_semaphore, #tpu.memory_space<semaphore_mem>>) src(%dma_wait3A_187 : memref<1000000x128xf32, #tpu.memory_space<hbm>>) dst(%dma_wait3A_181 : memref<128x128xf32, #tpu.memory_space<vmem>>)
      %dma_start3A_188 = arith.constant 3 : i32
      %dma_start3A_189 = arith.constant 1 : i32
      %dma_start3A_190 = arith.constant 0 : i32
      %dma_start3A_191 = arith.constant 0 : i32
      %dma_start3A_192 = tpu.memref_slice %arg6[%dma_start3A_189, %dma_start3A_190, %dma_start3A_191] : memref<2x128x128xf32, #tpu.memory_space<vmem>> -> memref<1x128x128xf32, #tpu.memory_space<vmem>>
      %dma_start3A_193 = tpu.memref_squeeze %dma_start3A_192 : memref<1x128x128xf32, #tpu.memory_space<vmem>> -> memref<128x128xf32, #tpu.memory_space<vmem>>
      %dma_start3A_194 = arith.constant 0 : i32
      %dma_start3A_195 = tpu.memref_slice %arg5[%dma_start3A_188, %scan3A_78, %dma_start3A_194] : memref<4x50x128xi32, #tpu.memory_space<vmem>> -> memref<1x1x128xi32, #tpu.memory_space<vmem>>
      %dma_start3A_196 = tpu.memref_squeeze %dma_start3A_195 : memref<1x1x128xi32, #tpu.memory_space<vmem>> -> memref<128xi32, #tpu.memory_space<vmem>>
      %dma_start3A_197 = arith.constant 0 : i32
      %dma_start3A_198 = arith.constant 0 : i32
      %dma_start3A_199 = tpu.memref_slice %arg2[%dma_start3A_197, %dma_start3A_198] : memref<1000000x128xf32, #tpu.memory_space<hbm>> -> memref<1000000x128xf32, #tpu.memory_space<hbm>>
      tpu.enqueue_indirect_dma source(%dma_start3A_199 : memref<1000000x128xf32, #tpu.memory_space<hbm>>) target(%dma_start3A_193 : memref<128x128xf32, #tpu.memory_space<vmem>>) offsets(%dma_start3A_196 : memref<128xi32, #tpu.memory_space<vmem>>) semaphore(%arg9 : memref<!tpu.dma_semaphore, #tpu.memory_space<semaphore_mem>>)
      %add3A_200 = arith.constant 0 : i32
      %add3A_201 = arith.addi %mul3A_2, %add3A_200 : i32
      %dma_wait3A_202 = arith.constant 0 : i32
      %dma_wait3A_203 = arith.constant 0 : i32
      %dma_wait3A_204 = arith.constant 0 : i32
      %dma_wait3A_205 = tpu.memref_slice %arg7[%dma_wait3A_202, %dma_wait3A_203, %dma_wait3A_204] : memref<2x64x128xf32, #tpu.memory_space<vmem>> -> memref<1x64x128xf32, #tpu.memory_space<vmem>>
      %dma_wait3A_206 = tpu.memref_squeeze %dma_wait3A_205 : memref<1x64x128xf32, #tpu.memory_space<vmem>> -> memref<64x128xf32, #tpu.memory_space<vmem>>
      %dma_wait3A_207 = arith.constant 0 : i32
      %dma_wait3A_208 = tpu.memref_slice %arg4[%scan3A_78, %dma_wait3A_207, %add3A_201] : memref<50x64x16384xf32, #tpu.memory_space<hbm>> -> memref<1x64x128xf32, #tpu.memory_space<hbm>>
      %dma_wait3A_209 = tpu.memref_squeeze %dma_wait3A_208 : memref<1x64x128xf32, #tpu.memory_space<hbm>> -> memref<64x128xf32, #tpu.memory_space<hbm>>
      %dma_wait3A_210 = arith.constant 0 : i32
      %dma_wait3A_211 = tpu.memref_slice %arg4[%scan3A_78, %dma_wait3A_210, %add3A_201] : memref<50x64x16384xf32, #tpu.memory_space<hbm>> -> memref<1x64x128xf32, #tpu.memory_space<hbm>>
      %dma_wait3A_212 = tpu.memref_squeeze %dma_wait3A_211 : memref<1x64x128xf32, #tpu.memory_space<hbm>> -> memref<64x128xf32, #tpu.memory_space<hbm>>
      %dma_wait3A_213 = arith.constant 0 : i32
      %dma_wait3A_214 = arith.constant 0 : i32
      %dma_wait3A_215 = tpu.memref_slice %arg7[%dma_wait3A_202, %dma_wait3A_213, %dma_wait3A_214] : memref<2x64x128xf32, #tpu.memory_space<vmem>> -> memref<1x64x128xf32, #tpu.memory_space<vmem>>
      %dma_wait3A_216 = tpu.memref_squeeze %dma_wait3A_215 : memref<1x64x128xf32, #tpu.memory_space<vmem>> -> memref<64x128xf32, #tpu.memory_space<vmem>>
      tpu.wait_dma2 semaphore(%arg10 : memref<!tpu.dma_semaphore, #tpu.memory_space<semaphore_mem>>) src(%dma_wait3A_216 : memref<64x128xf32, #tpu.memory_space<vmem>>) dst(%dma_wait3A_212 : memref<64x128xf32, #tpu.memory_space<hbm>>)
      %parallel_loop3A_217 = arith.constant 0 : i32
      %parallel_loop3A_218 = arith.constant 128 : i32
      %parallel_loop3A_219 = arith.constant 1 : i32
      scf.for %parallel_loop3A_292 = %parallel_loop3A_217 to %parallel_loop3A_218 step %parallel_loop3A_219  : i32 {
        %parallel_loop3A_293 = arith.constant 0 : i32
        %parallel_loop3A_294 = vector.broadcast %parallel_loop3A_293 : i32 to vector<16xi32>
        %parallel_loop3A_295 = vector.broadcast %parallel_loop3A_292 : i32 to vector<16xi32>
        %parallel_loop3A_296 = arith.addi %parallel_loop3A_294, %parallel_loop3A_295 : vector<16xi32>
        %parallel_loop3A_297 = arith.constant 0 : i32
        %parallel_loop3A_298 = arith.index_cast %parallel_loop3A_297 : i32 to index
        %parallel_loop3A_299 = arith.index_cast %parallel_loop3A_292 : i32 to index
        %parallel_loop3A_300 = arith.constant 0 : index
        %parallel_loop3A_301 = tpu.vector_load %arg6[%parallel_loop3A_298, %parallel_loop3A_299, %parallel_loop3A_300] {strides = array<i32>} : memref<2x128x128xf32, #tpu.memory_space<vmem>>, vector<16xf32>,
        %parallel_loop3A_302 = arith.constant 0 : i32
        %parallel_loop3A_303 = arith.constant 0 : i32
        %parallel_loop3A_304 = arith.constant 0 : i32
        %parallel_loop3A_305 = tpu.memref_slice %arg7[%parallel_loop3A_302, %parallel_loop3A_303, %parallel_loop3A_304] : memref<2x64x128xf32, #tpu.memory_space<vmem>> -> memref<1x64x128xf32, #tpu.memory_space<vmem>>
        %parallel_loop3A_306 = tpu.memref_squeeze %parallel_loop3A_305 : memref<1x64x128xf32, #tpu.memory_space<vmem>> -> memref<64x128xf32, #tpu.memory_space<vmem>>
        tpu.vector_store_idx %parallel_loop3A_306[%add3A_5, %parallel_loop3A_296], %parallel_loop3A_301 : memref<64x128xf32, #tpu.memory_space<vmem>>[vector<16xi32>, vector<16xi32>], vector<16xf32>,
        %parallel_loop3A_307 = arith.constant 0 : i32
        %parallel_loop3A_308 = arith.index_cast %parallel_loop3A_307 : i32 to index
        %parallel_loop3A_309 = arith.index_cast %parallel_loop3A_292 : i32 to index
        %parallel_loop3A_310 = arith.constant 16 : index
        %parallel_loop3A_311 = tpu.vector_load %arg6[%parallel_loop3A_308, %parallel_loop3A_309, %parallel_loop3A_310] {strides = array<i32>} : memref<2x128x128xf32, #tpu.memory_space<vmem>>, vector<16xf32>,
        %parallel_loop3A_312 = arith.constant 0 : i32
        %parallel_loop3A_313 = arith.constant 0 : i32
        %parallel_loop3A_314 = arith.constant 0 : i32
        %parallel_loop3A_315 = tpu.memref_slice %arg7[%parallel_loop3A_312, %parallel_loop3A_313, %parallel_loop3A_314] : memref<2x64x128xf32, #tpu.memory_space<vmem>> -> memref<1x64x128xf32, #tpu.memory_space<vmem>>
        %parallel_loop3A_316 = tpu.memref_squeeze %parallel_loop3A_315 : memref<1x64x128xf32, #tpu.memory_space<vmem>> -> memref<64x128xf32, #tpu.memory_space<vmem>>
        tpu.vector_store_idx %parallel_loop3A_316[%add3A_8, %parallel_loop3A_296], %parallel_loop3A_311 : memref<64x128xf32, #tpu.memory_space<vmem>>[vector<16xi32>, vector<16xi32>], vector<16xf32>,
        %parallel_loop3A_317 = arith.constant 0 : i32
        %parallel_loop3A_318 = arith.index_cast %parallel_loop3A_317 : i32 to index
        %parallel_loop3A_319 = arith.index_cast %parallel_loop3A_292 : i32 to index
        %parallel_loop3A_320 = arith.constant 32 : index
        %parallel_loop3A_321 = tpu.vector_load %arg6[%parallel_loop3A_318, %parallel_loop3A_319, %parallel_loop3A_320] {strides = array<i32>} : memref<2x128x128xf32, #tpu.memory_space<vmem>>, vector<16xf32>,
        %parallel_loop3A_322 = arith.constant 0 : i32
        %parallel_loop3A_323 = arith.constant 0 : i32
        %parallel_loop3A_324 = arith.constant 0 : i32
        %parallel_loop3A_325 = tpu.memref_slice %arg7[%parallel_loop3A_322, %parallel_loop3A_323, %parallel_loop3A_324] : memref<2x64x128xf32, #tpu.memory_space<vmem>> -> memref<1x64x128xf32, #tpu.memory_space<vmem>>
        %parallel_loop3A_326 = tpu.memref_squeeze %parallel_loop3A_325 : memref<1x64x128xf32, #tpu.memory_space<vmem>> -> memref<64x128xf32, #tpu.memory_space<vmem>>
        tpu.vector_store_idx %parallel_loop3A_326[%add3A_11, %parallel_loop3A_296], %parallel_loop3A_321 : memref<64x128xf32, #tpu.memory_space<vmem>>[vector<16xi32>, vector<16xi32>], vector<16xf32>,
        %parallel_loop3A_327 = arith.constant 0 : i32
        %parallel_loop3A_328 = arith.index_cast %parallel_loop3A_327 : i32 to index
        %parallel_loop3A_329 = arith.index_cast %parallel_loop3A_292 : i32 to index
        %parallel_loop3A_330 = arith.constant 48 : index
        %parallel_loop3A_331 = tpu.vector_load %arg6[%parallel_loop3A_328, %parallel_loop3A_329, %parallel_loop3A_330] {strides = array<i32>} : memref<2x128x128xf32, #tpu.memory_space<vmem>>, vector<16xf32>,
        %parallel_loop3A_332 = arith.constant 0 : i32
        %parallel_loop3A_333 = arith.constant 0 : i32
        %parallel_loop3A_334 = arith.constant 0 : i32
        %parallel_loop3A_335 = tpu.memref_slice %arg7[%parallel_loop3A_332, %parallel_loop3A_333, %parallel_loop3A_334] : memref<2x64x128xf32, #tpu.memory_space<vmem>> -> memref<1x64x128xf32, #tpu.memory_space<vmem>>
        %parallel_loop3A_336 = tpu.memref_squeeze %parallel_loop3A_335 : memref<1x64x128xf32, #tpu.memory_space<vmem>> -> memref<64x128xf32, #tpu.memory_space<vmem>>
        tpu.vector_store_idx %parallel_loop3A_336[%add3A_14, %parallel_loop3A_296], %parallel_loop3A_331 : memref<64x128xf32, #tpu.memory_space<vmem>>[vector<16xi32>, vector<16xi32>], vector<16xf32>,
      } {sc.loop_unroll_factor = 16 : i64, sc.parallel_access}
      %add3A_220 = arith.constant 256 : i32
      %add3A_221 = arith.addi %mul3A_2, %add3A_220 : i32
      %dma_start3A_222 = arith.constant 0 : i32
      %dma_start3A_223 = arith.constant 0 : i32
      %dma_start3A_224 = arith.constant 0 : i32
      %dma_start3A_225 = tpu.memref_slice %arg7[%dma_start3A_222, %dma_start3A_223, %dma_start3A_224] : memref<2x64x128xf32, #tpu.memory_space<vmem>> -> memref<1x64x128xf32, #tpu.memory_space<vmem>>
      %dma_start3A_226 = tpu.memref_squeeze %dma_start3A_225 : memref<1x64x128xf32, #tpu.memory_space<vmem>> -> memref<64x128xf32, #tpu.memory_space<vmem>>
      %dma_start3A_227 = arith.constant 0 : i32
      %dma_start3A_228 = tpu.memref_slice %arg4[%scan3A_78, %dma_start3A_227, %add3A_221] : memref<50x64x16384xf32, #tpu.memory_space<hbm>> -> memref<1x64x128xf32, #tpu.memory_space<hbm>>
      %dma_start3A_229 = tpu.memref_squeeze %dma_start3A_228 : memref<1x64x128xf32, #tpu.memory_space<hbm>> -> memref<64x128xf32, #tpu.memory_space<hbm>>
      %dma_start3A_230 = arith.constant 0 : i32
      %dma_start3A_231 = tpu.memref_slice %arg4[%scan3A_78, %dma_start3A_230, %add3A_221] : memref<50x64x16384xf32, #tpu.memory_space<hbm>> -> memref<1x64x128xf32, #tpu.memory_space<hbm>>
      %dma_start3A_232 = tpu.memref_squeeze %dma_start3A_231 : memref<1x64x128xf32, #tpu.memory_space<hbm>> -> memref<64x128xf32, #tpu.memory_space<hbm>>
      %dma_start3A_233 = arith.constant 0 : i32
      %dma_start3A_234 = arith.constant 0 : i32
      %dma_start3A_235 = tpu.memref_slice %arg7[%dma_start3A_222, %dma_start3A_233, %dma_start3A_234] : memref<2x64x128xf32, #tpu.memory_space<vmem>> -> memref<1x64x128xf32, #tpu.memory_space<vmem>>
      %dma_start3A_236 = tpu.memref_squeeze %dma_start3A_235 : memref<1x64x128xf32, #tpu.memory_space<vmem>> -> memref<64x128xf32, #tpu.memory_space<vmem>>
      tpu.enqueue_dma source(%dma_start3A_236 : memref<64x128xf32, #tpu.memory_space<vmem>>) target(%dma_start3A_232 : memref<64x128xf32, #tpu.memory_space<hbm>>) target_semaphore(%arg10 : memref<!tpu.dma_semaphore, #tpu.memory_space<semaphore_mem>>)
      %dma_wait3A_237 = arith.constant 3 : i32
      %dma_wait3A_238 = arith.constant 1 : i32
      %dma_wait3A_239 = arith.constant 0 : i32
      %dma_wait3A_240 = arith.constant 0 : i32
      %dma_wait3A_241 = tpu.memref_slice %arg6[%dma_wait3A_238, %dma_wait3A_239, %dma_wait3A_240] : memref<2x128x128xf32, #tpu.memory_space<vmem>> -> memref<1x128x128xf32, #tpu.memory_space<vmem>>
      %dma_wait3A_242 = tpu.memref_squeeze %dma_wait3A_241 : memref<1x128x128xf32, #tpu.memory_space<vmem>> -> memref<128x128xf32, #tpu.memory_space<vmem>>
      %dma_wait3A_243 = arith.constant 0 : i32
      %dma_wait3A_244 = tpu.memref_slice %arg5[%dma_wait3A_237, %scan3A_78, %dma_wait3A_243] : memref<4x50x128xi32, #tpu.memory_space<vmem>> -> memref<1x1x128xi32, #tpu.memory_space<vmem>>
      %dma_wait3A_245 = tpu.memref_squeeze %dma_wait3A_244 : memref<1x1x128xi32, #tpu.memory_space<vmem>> -> memref<128xi32, #tpu.memory_space<vmem>>
      %dma_wait3A_246 = arith.constant 0 : i32
      %dma_wait3A_247 = arith.constant 0 : i32
      %dma_wait3A_248 = tpu.memref_slice %arg2[%dma_wait3A_246, %dma_wait3A_247] : memref<1000000x128xf32, #tpu.memory_space<hbm>> -> memref<1000000x128xf32, #tpu.memory_space<hbm>>
      tpu.wait_indirect_dma semaphore(%arg9 : memref<!tpu.dma_semaphore, #tpu.memory_space<semaphore_mem>>) src(%dma_wait3A_248 : memref<1000000x128xf32, #tpu.memory_space<hbm>>) dst(%dma_wait3A_242 : memref<128x128xf32, #tpu.memory_space<vmem>>)
      %add3A_249 = arith.constant 1 : i32
      %add3A_250 = arith.addi %scan3A_78, %add3A_249 : i32
      %lt3A = arith.constant 50 : i32
      %lt3A_251 = arith.cmpi slt, %add3A_250, %lt3A : i32
      %convert_element_type3A_252 = arith.extui %lt3A_251 : i1 to i32
      %cond3A_253 = arith.constant 0 : i32
      %cond3A_254 = arith.cmpi ne, %convert_element_type3A_252, %cond3A_253 : i32
      scf.if %cond3A_254 {
        %add3A_292 = arith.constant 1 : i32
        %add3A_293 = arith.addi %scan3A_78, %add3A_292 : i32
        %dma_start3A_294 = arith.constant 0 : i32
        %dma_start3A_295 = arith.constant 0 : i32
        %dma_start3A_296 = arith.constant 0 : i32
        %dma_start3A_297 = arith.constant 0 : i32
        %dma_start3A_298 = tpu.memref_slice %arg6[%dma_start3A_295, %dma_start3A_296, %dma_start3A_297] : memref<2x128x128xf32, #tpu.memory_space<vmem>> -> memref<1x128x128xf32, #tpu.memory_space<vmem>>
        %dma_start3A_299 = tpu.memref_squeeze %dma_start3A_298 : memref<1x128x128xf32, #tpu.memory_space<vmem>> -> memref<128x128xf32, #tpu.memory_space<vmem>>
        %dma_start3A_300 = arith.constant 0 : i32
        %dma_start3A_301 = tpu.memref_slice %arg5[%dma_start3A_294, %add3A_293, %dma_start3A_300] : memref<4x50x128xi32, #tpu.memory_space<vmem>> -> memref<1x1x128xi32, #tpu.memory_space<vmem>>
        %dma_start3A_302 = tpu.memref_squeeze %dma_start3A_301 : memref<1x1x128xi32, #tpu.memory_space<vmem>> -> memref<128xi32, #tpu.memory_space<vmem>>
        %dma_start3A_303 = arith.constant 0 : i32
        %dma_start3A_304 = arith.constant 0 : i32
        %dma_start3A_305 = tpu.memref_slice %arg2[%dma_start3A_303, %dma_start3A_304] : memref<1000000x128xf32, #tpu.memory_space<hbm>> -> memref<1000000x128xf32, #tpu.memory_space<hbm>>
        tpu.enqueue_indirect_dma source(%dma_start3A_305 : memref<1000000x128xf32, #tpu.memory_space<hbm>>) target(%dma_start3A_299 : memref<128x128xf32, #tpu.memory_space<vmem>>) offsets(%dma_start3A_302 : memref<128xi32, #tpu.memory_space<vmem>>) semaphore(%arg8 : memref<!tpu.dma_semaphore, #tpu.memory_space<semaphore_mem>>)
      } else {
      }
      %add3A_255 = arith.constant 128 : i32
      %add3A_256 = arith.addi %mul3A_2, %add3A_255 : i32
      %dma_wait3A_257 = arith.constant 1 : i32
      %dma_wait3A_258 = arith.constant 0 : i32
      %dma_wait3A_259 = arith.constant 0 : i32
      %dma_wait3A_260 = tpu.memref_slice %arg7[%dma_wait3A_257, %dma_wait3A_258, %dma_wait3A_259] : memref<2x64x128xf32, #tpu.memory_space<vmem>> -> memref<1x64x128xf32, #tpu.memory_space<vmem>>
      %dma_wait3A_261 = tpu.memref_squeeze %dma_wait3A_260 : memref<1x64x128xf32, #tpu.memory_space<vmem>> -> memref<64x128xf32, #tpu.memory_space<vmem>>
      %dma_wait3A_262 = arith.constant 0 : i32
      %dma_wait3A_263 = tpu.memref_slice %arg4[%scan3A_78, %dma_wait3A_262, %add3A_256] : memref<50x64x16384xf32, #tpu.memory_space<hbm>> -> memref<1x64x128xf32, #tpu.memory_space<hbm>>
      %dma_wait3A_264 = tpu.memref_squeeze %dma_wait3A_263 : memref<1x64x128xf32, #tpu.memory_space<hbm>> -> memref<64x128xf32, #tpu.memory_space<hbm>>
      %dma_wait3A_265 = arith.constant 0 : i32
      %dma_wait3A_266 = tpu.memref_slice %arg4[%scan3A_78, %dma_wait3A_265, %add3A_256] : memref<50x64x16384xf32, #tpu.memory_space<hbm>> -> memref<1x64x128xf32, #tpu.memory_space<hbm>>
      %dma_wait3A_267 = tpu.memref_squeeze %dma_wait3A_266 : memref<1x64x128xf32, #tpu.memory_space<hbm>> -> memref<64x128xf32, #tpu.memory_space<hbm>>
      %dma_wait3A_268 = arith.constant 0 : i32
      %dma_wait3A_269 = arith.constant 0 : i32
      %dma_wait3A_270 = tpu.memref_slice %arg7[%dma_wait3A_257, %dma_wait3A_268, %dma_wait3A_269] : memref<2x64x128xf32, #tpu.memory_space<vmem>> -> memref<1x64x128xf32, #tpu.memory_space<vmem>>
      %dma_wait3A_271 = tpu.memref_squeeze %dma_wait3A_270 : memref<1x64x128xf32, #tpu.memory_space<vmem>> -> memref<64x128xf32, #tpu.memory_space<vmem>>
      tpu.wait_dma2 semaphore(%arg11 : memref<!tpu.dma_semaphore, #tpu.memory_space<semaphore_mem>>) src(%dma_wait3A_271 : memref<64x128xf32, #tpu.memory_space<vmem>>) dst(%dma_wait3A_267 : memref<64x128xf32, #tpu.memory_space<hbm>>)
      %parallel_loop3A_272 = arith.constant 0 : i32
      %parallel_loop3A_273 = arith.constant 128 : i32
      %parallel_loop3A_274 = arith.constant 1 : i32
      scf.for %parallel_loop3A_292 = %parallel_loop3A_272 to %parallel_loop3A_273 step %parallel_loop3A_274  : i32 {
        %parallel_loop3A_293 = arith.constant 0 : i32
        %parallel_loop3A_294 = vector.broadcast %parallel_loop3A_293 : i32 to vector<16xi32>
        %parallel_loop3A_295 = vector.broadcast %parallel_loop3A_292 : i32 to vector<16xi32>
        %parallel_loop3A_296 = arith.addi %parallel_loop3A_294, %parallel_loop3A_295 : vector<16xi32>
        %parallel_loop3A_297 = arith.constant 1 : i32
        %parallel_loop3A_298 = arith.index_cast %parallel_loop3A_297 : i32 to index
        %parallel_loop3A_299 = arith.index_cast %parallel_loop3A_292 : i32 to index
        %parallel_loop3A_300 = arith.constant 0 : index
        %parallel_loop3A_301 = tpu.vector_load %arg6[%parallel_loop3A_298, %parallel_loop3A_299, %parallel_loop3A_300] {strides = array<i32>} : memref<2x128x128xf32, #tpu.memory_space<vmem>>, vector<16xf32>,
        %parallel_loop3A_302 = arith.constant 1 : i32
        %parallel_loop3A_303 = arith.constant 0 : i32
        %parallel_loop3A_304 = arith.constant 0 : i32
        %parallel_loop3A_305 = tpu.memref_slice %arg7[%parallel_loop3A_302, %parallel_loop3A_303, %parallel_loop3A_304] : memref<2x64x128xf32, #tpu.memory_space<vmem>> -> memref<1x64x128xf32, #tpu.memory_space<vmem>>
        %parallel_loop3A_306 = tpu.memref_squeeze %parallel_loop3A_305 : memref<1x64x128xf32, #tpu.memory_space<vmem>> -> memref<64x128xf32, #tpu.memory_space<vmem>>
        tpu.vector_store_idx %parallel_loop3A_306[%add3A_5, %parallel_loop3A_296], %parallel_loop3A_301 : memref<64x128xf32, #tpu.memory_space<vmem>>[vector<16xi32>, vector<16xi32>], vector<16xf32>,
        %parallel_loop3A_307 = arith.constant 1 : i32
        %parallel_loop3A_308 = arith.index_cast %parallel_loop3A_307 : i32 to index
        %parallel_loop3A_309 = arith.index_cast %parallel_loop3A_292 : i32 to index
        %parallel_loop3A_310 = arith.constant 16 : index
        %parallel_loop3A_311 = tpu.vector_load %arg6[%parallel_loop3A_308, %parallel_loop3A_309, %parallel_loop3A_310] {strides = array<i32>} : memref<2x128x128xf32, #tpu.memory_space<vmem>>, vector<16xf32>,
        %parallel_loop3A_312 = arith.constant 1 : i32
        %parallel_loop3A_313 = arith.constant 0 : i32
        %parallel_loop3A_314 = arith.constant 0 : i32
        %parallel_loop3A_315 = tpu.memref_slice %arg7[%parallel_loop3A_312, %parallel_loop3A_313, %parallel_loop3A_314] : memref<2x64x128xf32, #tpu.memory_space<vmem>> -> memref<1x64x128xf32, #tpu.memory_space<vmem>>
        %parallel_loop3A_316 = tpu.memref_squeeze %parallel_loop3A_315 : memref<1x64x128xf32, #tpu.memory_space<vmem>> -> memref<64x128xf32, #tpu.memory_space<vmem>>
        tpu.vector_store_idx %parallel_loop3A_316[%add3A_8, %parallel_loop3A_296], %parallel_loop3A_311 : memref<64x128xf32, #tpu.memory_space<vmem>>[vector<16xi32>, vector<16xi32>], vector<16xf32>,
        %parallel_loop3A_317 = arith.constant 1 : i32
        %parallel_loop3A_318 = arith.index_cast %parallel_loop3A_317 : i32 to index
        %parallel_loop3A_319 = arith.index_cast %parallel_loop3A_292 : i32 to index
        %parallel_loop3A_320 = arith.constant 32 : index
        %parallel_loop3A_321 = tpu.vector_load %arg6[%parallel_loop3A_318, %parallel_loop3A_319, %parallel_loop3A_320] {strides = array<i32>} : memref<2x128x128xf32, #tpu.memory_space<vmem>>, vector<16xf32>,
        %parallel_loop3A_322 = arith.constant 1 : i32
        %parallel_loop3A_323 = arith.constant 0 : i32
        %parallel_loop3A_324 = arith.constant 0 : i32
        %parallel_loop3A_325 = tpu.memref_slice %arg7[%parallel_loop3A_322, %parallel_loop3A_323, %parallel_loop3A_324] : memref<2x64x128xf32, #tpu.memory_space<vmem>> -> memref<1x64x128xf32, #tpu.memory_space<vmem>>
        %parallel_loop3A_326 = tpu.memref_squeeze %parallel_loop3A_325 : memref<1x64x128xf32, #tpu.memory_space<vmem>> -> memref<64x128xf32, #tpu.memory_space<vmem>>
        tpu.vector_store_idx %parallel_loop3A_326[%add3A_11, %parallel_loop3A_296], %parallel_loop3A_321 : memref<64x128xf32, #tpu.memory_space<vmem>>[vector<16xi32>, vector<16xi32>], vector<16xf32>,
        %parallel_loop3A_327 = arith.constant 1 : i32
        %parallel_loop3A_328 = arith.index_cast %parallel_loop3A_327 : i32 to index
        %parallel_loop3A_329 = arith.index_cast %parallel_loop3A_292 : i32 to index
        %parallel_loop3A_330 = arith.constant 48 : index
        %parallel_loop3A_331 = tpu.vector_load %arg6[%parallel_loop3A_328, %parallel_loop3A_329, %parallel_loop3A_330] {strides = array<i32>} : memref<2x128x128xf32, #tpu.memory_space<vmem>>, vector<16xf32>,
        %parallel_loop3A_332 = arith.constant 1 : i32
        %parallel_loop3A_333 = arith.constant 0 : i32
        %parallel_loop3A_334 = arith.constant 0 : i32
        %parallel_loop3A_335 = tpu.memref_slice %arg7[%parallel_loop3A_332, %parallel_loop3A_333, %parallel_loop3A_334] : memref<2x64x128xf32, #tpu.memory_space<vmem>> -> memref<1x64x128xf32, #tpu.memory_space<vmem>>
        %parallel_loop3A_336 = tpu.memref_squeeze %parallel_loop3A_335 : memref<1x64x128xf32, #tpu.memory_space<vmem>> -> memref<64x128xf32, #tpu.memory_space<vmem>>
        tpu.vector_store_idx %parallel_loop3A_336[%add3A_14, %parallel_loop3A_296], %parallel_loop3A_331 : memref<64x128xf32, #tpu.memory_space<vmem>>[vector<16xi32>, vector<16xi32>], vector<16xf32>,
      } {sc.loop_unroll_factor = 16 : i64, sc.parallel_access}
      %add3A_275 = arith.constant 384 : i32
      %add3A_276 = arith.addi %mul3A_2, %add3A_275 : i32
      %dma_start3A_277 = arith.constant 1 : i32
      %dma_start3A_278 = arith.constant 0 : i32
      %dma_start3A_279 = arith.constant 0 : i32
      %dma_start3A_280 = tpu.memref_slice %arg7[%dma_start3A_277, %dma_start3A_278, %dma_start3A_279] : memref<2x64x128xf32, #tpu.memory_space<vmem>> -> memref<1x64x128xf32, #tpu.memory_space<vmem>>
      %dma_start3A_281 = tpu.memref_squeeze %dma_start3A_280 : memref<1x64x128xf32, #tpu.memory_space<vmem>> -> memref<64x128xf32, #tpu.memory_space<vmem>>
      %dma_start3A_282 = arith.constant 0 : i32
      %dma_start3A_283 = tpu.memref_slice %arg4[%scan3A_78, %dma_start3A_282, %add3A_276] : memref<50x64x16384xf32, #tpu.memory_space<hbm>> -> memref<1x64x128xf32, #tpu.memory_space<hbm>>
      %dma_start3A_284 = tpu.memref_squeeze %dma_start3A_283 : memref<1x64x128xf32, #tpu.memory_space<hbm>> -> memref<64x128xf32, #tpu.memory_space<hbm>>
      %dma_start3A_285 = arith.constant 0 : i32
      %dma_start3A_286 = tpu.memref_slice %arg4[%scan3A_78, %dma_start3A_285, %add3A_276] : memref<50x64x16384xf32, #tpu.memory_space<hbm>> -> memref<1x64x128xf32, #tpu.memory_space<hbm>>
      %dma_start3A_287 = tpu.memref_squeeze %dma_start3A_286 : memref<1x64x128xf32, #tpu.memory_space<hbm>> -> memref<64x128xf32, #tpu.memory_space<hbm>>
      %dma_start3A_288 = arith.constant 0 : i32
      %dma_start3A_289 = arith.constant 0 : i32
      %dma_start3A_290 = tpu.memref_slice %arg7[%dma_start3A_277, %dma_start3A_288, %dma_start3A_289] : memref<2x64x128xf32, #tpu.memory_space<vmem>> -> memref<1x64x128xf32, #tpu.memory_space<vmem>>
      %dma_start3A_291 = tpu.memref_squeeze %dma_start3A_290 : memref<1x64x128xf32, #tpu.memory_space<vmem>> -> memref<64x128xf32, #tpu.memory_space<vmem>>
      tpu.enqueue_dma source(%dma_start3A_291 : memref<64x128xf32, #tpu.memory_space<vmem>>) target(%dma_start3A_287 : memref<64x128xf32, #tpu.memory_space<hbm>>) target_semaphore(%arg11 : memref<!tpu.dma_semaphore, #tpu.memory_space<semaphore_mem>>)
    }
    %scan3A_42 = arith.constant 50 : i32
    %add3A_43 = arith.constant 256 : i32
    %add3A_44 = arith.addi %mul3A_2, %add3A_43 : i32
    %dma_wait3A = arith.constant 0 : i32
    %dma_wait3A_45 = arith.constant 49 : i32
    %dma_wait3A_46 = arith.constant 0 : i32
    %dma_wait3A_47 = arith.constant 0 : i32
    %dma_wait3A_48 = tpu.memref_slice %arg7[%dma_wait3A, %dma_wait3A_46, %dma_wait3A_47] : memref<2x64x128xf32, #tpu.memory_space<vmem>> -> memref<1x64x128xf32, #tpu.memory_space<vmem>>
    %dma_wait3A_49 = tpu.memref_squeeze %dma_wait3A_48 : memref<1x64x128xf32, #tpu.memory_space<vmem>> -> memref<64x128xf32, #tpu.memory_space<vmem>>
    %dma_wait3A_50 = arith.constant 0 : i32
    %dma_wait3A_51 = tpu.memref_slice %arg4[%dma_wait3A_45, %dma_wait3A_50, %add3A_44] : memref<50x64x16384xf32, #tpu.memory_space<hbm>> -> memref<1x64x128xf32, #tpu.memory_space<hbm>>
    %dma_wait3A_52 = tpu.memref_squeeze %dma_wait3A_51 : memref<1x64x128xf32, #tpu.memory_space<hbm>> -> memref<64x128xf32, #tpu.memory_space<hbm>>
    %dma_wait3A_53 = arith.constant 0 : i32
    %dma_wait3A_54 = tpu.memref_slice %arg4[%dma_wait3A_45, %dma_wait3A_53, %add3A_44] : memref<50x64x16384xf32, #tpu.memory_space<hbm>> -> memref<1x64x128xf32, #tpu.memory_space<hbm>>
    %dma_wait3A_55 = tpu.memref_squeeze %dma_wait3A_54 : memref<1x64x128xf32, #tpu.memory_space<hbm>> -> memref<64x128xf32, #tpu.memory_space<hbm>>
    %dma_wait3A_56 = arith.constant 0 : i32
    %dma_wait3A_57 = arith.constant 0 : i32
    %dma_wait3A_58 = tpu.memref_slice %arg7[%dma_wait3A, %dma_wait3A_56, %dma_wait3A_57] : memref<2x64x128xf32, #tpu.memory_space<vmem>> -> memref<1x64x128xf32, #tpu.memory_space<vmem>>
    %dma_wait3A_59 = tpu.memref_squeeze %dma_wait3A_58 : memref<1x64x128xf32, #tpu.memory_space<vmem>> -> memref<64x128xf32, #tpu.memory_space<vmem>>
    tpu.wait_dma2 semaphore(%arg10 : memref<!tpu.dma_semaphore, #tpu.memory_space<semaphore_mem>>) src(%dma_wait3A_59 : memref<64x128xf32, #tpu.memory_space<vmem>>) dst(%dma_wait3A_55 : memref<64x128xf32, #tpu.memory_space<hbm>>)
    %add3A_60 = arith.constant 384 : i32
    %add3A_61 = arith.addi %mul3A_2, %add3A_60 : i32
    %dma_wait3A_62 = arith.constant 1 : i32
    %dma_wait3A_63 = arith.constant 49 : i32
    %dma_wait3A_64 = arith.constant 0 : i32
    %dma_wait3A_65 = arith.constant 0 : i32
    %dma_wait3A_66 = tpu.memref_slice %arg7[%dma_wait3A_62, %dma_wait3A_64, %dma_wait3A_65] : memref<2x64x128xf32, #tpu.memory_space<vmem>> -> memref<1x64x128xf32, #tpu.memory_space<vmem>>
    %dma_wait3A_67 = tpu.memref_squeeze %dma_wait3A_66 : memref<1x64x128xf32, #tpu.memory_space<vmem>> -> memref<64x128xf32, #tpu.memory_space<vmem>>
    %dma_wait3A_68 = arith.constant 0 : i32
    %dma_wait3A_69 = tpu.memref_slice %arg4[%dma_wait3A_63, %dma_wait3A_68, %add3A_61] : memref<50x64x16384xf32, #tpu.memory_space<hbm>> -> memref<1x64x128xf32, #tpu.memory_space<hbm>>
    %dma_wait3A_70 = tpu.memref_squeeze %dma_wait3A_69 : memref<1x64x128xf32, #tpu.memory_space<hbm>> -> memref<64x128xf32, #tpu.memory_space<hbm>>
    %dma_wait3A_71 = arith.constant 0 : i32
    %dma_wait3A_72 = tpu.memref_slice %arg4[%dma_wait3A_63, %dma_wait3A_71, %add3A_61] : memref<50x64x16384xf32, #tpu.memory_space<hbm>> -> memref<1x64x128xf32, #tpu.memory_space<hbm>>
    %dma_wait3A_73 = tpu.memref_squeeze %dma_wait3A_72 : memref<1x64x128xf32, #tpu.memory_space<hbm>> -> memref<64x128xf32, #tpu.memory_space<hbm>>
    %dma_wait3A_74 = arith.constant 0 : i32
    %dma_wait3A_75 = arith.constant 0 : i32
    %dma_wait3A_76 = tpu.memref_slice %arg7[%dma_wait3A_62, %dma_wait3A_74, %dma_wait3A_75] : memref<2x64x128xf32, #tpu.memory_space<vmem>> -> memref<1x64x128xf32, #tpu.memory_space<vmem>>
    %dma_wait3A_77 = tpu.memref_squeeze %dma_wait3A_76 : memref<1x64x128xf32, #tpu.memory_space<vmem>> -> memref<64x128xf32, #tpu.memory_space<vmem>>
    tpu.wait_dma2 semaphore(%arg11 : memref<!tpu.dma_semaphore, #tpu.memory_space<semaphore_mem>>) src(%dma_wait3A_77 : memref<64x128xf32, #tpu.memory_space<vmem>>) dst(%dma_wait3A_73 : memref<64x128xf32, #tpu.memory_space<hbm>>)
    return
  }
}

</mosaic_0001>

<sc_bundles>
// kernel: kernel.3.cloned.1.call-start
scs
__scs_entry_jumppad:
0x0: {  	(pc) =	sbr.rel $0x88, $3  }
0x1: {  	(tag) =	ssettag $0x0;
	lr =	simm.s32 $0x1  }
0x2: {  	[smem:$0x3F9F] =	sst lr;
	_ =	strace $0xD0000000  }
0x3: {  	_ = 	snop  }
0x4: {  	_ = 	snop  }
0x5: {  	_ = 	snop  }
0x6: {  	_ = 	snop  }
0x7: {  	_ = 	snop  }
__scs_overlays_trampoline_lowered:
0x8: {  	[smem:$0x3FAE] =	sst s0  }
0x9: {  	[smem:$0x3FAF] =	sst s1  }
0xa: {  	[smem:$0x3FB0] =	sst s2  }
0xb: {  	[smem:$0x3FB1] =	sst s3  }
0xc: {  	[smem:$0x3FB2] =	sst s4  }
0xd: {  	[smem:$0x3FB3] =	sst s5  }
0xe: {  	[smem:$0x3FB4] =	sst s6  }
0xf: {  	[smem:$0x3FB5] =	sst s7  }
0x10: {  	[smem:$0x3FB6] =	sst s8  }
0x11: {  	[smem:$0x3FB7] =	sst s9;
	s0 =	simm.s32 @!p0 $0x0  }
0x12: {  	s1 =	sld [smem:$0x3F9D];
	s0 =	simm.s32 @p0 $0x1  }
0x13: {  	[smem:$0x3FB8] =	sst s0;
	s0 =	simm.s32 @!p1 $0x0  }
0x14: {  	s2 =	sld [smem:$0x3F9C];
	s0 =	simm.s32 @p1 $0x1  }
0x15: {  	[smem:$0x3FB9] =	sst s0;
	s0 =	simm.s32 @!p2 $0x0  }
0x16: {  	s3 =	sld [smem:$0x3FDB];
	s0 =	simm.s32 @p2 $0x1  }
0x17: {  	s4 =	simm.s32 $0x1BF5;
	[smem:$0x3FBB] =	sst s0  }
0x18: {  	s0 =	sld [smem:$0x3F9E];
	_ =	swait.ge [sflag:s4], $0x0  }
0x19: {  	s7 =	sld [smem:$0x3F9F]  }
0x1a: {  	s8 =	sadd.s32 $0xFFFFE003, lr  }
0x1b: {  	s9 =	sadd.s32 $0xFFFFFEF7, lr;
	s5 =	simm.s32 $0xFFFFFFFF;
	p2 =	slt.u32 s8, $0xFFFFF086  }
0x1c: {  	p1 =	slt.u32 s9, $0xF7A;
	s5 =	simm.s32 @!p2 $0x0  }
0x1d: {  	s5 =	simm.s32 @p1 $0x1;
	p0 =	seq.s32 s7, s2  }
0x1e: {  	s7 =	smul.u32 @!p0 $0xF7A, s2;
	p2 =	seq.s32 @!p0 s5, $0x0  }
0x1f: {  	s9 =	smul.u32 $0xF7A, s1;
	s8 =	simm.s32 @!p0 $0x1BF5;
	p2 =	por !p2, p0  }
0x20: {  	[sflag:s8] =	ssyncset.s32 @!p0 $0xFFFFF086;
	s6 =	sadd.s32 @!p0 s3, s7;
	s7 =	simm.s32 @!p0 $0x108  }
0x21: {  	s3 =	sadd.s32 s3, s9;
	s6 =	sadd.s32 @!p0 $0x88, s6;
	s7 =	simm.s32 @p2 $0x1082  }
0x22: {  	[simem:s7], [sflag:s8] =	dma.local @!p0 [hbm:s6], $0xF7A  }
0x23: {  	s9 =	sor.u32 $0xD0000000, s2;
	s6 =	simm.s32 $0x108;
	_ =	swait.ge @!p0 [sflag:s8], $0x0  }
0x24: {  	s3 =	sadd.s32 $0x88, s3;
	s6 =	simm.s32 @!p1 $0x1082;
	[sflag:s4] =	ssyncset.s32 $0xFFFFF086  }
0x25: {  	[simem:s6], [sflag:s4] =	dma.local [hbm:s3], $0xF7A  }
0x26: {  	[smem:$0x3F9F] =	sst s1;
	(tag) =	ssettag s2;
	_ =	strace s9  }
0x27: {  	s1 =	sld [smem:$0x3FAF]  }
0x28: {  	s2 =	sld [smem:$0x3FB0]  }
0x29: {  	s4 =	sld [smem:$0x3FB2]  }
0x2a: {  	p0 =	seq.s32 s5, $0x0;
	s5 =	sld [smem:$0x3FB3]  }
0x2b: {  	s6 =	sld [smem:$0x3FB4]  }
0x2c: {  	s7 =	sld [smem:$0x3FB5]  }
0x2d: {  	s3 =	simm.s32 $0x108;
	s8 =	sld [smem:$0x3FB6]  }
0x2e: {  	s3 =	simm.s32 @!p0 $0x1082;
	s9 =	sld [smem:$0x3FB7]  }
0x2f: {  	lr =	sadd.s32 s0, s3;
	s0 =	sld [smem:$0x3FAE]  }
0x30: {  	s3 =	sld [smem:$0x3FB1]  }
0x31: {  	[smem:$0x3FBA] =	sst s10  }
0x32: {  	s10 =	sld [smem:$0x3FB8];
	_ =	sdelay $0x3  }
0x33: {  	p0 =	seq.s32 s10, $0x1;
	s10 =	sld [smem:$0x3FBA];
	_ =	sdelay $0x3  }
0x34: {  	[smem:$0x3FBA] =	sst s10  }
0x35: {  	s10 =	sld [smem:$0x3FB9];
	_ =	sdelay $0x3  }
0x36: {  	p1 =	seq.s32 s10, $0x1;
	s10 =	sld [smem:$0x3FBA];
	_ =	sdelay $0x3  }
0x37: {  	[smem:$0x3FBA] =	sst s10  }
0x38: {  	s10 =	sld [smem:$0x3FBB]  }
0x39: {  	_ = 	snop;
	(pc) =	sbr.ind lr, $3  }
0x3a: {  	_ = 	snop  }
0x3b: {  	_ = 	snop  }
0x3c: {  	p2 =	seq.s32 s10, $0x1;
	s10 =	sld [smem:$0x3FBA]  }
0x3d: {  	_ =	shalt  }
0x3e: {  	_ =	shalt  }
0x3f: {  	_ =	shalt  }
0x40: {  	_ =	shalt  }
0x41: {  	_ =	shalt  }
0x42: {  	_ =	shalt  }
0x43: {  	_ =	shalt  }
0x44: {  	_ =	shalt  }
0x45: {  	_ =	shalt  }
0x46: {  	_ =	shalt  }
0x47: {  	_ =	shalt  }
0x48: {  	_ =	shalt  }
0x49: {  	_ =	shalt  }
0x4a: {  	_ =	shalt  }
0x4b: {  	_ =	shalt  }
0x4c: {  	_ =	shalt  }
0x4d: {  	_ =	shalt  }
0x4e: {  	_ =	shalt  }
0x4f: {  	_ =	shalt  }
0x50: {  	_ =	shalt  }
0x51: {  	_ =	shalt  }
0x52: {  	_ =	shalt  }
0x53: {  	_ =	shalt  }
0x54: {  	_ =	shalt  }
0x55: {  	_ =	shalt  }
0x56: {  	_ =	shalt  }
0x57: {  	_ =	shalt  }
0x58: {  	_ =	shalt  }
0x59: {  	_ =	shalt  }
0x5a: {  	_ =	shalt  }
0x5b: {  	_ =	shalt  }
0x5c: {  	_ =	shalt  }
0x5d: {  	_ =	shalt  }
0x5e: {  	_ =	shalt  }
0x5f: {  	_ =	shalt  }
0x60: {  	_ =	shalt  }
0x61: {  	_ =	shalt  }
0x62: {  	_ =	shalt  }
0x63: {  	_ =	shalt  }
0x64: {  	_ =	shalt  }
0x65: {  	_ =	shalt  }
0x66: {  	_ =	shalt  }
0x67: {  	_ =	shalt  }
0x68: {  	_ =	shalt  }
0x69: {  	_ =	shalt  }
0x6a: {  	_ =	shalt  }
0x6b: {  	_ =	shalt  }
0x6c: {  	_ =	shalt  }
0x6d: {  	_ =	shalt  }
0x6e: {  	_ =	shalt  }
0x6f: {  	_ =	shalt  }
0x70: {  	_ =	shalt  }
0x71: {  	_ =	shalt  }
0x72: {  	_ =	shalt  }
0x73: {  	_ =	shalt  }
0x74: {  	_ =	shalt  }
0x75: {  	_ =	shalt  }
0x76: {  	_ =	shalt  }
0x77: {  	_ =	shalt  }
0x78: {  	_ =	shalt  }
0x79: {  	_ =	shalt  }
0x7a: {  	_ =	shalt  }
0x7b: {  	_ =	shalt  }
0x7c: {  	_ =	shalt  }
0x7d: {  	_ =	shalt  }
0x7e: {  	_ =	shalt  }
0x7f: {  	_ =	shalt  }
0x80: {  	_ =	shalt  }
0x81: {  	_ =	shalt  }
0x82: {  	_ =	shalt  }
0x83: {  	_ =	shalt  }
0x84: {  	_ =	shalt  }
0x85: {  	_ =	shalt  }
0x86: {  	_ =	shalt  }
0x87: {  	_ =	shalt  }
.Lfunc_end0:
.L_simem_size_0:
called_computation_lowered:
.L_overlay_start_0:
0x88: {  	s2 =	sld [smem:$0x3FD9]  }
0x89: {  	s3 =	sld [smem:$0x3FFE];
	_ =	sdelay $0x1  }
0x8a: {  	s1 =	srdreg.scid  }
0x8b: {  	s0 =	sand.u32 $0x1, s1  }
0x8c: {  	s17 =	sshll.u32 s0, $0xA;
	s2 =	sadd.s32 s3, s2  }
0x8d: {  	s2 =	sadd.s32 s2, s17  }
0x8e: {  	[smem:$0x3FC6] =	sst s2  }
0x8f: {  	_ = 	snop  }
0x90: {  	s2 =	sld [smem:$0x3FC8]  }
0x91: {  	s18 =	sld [smem:$0x3FD0];
	(tm) =	ssettm $0x1  }
0x92: {  	s4 =	sld [smem:$0x3FFB];
	_ =	sdelay $0x3  }
0x93: {  	_ =	strace s4  }
0x94: {  	s4 =	sld [smem:$0x3FFC];
	_ =	sdelay $0x3  }
0x95: {  	_ =	strace s4  }
0x96: {  	s4 =	sld [smem:$0x3FFD];
	_ =	sdelay $0x3  }
0x97: {  	_ =	strace s4  }
0x98: {  	_ =	strace $0x8FFFFFFF  }
0x99: {  	s19 =	sld [smem:$0x3FDB];
	_ =	sdelay $0x1  }
0x9a: {  	s5 =	simm.s32 $_scs_section_size  }
0x9b: {  	s6 =	simm.s32 $_size__tile_overlayer_lowered;
	s7 =	simm.s32 $_tile_overlayer_lowered  }
0x9c: {  	s22 =	simm.s32 $0x1BFF;
	s21 =	sshll.u32 s7, $0x1;
	s4 =	sadd.s32 s5, s19  }
0x9d: {  	s8 =	simm.s32 $0x0;
	s20 =	sshll.u32 s6, $0x1;
	s6 =	sadd.s32 s21, s4  }
0x9e: {  	[timem:s8], [sflag:s22] =	dma.local [hbm:s6], s20  }
0x9f: {  	_ =	swait.ge [sflag:s22], s20  }
0xa0: {  	s5 =	ssub.s32 $0x0, s20;
	[sflag:s22] =	ssyncset.done $0x0  }
0xa1: {  	[sflag:s22] =	ssyncadd.s32 s5;
	_ =	sdelay $0x1  }
0xa2: {  	s23 =	simm.s32 $0x1B8B  }
0xa3: {  	_ =	swait.ge [sflag:s23], $0x1  }
0xa4: {  	[sflag:s23] =	ssyncset.done $0x0  }
0xa5: {  	s25 =	simm.s32 $0x1B8E;
	s24 =	sld [smem:$0x3FFE];
	[sflag:s23] =	ssyncadd.s32 $0xFFFFFFFF  }
0xa6: {  	s26 =	simm.s32 $execute0_lowered;
	[smem:$0x3FD2] =	sst s25  }
0xa7: {  	s6 =	sshll.u32 s26, $0x1;
	_ =	strace $0x80000046;
	[dreg:$0x1] =	wrdreg $0xFFFFFFFF  }
0xa8: {  	s28 =	simm.s32 $_size_execute0_lowered;
	s4 =	sadd.s32 s4, s6;
	[dreg:$0x0] =	wrdreg $0x0  }
0xa9: {  	s6 =	sshll.u32 s28, $0x1;
	[dreg:$0x2] =	wrdreg s4  }
0xaa: {  	[dreg:$0x3] =	wrdreg s6  }
0xab: {  	[dreg:$0x4] =	wrdreg $0xC0  }
0xac: {  	_ =	task [dreg:s8], $0x5FFFF  }
0xad: {  	[dreg:$0x1] =	wrdreg $0xFFFFFFFF  }
0xae: {  	[dreg:$0x0] =	wrdreg $0x60  }
0xaf: {  	[dreg:$0x2] =	wrdreg s24  }
0xb0: {  	[dreg:$0x3] =	wrdreg s2  }
0xb1: {  	[dreg:$0x4] =	wrdreg s18  }
0xb2: {  	[dreg:$0x5] =	wrdreg $0x9  }
0xb3: {  	_ =	task.clear_ibuf [dreg:s8], $0x6FFFF;
	_ =	strace $0x90000046  }
0xb4: {  	s29 =	simm.s32 $0x9;
	_ =	strace $0x80000048  }
0xb5: {  	_ =	swait.ge [sflag:s29], $0x1  }
0xb6: {  	[sflag:s29] =	ssyncadd.s32 $0xFFFFFFFF  }
0xb7: {  	_ =	strace $0x90000048  }
0xb8: {  	_ =	sfence  }
0xb9: {  	s30 =	sld [smem:$0x0];
	_ =	sdelay $0x2  }
0xba: {  	s31 =	sshll.u32 s1, $0xD;
	s1 =	sshrl.u32 s1, $0x2  }
0xbb: {  	s3 =	sand.u32 $0x4000, s31;
	s1 =	sadd.s32 s1, s30  }
0xbc: {  	s0 =	sor.u32 s3, s0;
	s1 =	sshll.u32 s1, $0x11  }
0xbd: {  	s0 =	sor.u32 s1, s0  }
0xbe: {  	s0 =	sadd.s32 $0x8F2B, s0  }
0xbf: {  	[sflag:s0] =	ssyncadd.remote.s32 $0x1  }
0xc0: {  	_ =	sfence.sel $0xFFFF  }
0xc1: {  	[dreg:$0x0] =	wrdreg $0xFFFFFFFF;
	(pc) =	sbr.abs _section_cstart, $3  }
0xc2: {  	[dreg:$0x1] =	wrdreg $0xFFFFFFFF  }
0xc3: {  	_ =	task.clear_ibuf [dreg:s8], $0x2FFFF;
	_ =	strace $0x9FFFFFFF  }
0xc4: {  	(tm) =	ssettm $0x7FFFFFFF  }
0xc5: {  	_ =	shalt  }
tec
execute0_lowered:
.L_overlay_start_1:
0x0: {  	(tag) =	ssettag $0x1  }
0x1: {  	s0 =	rddreg [dreg:$0x0]  }
0x2: {  	s1 =	rddreg [dreg:$0x1]  }
0x3: {  	s2 =	rddreg [dreg:$0x2];
	s4 =	srdreg.scid;
	s3 =	simm.s32 $0x0  }
0x4: {  	s5 =	stileid.u32;
	s15 =	simm.s32 $0x400;
	s16 =	simm.s32 $0x20000  }
0x5: {  	s18 =	simm.s32 $0x5;
	s28 =	simm.s32 $0x80;
	s29 =	simm.s32 $0x7000  }
0x6: {  	s30 =	simm.s32 $0x1;
	s31 =	simm.s32 $0xB000;
	s17 =	simm.s32 $0x11000  }
0x7: {  	s19 =	simm.s32 $0x3;
	s21 =	simm.s32 $0x4;
	s4 =	sand.u32 $0x1, s4  }
0x8: {  	[smem:$0x7FF] =	sst s3;
	s5 =	sshll.u32 s5, $0xA;
	s6 =	sshll.u32 s4, $0x9  }
0x9: {  	_ =	strace $0x80000047;
	s7 =	ssub.s32 $0x2, s4;
	s5 =	sor.u32 s6, s5  }
0xa: {  	s4 =	sadd.s32 $0xF42800, s0;
	s22 =	sshrl.u32 s7, $0x1;
	s6 =	sadd.s32 s1, s5  }
0xb: {  	s0 =	ssub.s32 s7, s22;
	s23 =	sshll.u32 s5, $0x3;
	s13 =	sadd.s32 s2, s5  }
0xc: {  	s22 =	simm.s32 $0x0;
	[dreg:$0x4] =	wrdreg s6;
	s6 =	sadd.s32 $0x18000, s6  }
0xd: {  	s7 =	sor.u32 $0x400, s23;
	s8 =	sor.u32 $0x800, s23;
	s9 =	sor.u32 $0xC00, s23  }
0xe: {  	s0 =	smax.u32 s0, $0x1;
	[dreg:$0x5] =	wrdreg s6;
	s24 =	sshrl.u32 s7, $0x3  }
0xf: {  	v0 =	vlaneseq.u32;
	s11 =	sshrl.u32 s8, $0x3;
	s12 =	sshrl.u32 s9, $0x3;
	s10 =	sadd.s32 s1, s24  }
0x10: {  	v0 =	vmul.u32 $0x80, v0;
	[dreg:$0x6] =	wrdreg s0;
	s11 =	sadd.s32 s1, s11;
	s25 =	sadd.s32 $0x18000, s10  }
0x11: {  	s0 =	simm.s32 $0xF000;
	s26 =	sadd.s32 $0x18000, s11;
	[dreg:$0x7] =	wrdreg s25  }
0x12: {  	v1 =	vor.u32 $0x800, v0;
	v2 =	vor.u32 $0x1000, v0;
	v3 =	vor.u32 $0x1800, v0;
	s12 =	sadd.s32 s1, s12;
	s1 =	simm.s32 $0x2;
	[dreg:$0x8] =	wrdreg s26  }
.LBB2_1:
0x13: {  	s5 =	rddreg [dreg:$0x4]  }
0x14: {  	[tilespmem:s3], [sflag:$0x5] =	stream.strided.gather [hbm4b:s5+s15], $0x1800, s16, s15, $0x38;
	[tilespmem:$0x13000] =	vst v63  }
0x15: {  	s23 =	rddreg [dreg:$0x5];
	s6 =	simm.s32 $0x1800  }
0x16: {  	[tilespmem:s6], [sflag:$0x5] =	stream.linear.gather [hbm4b:s23+s3], $0x100, $0x38;
	[tilespmem:$0x13000] =	vst v63  }
0x17: {  	_ =	swait.ge [sflag:s18], $0x1900  }
0x18: {  	[sflag:s18] =	ssyncset.done $0x0  }
0x19: {  	s24 =	simm.s32 $0x1C00;
	[sflag:s18] =	ssyncadd.s32 $0xFFFFE700  }
0x1a: {  	[tilespmem:s24], [sflag:$0x5] =	stream.strided.gather [hbm4b:s10+s15], $0x1800, s16, s15, $0x38;
	[tilespmem:$0x13000] =	vst v63  }
0x1b: {  	s26 =	simm.s32 $0x3400;
	s25 =	rddreg [dreg:$0x7]  }
0x1c: {  	[tilespmem:s26], [sflag:$0x5] =	stream.linear.gather [hbm4b:s25+s3], $0x100, $0x38;
	[tilespmem:$0x13000] =	vst v63  }
0x1d: {  	_ =	swait.ge [sflag:s18], $0x1900  }
0x1e: {  	[sflag:s18] =	ssyncset.done $0x0  }
0x1f: {  	s14 =	simm.s32 $0x3800;
	[sflag:s18] =	ssyncadd.s32 $0xFFFFE700  }
0x20: {  	[tilespmem:s14], [sflag:$0x5] =	stream.strided.gather [hbm4b:s11+s15], $0x1800, s16, s15, $0x38;
	[tilespmem:$0x13000] =	vst v63  }
0x21: {  	s23 =	simm.s32 $0x5000;
	s20 =	rddreg [dreg:$0x8]  }
0x22: {  	[tilespmem:s23], [sflag:$0x5] =	stream.linear.gather [hbm4b:s20+s3], $0x100, $0x38;
	[tilespmem:$0x13000] =	vst v63  }
0x23: {  	_ =	swait.ge [sflag:s18], $0x1900  }
0x24: {  	[sflag:s18] =	ssyncset.done $0x0  }
0x25: {  	s24 =	simm.s32 $0x5400;
	[sflag:s18] =	ssyncadd.s32 $0xFFFFE700  }
0x26: {  	[tilespmem:s24], [sflag:$0x5] =	stream.strided.gather [hbm4b:s12+s15], $0x1800, s16, s15, $0x38;
	[tilespmem:$0x13000] =	vst v63  }
0x27: {  	s25 =	sadd.s32 $0x18000, s12;
	s26 =	simm.s32 $0x6C00  }
0x28: {  	[tilespmem:s26], [sflag:$0x5] =	stream.linear.gather [hbm4b:s25+s3], $0x100, $0x38;
	[tilespmem:$0x13000] =	vst v63  }
0x29: {  	_ =	swait.ge [sflag:s18], $0x1900  }
0x2a: {  	[sflag:s18] =	ssyncset.done $0x0  }
0x2b: {  	s24 =	simm.s32 $0x0;
	[sflag:s18] =	ssyncadd.s32 $0xFFFFE700  }
0x2c: {  	[tilespmem:s29], [sflag:$0x1] =	stream.indirect.gather [hbm4b:s4+s28], $0x80, s3, s28, $0xb8;
	[tilespmem:$0x13000] =	vst v63  }
.LBB2_2:
0x2d: {  	_ =	swait.ge [sflag:s30], $0x4000  }
0x2e: {  	s5 =	sshll.u32 s24, $0x7;
	s14 =	simm.s32 $0x0;
	p0 =	seq.s32 s24, $0x0  }
0x2f: {  	s20 =	simm.s32 $0x1;
	s6 =	simm.s32 $0x2;
	[sflag:s30] =	ssyncset.done $0x0  }
0x30: {  	s26 =	sand.u32 $0x3FFFFF80, s5;
	v4 =	vmov s14;
	s14 =	simm.s32 $0x3;
	v5 =	vmov s20;
	s20 =	simm.s32 @!p0 $0x3  }
0x31: {  	[sflag:s30] =	ssyncadd.s32 $0xFFFFC000;
	s5 =	sadd.s32 $0x1C00, s26;
	v7 =	vmov s14;
	s14 =	simm.s32 $0xF  }
0x32: {  	[tilespmem:s31], [sflag:$0x2] =	stream.indirect.gather [hbm4b:s4+s28], $0x80, s5, s28, $0xb8;
	v8 =	vmov s14;
	[tilespmem:$0x13000] =	vst v63  }
0x33: {  	s23 =	simm.s32 $0x4;
	v6 =	vmov s6;
	_ =	swait.ge @!p0 [sflag:s20], $0x2000;
	v8 =	vand.u32 $0x7F, v8  }
0x34: {  	s25 =	simm.s32 $0x5;
	v11 =	vmov s23;
	v5 =	vand.u32 $0x71, v5;
	[sflag:s20] =	ssyncset.done @!p0 $0x0;
	v20 =	vbroadcast v8, $0x0  }
0x35: {  	v12 =	vmov s25;
	s6 =	simm.s32 $0x7400;
	v4 =	vand.u32 $0x70, v4;
	v8 =	vbroadcast v5, $0x0;
	[sflag:s20] =	ssyncadd.s32 @!p0 $0xFFFFE000  }
0x36: {  	v4 =	vbroadcast v4, $0x0;
	v5 =	vand.u32 $0x72, v6;
	v6 =	vld [tilespmem:s6+$0x380];
	v15 =	vor.u32 v0, v20  }
0x37: {  	v9 =	vbroadcast v5, $0x0;
	v5 =	vand.u32 $0x73, v7;
	v7 =	vld [tilespmem:s6+$0xFFFFFC80];
	v23 =	vor.u32 v0, v8  }
0x38: {  	v22 =	vor.u32 v0, v4;
	v17 =	vld [tilespmem:s6+$0xFFFFFC00];
	v10 =	vbroadcast v5, $0x0;
	v5 =	vand.u32 $0x74, v11  }
0x39: {  	s23 =	simm.s32 $0x6;
	v12 =	vand.u32 $0x75, v12;
	v24 =	vld [tilespmem:s6+$0xFFFFFD00];
	v25 =	vor.u32 v0, v9;
	v11 =	vbroadcast v5, $0x0  }
0x3a: {  	s25 =	simm.s32 $0x7;
	v13 =	vmov s23;
	s23 =	simm.s32 $0x8;
	v14 =	vbroadcast v12, $0x0;
	v26 =	vld [tilespmem:s6+$0xFFFFFD80];
	v27 =	vor.u32 v0, v10  }
0x3b: {  	v16 =	vmov s25;
	s25 =	simm.s32 $0x9;
	v18 =	vmov s23;
	v29 =	vld [tilespmem:s6+$0xFFFFFE00];
	v30 =	vor.u32 v0, v11;
	[tilespmem:v15+s0+$0x0] =	vst.idx.msk $0xffff, v6  }
0x3c: {  	v19 =	vmov s25;
	v12 =	vand.u32 $0x76, v13;
	[tilespmem:v23+s0+$0x0] =	vst.idx.msk $0xffff, v7;
	v7 =	vld [tilespmem:s6+$0xFFFFFE80];
	v23 =	vor.u32 v0, v14  }
0x3d: {  	[tilespmem:v22+s0+$0x0] =	vst.idx.msk $0xffff, v17;
	v15 =	vbroadcast v12, $0x0;
	v6 =	vand.u32 $0x77, v16;
	v22 =	vor.u32 v1, v20;
	v12 =	vld [tilespmem:s6+$0x390]  }
0x3e: {  	v57 =	vor.u32 v1, v4;
	v17 =	vbroadcast v6, $0x0;
	v6 =	vand.u32 $0x78, v18;
	[tilespmem:v25+s0+$0x0] =	vst.idx.msk $0xffff, v24;
	v56 =	vld [tilespmem:s6+$0xFFFFFC10]  }
0x3f: {  	v24 =	vld [tilespmem:s6+$0xFFFFFF00];
	v25 =	vor.u32 v0, v15;
	v16 =	vbroadcast v6, $0x0;
	v6 =	vand.u32 $0x79, v19;
	[tilespmem:v27+s0+$0x0] =	vst.idx.msk $0xffff, v26  }
0x40: {  	s14 =	simm.s32 $0xA;
	v19 =	vld [tilespmem:s6+$0xFFFFFF80];
	v26 =	vor.u32 v0, v17;
	v13 =	vbroadcast v6, $0x0;
	[tilespmem:v30+s0+$0x0] =	vst.idx.msk $0xffff, v29  }
0x41: {  	s23 =	simm.s32 $0xC;
	v21 =	vmov s14;
	v27 =	vld [tilespmem:s6+$0x0];
	v46 =	vor.u32 v0, v16;
	[tilespmem:v23+s0+$0x0] =	vst.idx.msk $0xffff, v7  }
0x42: {  	v28 =	vmov s23;
	s20 =	simm.s32 $0xB;
	v47 =	vld [tilespmem:s6+$0x80];
	v18 =	vand.u32 $0x7A, v21;
	v31 =	vor.u32 v0, v13;
	[tilespmem:v22+s0+$0x0] =	vst.idx.msk $0xffff, v12  }
0x43: {  	s25 =	simm.s32 $0xD;
	v54 =	vor.u32 v1, v14;
	v5 =	vmov s20;
	v18 =	vbroadcast v18, $0x0;
	v53 =	vld [tilespmem:s6+$0xFFFFFE90];
	[tilespmem:v57+s0+$0x0] =	vst.idx.msk $0xffff, v56  }
0x44: {  	v5 =	vand.u32 $0x7B, v5;
	v6 =	vmov s25;
	v23 =	vor.u32 v2, v20;
	v22 =	vld [tilespmem:s6+$0x3A0];
	[tilespmem:v25+s0+$0x0] =	vst.idx.msk $0xffff, v24  }
0x45: {  	v12 =	vbroadcast v5, $0x0;
	v5 =	vand.u32 $0x7C, v28;
	v24 =	vld [tilespmem:s6+$0x100];
	v25 =	vor.u32 v0, v18;
	[tilespmem:v26+s0+$0x0] =	vst.idx.msk $0xffff, v19  }
0x46: {  	s14 =	simm.s32 $0xE;
	v61 =	vor.u32 v2, v4;
	v7 =	vbroadcast v5, $0x0;
	v5 =	vand.u32 $0x7D, v6;
	v29 =	vld [tilespmem:s6+$0xFFFFFC20];
	[tilespmem:v46+s0+$0x0] =	vst.idx.msk $0xffff, v27  }
0x47: {  	v21 =	vmov s14;
	v19 =	vld [tilespmem:s6+$0x180];
	v26 =	vor.u32 v0, v12;
	v5 =	vbroadcast v5, $0x0;
	[tilespmem:v31+s0+$0x0] =	vst.idx.msk $0xffff, v47  }
0x48: {  	v6 =	vand.u32 $0x7E, v21;
	v21 =	vld [tilespmem:s6+$0x200];
	v27 =	vor.u32 v0, v7;
	[tilespmem:v54+s0+$0x0] =	vst.idx.msk $0xffff, v53  }
0x49: {  	v48 =	vld [tilespmem:s6+$0x280];
	v49 =	vor.u32 v0, v5;
	[tilespmem:v23+s0+$0x0] =	vst.idx.msk $0xffff, v22  }
0x4a: {  	[tilespmem:v25+s0+$0x0] =	vst.idx.msk $0xffff, v24;
	v23 =	vld [tilespmem:s6+$0xFFFFFC90];
	v24 =	vor.u32 v1, v8  }
0x4b: {  	v20 =	vor.u32 v3, v20;
	[tilespmem:v61+s0+$0x0] =	vst.idx.msk $0xffff, v29;
	v22 =	vld [tilespmem:s6+$0x3B0]  }
0x4c: {  	v6 =	vbroadcast v6, $0x0;
	v25 =	vor.u32 v1, v9;
	[tilespmem:v26+s0+$0x0] =	vst.idx.msk $0xffff, v19;
	v19 =	vld [tilespmem:s6+$0xFFFFFD10]  }
0x4d: {  	v26 =	vor.u32 v1, v10;
	[tilespmem:v27+s0+$0x0] =	vst.idx.msk $0xffff, v21;
	v21 =	vld [tilespmem:s6+$0xFFFFFD90]  }
0x4e: {  	v50 =	vld [tilespmem:s6+$0x300];
	v51 =	vor.u32 v0, v6;
	[tilespmem:v49+s0+$0x0] =	vst.idx.msk $0xffff, v48  }
0x4f: {  	v52 =	vor.u32 v1, v11;
	v27 =	vld [tilespmem:s6+$0xFFFFFE10];
	[tilespmem:v24+s0+$0x0] =	vst.idx.msk $0xffff, v23  }
0x50: {  	[tilespmem:v20+s0+$0x0] =	vst.idx.msk $0xffff, v22;
	v20 =	vld [tilespmem:s6+$0xFFFFFF10];
	v22 =	vor.u32 v1, v15  }
0x51: {  	v23 =	vor.u32 v1, v17;
	[tilespmem:v25+s0+$0x0] =	vst.idx.msk $0xffff, v19;
	v19 =	vld [tilespmem:s6+$0xFFFFFF90]  }
0x52: {  	v24 =	vor.u32 v1, v16;
	[tilespmem:v26+s0+$0x0] =	vst.idx.msk $0xffff, v21;
	v21 =	vld [tilespmem:s6+$0x10]  }
0x53: {  	[tilespmem:v51+s0+$0x0] =	vst.idx.msk $0xffff, v50;
	v25 =	vld [tilespmem:s6+$0x90];
	v26 =	vor.u32 v1, v13  }
0x54: {  	v55 =	vor.u32 v1, v18;
	[tilespmem:v52+s0+$0x0] =	vst.idx.msk $0xffff, v27;
	v27 =	vld [tilespmem:s6+$0x110]  }
0x55: {  	[tilespmem:v22+s0+$0x0] =	vst.idx.msk $0xffff, v20;
	v20 =	vld [tilespmem:s6+$0x190];
	v22 =	vor.u32 v1, v12  }
0x56: {  	[tilespmem:v23+s0+$0x0] =	vst.idx.msk $0xffff, v19;
	v19 =	vld [tilespmem:s6+$0x210];
	v23 =	vor.u32 v1, v7  }
0x57: {  	[tilespmem:v24+s0+$0x0] =	vst.idx.msk $0xffff, v21;
	v21 =	vld [tilespmem:s6+$0x290];
	v24 =	vor.u32 v1, v5  }
0x58: {  	[tilespmem:v26+s0+$0x0] =	vst.idx.msk $0xffff, v25;
	v25 =	vld [tilespmem:s6+$0x310];
	v26 =	vor.u32 v1, v6  }
0x59: {  	v58 =	vor.u32 v2, v8;
	[tilespmem:v55+s0+$0x0] =	vst.idx.msk $0xffff, v27;
	v27 =	vld [tilespmem:s6+$0xFFFFFCA0]  }
0x5a: {  	[tilespmem:v22+s0+$0x0] =	vst.idx.msk $0xffff, v20;
	v20 =	vld [tilespmem:s6+$0xFFFFFD20];
	v22 =	vor.u32 v2, v9  }
0x5b: {  	[tilespmem:v23+s0+$0x0] =	vst.idx.msk $0xffff, v19;
	v19 =	vld [tilespmem:s6+$0xFFFFFDA0];
	v23 =	vor.u32 v2, v10  }
0x5c: {  	[tilespmem:v24+s0+$0x0] =	vst.idx.msk $0xffff, v21;
	v21 =	vld [tilespmem:s6+$0xFFFFFE20];
	v24 =	vor.u32 v2, v11  }
0x5d: {  	[tilespmem:v26+s0+$0x0] =	vst.idx.msk $0xffff, v25;
	v25 =	vld [tilespmem:s6+$0xFFFFFEA0];
	v26 =	vor.u32 v2, v14  }
0x5e: {  	v59 =	vor.u32 v2, v15;
	[tilespmem:v58+s0+$0x0] =	vst.idx.msk $0xffff, v27;
	v27 =	vld [tilespmem:s6+$0xFFFFFF20]  }
0x5f: {  	[tilespmem:v22+s0+$0x0] =	vst.idx.msk $0xffff, v20;
	v20 =	vld [tilespmem:s6+$0xFFFFFFA0];
	v22 =	vor.u32 v2, v17  }
0x60: {  	[tilespmem:v23+s0+$0x0] =	vst.idx.msk $0xffff, v19;
	v19 =	vld [tilespmem:s6+$0x20];
	v23 =	vor.u32 v2, v16  }
0x61: {  	[tilespmem:v24+s0+$0x0] =	vst.idx.msk $0xffff, v21;
	v21 =	vld [tilespmem:s6+$0xA0];
	v24 =	vor.u32 v2, v13  }
0x62: {  	[tilespmem:v26+s0+$0x0] =	vst.idx.msk $0xffff, v25;
	v25 =	vld [tilespmem:s6+$0x120];
	v26 =	vor.u32 v2, v18  }
0x63: {  	v60 =	vor.u32 v2, v12;
	[tilespmem:v59+s0+$0x0] =	vst.idx.msk $0xffff, v27;
	v27 =	vld [tilespmem:s6+$0x1A0]  }
0x64: {  	[tilespmem:v22+s0+$0x0] =	vst.idx.msk $0xffff, v20;
	v20 =	vld [tilespmem:s6+$0x220];
	v22 =	vor.u32 v2, v7  }
0x65: {  	[tilespmem:v23+s0+$0x0] =	vst.idx.msk $0xffff, v19;
	v19 =	vld [tilespmem:s6+$0x2A0];
	v23 =	vor.u32 v2, v5  }
0x66: {  	[tilespmem:v24+s0+$0x0] =	vst.idx.msk $0xffff, v21;
	v21 =	vld [tilespmem:s6+$0x320];
	v24 =	vor.u32 v2, v6  }
0x67: {  	v8 =	vor.u32 v3, v8;
	[tilespmem:v26+s0+$0x0] =	vst.idx.msk $0xffff, v25;
	v25 =	vld [tilespmem:s6+$0xFFFFFCB0]  }
0x68: {  	v9 =	vor.u32 v3, v9;
	[tilespmem:v60+s0+$0x0] =	vst.idx.msk $0xffff, v27;
	v26 =	vld [tilespmem:s6+$0xFFFFFD30]  }
0x69: {  	v10 =	vor.u32 v3, v10;
	[tilespmem:v22+s0+$0x0] =	vst.idx.msk $0xffff, v20;
	v22 =	vld [tilespmem:s6+$0xFFFFFDB0]  }
0x6a: {  	v11 =	vor.u32 v3, v11;
	[tilespmem:v23+s0+$0x0] =	vst.idx.msk $0xffff, v19;
	v23 =	vld [tilespmem:s6+$0xFFFFFE30]  }
0x6b: {  	v27 =	vor.u32 v3, v14;
	[tilespmem:v24+s0+$0x0] =	vst.idx.msk $0xffff, v21;
	v24 =	vld [tilespmem:s6+$0xFFFFFEB0]  }
0x6c: {  	v63 =	vor.u32 v3, v15;
	v62 =	vld [tilespmem:s6+$0xFFFFFF30];
	[tilespmem:v8+s0+$0x0] =	vst.idx.msk $0xffff, v25  }
0x6d: {  	s20 =	simm.s32 $0x11;
	s14 =	simm.s32 $0x10;
	v12 =	vor.u32 v3, v12;
	v19 =	vld [tilespmem:s6+$0xFFFFFFB0];
	v20 =	vor.u32 v3, v17;
	[tilespmem:v9+s0+$0x0] =	vst.idx.msk $0xffff, v26  }
0x6e: {  	s23 =	simm.s32 $0x12;
	s25 =	simm.s32 $0x13;
	v17 =	vmov s20;
	v8 =	vmov s14;
	v21 =	vld [tilespmem:s6+$0x30];
	[tilespmem:v10+s0+$0x0] =	vst.idx.msk $0xffff, v22;
	v22 =	vor.u32 v3, v16  }
0x6f: {  	v9 =	vmov s23;
	s23 =	simm.s32 $0x14;
	v25 =	vor.u32 v3, v13;
	v10 =	vmov s25;
	s25 =	simm.s32 $0x15;
	[tilespmem:v11+s0+$0x0] =	vst.idx.msk $0xffff, v23;
	v23 =	vld [tilespmem:s6+$0xB0]  }
0x70: {  	v18 =	vor.u32 v3, v18;
	v11 =	vmov s23;
	s23 =	simm.s32 $0x16;
	v14 =	vmov s25;
	s25 =	simm.s32 $0x17;
	[tilespmem:v27+s0+$0x0] =	vst.idx.msk $0xffff, v24;
	v24 =	vld [tilespmem:s6+$0x130]  }
0x71: {  	[tilespmem:v63+s0+$0x0] =	vst.idx.msk $0xffff, v62;
	s20 =	simm.s32 $0x1F;
	v26 =	vld [tilespmem:s6+$0x1B0];
	v8 =	vand.u32 $0x70, v8;
	v15 =	vmov s23;
	s23 =	simm.s32 $0x18;
	v13 =	vmov s25;
	s25 =	simm.s32 $0x20  }
.LBB2_3:
0x72: {  	p1 =	slt.u32 s25, $0x70;
	v16 =	vmov s23;
	s5 =	sadd.s32 $0x9, s14;
	v27 =	vmov s20;
	[tilespmem:v20+s0+$0x0] =	vst.idx.msk $0xffff, v19;
	v19 =	vld [tilespmem:s6+$0x230];
	v7 =	vor.u32 v3, v7  }
0x73: {  	v5 =	vor.u32 v3, v5;
	v20 =	vmov s5;
	s5 =	sadd.s32 $0xA, s14;
	v27 =	vand.u32 $0x7F, v27;
	[tilespmem:v22+s0+$0x0] =	vst.idx.msk $0xffff, v21;
	v21 =	vld [tilespmem:s6+$0x2B0]  }
0x74: {  	v6 =	vor.u32 v3, v6;
	v22 =	vmov s5;
	v27 =	vbroadcast v27, $0x0;
	[tilespmem:v25+s0+$0x0] =	vst.idx.msk $0xffff, v23;
	v23 =	vld [tilespmem:s6+$0x330]  }
0x75: {  	v17 =	vand.u32 $0x71, v17;
	v28 =	vor.u32 v3, v4;
	v4 =	vbroadcast v8, $0x0;
	v25 =	vld [tilespmem:s6+$0xFFFFFC30];
	[tilespmem:v18+s0+$0x0] =	vst.idx.msk $0xffff, v24;
	s6 =	sadd.s32 $0x800, s6  }
0x76: {  	v9 =	vand.u32 $0x72, v9;
	v8 =	vbroadcast v17, $0x0;
	v17 =	vld [tilespmem:s6+$0x380];
	v18 =	vor.u32 v0, v27;
	[tilespmem:v12+s0+$0x0] =	vst.idx.msk $0xffff, v26  }
0x77: {  	v10 =	vand.u32 $0x73, v10;
	v9 =	vbroadcast v9, $0x0;
	v26 =	vor.u32 v0, v4;
	v24 =	vld [tilespmem:s6+$0xFFFFFC00];
	[tilespmem:v7+s0+$0x0] =	vst.idx.msk $0xffff, v19  }
0x78: {  	v11 =	vand.u32 $0x74, v11;
	v10 =	vbroadcast v10, $0x0;
	s5 =	sadd.s32 $0xB, s14;
	v19 =	vor.u32 v0, v8;
	v7 =	vld [tilespmem:s6+$0xFFFFFC80];
	[tilespmem:v5+s0+$0x0] =	vst.idx.msk $0xffff, v21  }
0x79: {  	v11 =	vbroadcast v11, $0x0;
	v29 =	vmov s5;
	s5 =	sadd.s32 $0xC, s14;
	v21 =	vor.u32 v0, v9;
	v5 =	vld [tilespmem:s6+$0xFFFFFD00];
	[tilespmem:v6+s0+$0x0] =	vst.idx.msk $0xffff, v23  }
0x7a: {  	v12 =	vand.u32 $0x75, v14;
	v30 =	vmov s5;
	v23 =	vor.u32 v0, v10;
	v6 =	vld [tilespmem:s6+$0xFFFFFD80];
	[tilespmem:v28+s0+$0x0] =	vst.idx.msk $0xffff, v25  }
0x7b: {  	v14 =	vand.u32 $0x76, v15;
	v12 =	vbroadcast v12, $0x0;
	v28 =	vor.u32 v0, v11;
	v25 =	vld [tilespmem:s6+$0xFFFFFE00];
	[tilespmem:v18+s0+$0x0] =	vst.idx.msk $0xffff, v17  }
0x7c: {  	v13 =	vand.u32 $0x77, v13;
	v14 =	vbroadcast v14, $0x0;
	[tilespmem:v26+s0+$0x0] =	vst.idx.msk $0xffff, v24;
	v24 =	vld [tilespmem:s6+$0x390];
	v26 =	vor.u32 v1, v27  }
0x7d: {  	v17 =	vbroadcast v13, $0x0;
	v13 =	vand.u32 $0x78, v16;
	[tilespmem:v19+s0+$0x0] =	vst.idx.msk $0xffff, v7;
	v7 =	vld [tilespmem:s6+$0xFFFFFE80];
	v19 =	vor.u32 v0, v12  }
0x7e: {  	s5 =	sadd.s32 $0xD, s14;
	v15 =	vbroadcast v13, $0x0;
	v13 =	vand.u32 $0x79, v20;
	[tilespmem:v21+s0+$0x0] =	vst.idx.msk $0xffff, v5;
	v5 =	vld [tilespmem:s6+$0xFFFFFF00];
	v21 =	vor.u32 v0, v14  }
0x7f: {  	v20 =	vor.u32 v0, v17;
	v13 =	vbroadcast v13, $0x0;
	[tilespmem:v23+s0+$0x0] =	vst.idx.msk $0xffff, v6;
	v6 =	vld [tilespmem:s6+$0xFFFFFF80];
	v23 =	vmov s5;
	s5 =	sadd.s32 $0xE, s14;
	s14 =	smov.u32 s25  }
0x80: {  	v16 =	vand.u32 $0x7A, v22;
	[tilespmem:v28+s0+$0x0] =	vst.idx.msk $0xffff, v25;
	v25 =	vld [tilespmem:s6+$0x0];
	v28 =	vor.u32 v0, v15;
	v22 =	vmov s5  }
0x81: {  	v18 =	vbroadcast v16, $0x0;
	v16 =	vand.u32 $0x7B, v29;
	v32 =	vor.u32 v0, v13;
	v31 =	vld [tilespmem:s6+$0x80];
	[tilespmem:v26+s0+$0x0] =	vst.idx.msk $0xffff, v24  }
0x82: {  	v16 =	vbroadcast v16, $0x0;
	v24 =	vor.u32 v2, v27;
	[tilespmem:v19+s0+$0x0] =	vst.idx.msk $0xffff, v7;
	v7 =	vand.u32 $0x7C, v30;
	v19 =	vld [tilespmem:s6+$0x3A0]  }
0x83: {  	v26 =	vor.u32 v0, v18;
	[tilespmem:v21+s0+$0x0] =	vst.idx.msk $0xffff, v5;
	v21 =	vld [tilespmem:s6+$0x100];
	v7 =	vbroadcast v7, $0x0;
	v5 =	vand.u32 $0x7D, v23  }
0x84: {  	v23 =	vor.u32 v0, v16;
	[tilespmem:v20+s0+$0x0] =	vst.idx.msk $0xffff, v6;
	v20 =	vld [tilespmem:s6+$0x180];
	v5 =	vbroadcast v5, $0x0;
	v6 =	vand.u32 $0x7E, v22  }
0x85: {  	[tilespmem:v28+s0+$0x0] =	vst.idx.msk $0xffff, v25;
	v22 =	vld [tilespmem:s6+$0x200];
	v25 =	vor.u32 v0, v7;
	v6 =	vbroadcast v6, $0x0  }
0x86: {  	[tilespmem:v32+s0+$0x0] =	vst.idx.msk $0xffff, v31;
	v28 =	vld [tilespmem:s6+$0x280];
	v29 =	vor.u32 v0, v5  }
0x87: {  	v30 =	vld [tilespmem:s6+$0x300];
	v31 =	vor.u32 v0, v6;
	[tilespmem:v24+s0+$0x0] =	vst.idx.msk $0xffff, v19  }
0x88: {  	[tilespmem:v26+s0+$0x0] =	vst.idx.msk $0xffff, v21;
	v19 =	vld [tilespmem:s6+$0x3B0];
	v21 =	vor.u32 v3, v27  }
0x89: {  	v26 =	vor.u32 v1, v8;
	v24 =	vld [tilespmem:s6+$0xFFFFFC90];
	[tilespmem:v23+s0+$0x0] =	vst.idx.msk $0xffff, v20  }
0x8a: {  	v23 =	vor.u32 v1, v9;
	v20 =	vld [tilespmem:s6+$0xFFFFFD10];
	[tilespmem:v25+s0+$0x0] =	vst.idx.msk $0xffff, v22  }
0x8b: {  	v25 =	vor.u32 v1, v10;
	v22 =	vld [tilespmem:s6+$0xFFFFFD90];
	[tilespmem:v29+s0+$0x0] =	vst.idx.msk $0xffff, v28  }
0x8c: {  	v28 =	vor.u32 v1, v11;
	v27 =	vld [tilespmem:s6+$0xFFFFFE10];
	[tilespmem:v31+s0+$0x0] =	vst.idx.msk $0xffff, v30  }
0x8d: {  	v30 =	vor.u32 v1, v12;
	v29 =	vld [tilespmem:s6+$0xFFFFFE90];
	[tilespmem:v21+s0+$0x0] =	vst.idx.msk $0xffff, v19  }
0x8e: {  	v21 =	vor.u32 v1, v14;
	[tilespmem:v26+s0+$0x0] =	vst.idx.msk $0xffff, v24;
	v19 =	vld [tilespmem:s6+$0xFFFFFF10]  }
0x8f: {  	[tilespmem:v23+s0+$0x0] =	vst.idx.msk $0xffff, v20;
	v20 =	vld [tilespmem:s6+$0xFFFFFF90];
	v23 =	vor.u32 v1, v17  }
0x90: {  	v24 =	vor.u32 v1, v15;
	[tilespmem:v25+s0+$0x0] =	vst.idx.msk $0xffff, v22;
	v22 =	vld [tilespmem:s6+$0x10]  }
0x91: {  	v26 =	vor.u32 v1, v13;
	[tilespmem:v28+s0+$0x0] =	vst.idx.msk $0xffff, v27;
	v25 =	vld [tilespmem:s6+$0x90]  }
0x92: {  	v28 =	vor.u32 v1, v18;
	[tilespmem:v30+s0+$0x0] =	vst.idx.msk $0xffff, v29;
	v27 =	vld [tilespmem:s6+$0x110]  }
0x93: {  	[tilespmem:v21+s0+$0x0] =	vst.idx.msk $0xffff, v19;
	v19 =	vld [tilespmem:s6+$0x190];
	v21 =	vor.u32 v1, v16  }
0x94: {  	[tilespmem:v23+s0+$0x0] =	vst.idx.msk $0xffff, v20;
	v20 =	vld [tilespmem:s6+$0x210];
	v23 =	vor.u32 v1, v7  }
0x95: {  	[tilespmem:v24+s0+$0x0] =	vst.idx.msk $0xffff, v22;
	v22 =	vld [tilespmem:s6+$0x290];
	v24 =	vor.u32 v1, v5  }
0x96: {  	[tilespmem:v26+s0+$0x0] =	vst.idx.msk $0xffff, v25;
	v25 =	vld [tilespmem:s6+$0x310];
	v26 =	vor.u32 v1, v6  }
0x97: {  	v30 =	vor.u32 v1, v4;
	v29 =	vld [tilespmem:s6+$0xFFFFFC10];
	[tilespmem:v28+s0+$0x0] =	vst.idx.msk $0xffff, v27  }
0x98: {  	v28 =	vor.u32 v2, v8;
	v27 =	vld [tilespmem:s6+$0xFFFFFCA0];
	[tilespmem:v21+s0+$0x0] =	vst.idx.msk $0xffff, v19  }
0x99: {  	v21 =	vor.u32 v2, v9;
	v19 =	vld [tilespmem:s6+$0xFFFFFD20];
	[tilespmem:v23+s0+$0x0] =	vst.idx.msk $0xffff, v20  }
0x9a: {  	v23 =	vor.u32 v2, v10;
	v20 =	vld [tilespmem:s6+$0xFFFFFDA0];
	[tilespmem:v24+s0+$0x0] =	vst.idx.msk $0xffff, v22  }
0x9b: {  	v24 =	vor.u32 v2, v11;
	v22 =	vld [tilespmem:s6+$0xFFFFFE20];
	[tilespmem:v26+s0+$0x0] =	vst.idx.msk $0xffff, v25  }
0x9c: {  	v26 =	vor.u32 v2, v12;
	[tilespmem:v30+s0+$0x0] =	vst.idx.msk $0xffff, v29;
	v25 =	vld [tilespmem:s6+$0xFFFFFEA0]  }
0x9d: {  	[tilespmem:v28+s0+$0x0] =	vst.idx.msk $0xffff, v27;
	v27 =	vld [tilespmem:s6+$0xFFFFFF20];
	v28 =	vor.u32 v2, v14  }
0x9e: {  	[tilespmem:v21+s0+$0x0] =	vst.idx.msk $0xffff, v19;
	v19 =	vld [tilespmem:s6+$0xFFFFFFA0];
	v21 =	vor.u32 v2, v17  }
0x9f: {  	[tilespmem:v23+s0+$0x0] =	vst.idx.msk $0xffff, v20;
	v20 =	vld [tilespmem:s6+$0x20];
	v23 =	vor.u32 v2, v15  }
0xa0: {  	[tilespmem:v24+s0+$0x0] =	vst.idx.msk $0xffff, v22;
	v22 =	vld [tilespmem:s6+$0xA0];
	v24 =	vor.u32 v2, v13  }
0xa1: {  	[tilespmem:v26+s0+$0x0] =	vst.idx.msk $0xffff, v25;
	v25 =	vld [tilespmem:s6+$0x120];
	v26 =	vor.u32 v2, v18  }
0xa2: {  	[tilespmem:v28+s0+$0x0] =	vst.idx.msk $0xffff, v27;
	v27 =	vld [tilespmem:s6+$0x1A0];
	v28 =	vor.u32 v2, v16  }
0xa3: {  	[tilespmem:v21+s0+$0x0] =	vst.idx.msk $0xffff, v19;
	v19 =	vld [tilespmem:s6+$0x220];
	v21 =	vor.u32 v2, v7  }
0xa4: {  	[tilespmem:v23+s0+$0x0] =	vst.idx.msk $0xffff, v20;
	v20 =	vld [tilespmem:s6+$0x2A0];
	v23 =	vor.u32 v2, v5  }
0xa5: {  	[tilespmem:v24+s0+$0x0] =	vst.idx.msk $0xffff, v22;
	v22 =	vld [tilespmem:s6+$0x320];
	v24 =	vor.u32 v2, v6  }
0xa6: {  	v30 =	vor.u32 v2, v4;
	v29 =	vld [tilespmem:s6+$0xFFFFFC20];
	[tilespmem:v26+s0+$0x0] =	vst.idx.msk $0xffff, v25  }
0xa7: {  	v8 =	vor.u32 v3, v8;
	v25 =	vld [tilespmem:s6+$0xFFFFFCB0];
	[tilespmem:v28+s0+$0x0] =	vst.idx.msk $0xffff, v27  }
0xa8: {  	v9 =	vor.u32 v3, v9;
	v26 =	vld [tilespmem:s6+$0xFFFFFD30];
	[tilespmem:v21+s0+$0x0] =	vst.idx.msk $0xffff, v19  }
0xa9: {  	v10 =	vor.u32 v3, v10;
	v21 =	vld [tilespmem:s6+$0xFFFFFDB0];
	[tilespmem:v23+s0+$0x0] =	vst.idx.msk $0xffff, v20  }
0xaa: {  	v11 =	vor.u32 v3, v11;
	v23 =	vld [tilespmem:s6+$0xFFFFFE30];
	[tilespmem:v24+s0+$0x0] =	vst.idx.msk $0xffff, v22  }
0xab: {  	v12 =	vor.u32 v3, v12;
	[tilespmem:v30+s0+$0x0] =	vst.idx.msk $0xffff, v29;
	v24 =	vld [tilespmem:s6+$0xFFFFFEB0]  }
0xac: {  	v28 =	vor.u32 v3, v14;
	[tilespmem:v8+s0+$0x0] =	vst.idx.msk $0xffff, v25;
	v27 =	vld [tilespmem:s6+$0xFFFFFF30]  }
.Ltmp0:
0xad: {  	s5 =	sadd.s32 $0x1, s25;
	v20 =	vor.u32 v3, v17;
	v8 =	vmov s25;
	[tilespmem:v9+s0+$0x0] =	vst.idx.msk $0xffff, v26;
	v19 =	vld [tilespmem:s6+$0xFFFFFFB0];
	(pc) =	sbr.rel @p1 .LBB2_3-.Ltmp0, $4  }
0xae: {  	s20 =	sadd.s32 $0x3, s25;
	v17 =	vmov s5;
	s5 =	sadd.s32 $0x2, s25;
	v22 =	vor.u32 v3, v15;
	v8 =	vand.u32 $0x70, v8;
	[tilespmem:v10+s0+$0x0] =	vst.idx.msk $0xffff, v21;
	v21 =	vld [tilespmem:s6+$0x30]  }
0xaf: {  	v25 =	vor.u32 v3, v13;
	v9 =	vmov s5;
	s5 =	sadd.s32 $0x4, s25;
	v10 =	vmov s20;
	s20 =	sadd.s32 $0x5, s25;
	[tilespmem:v11+s0+$0x0] =	vst.idx.msk $0xffff, v23;
	v23 =	vld [tilespmem:s6+$0xB0]  }
0xb0: {  	v18 =	vor.u32 v3, v18;
	v11 =	vmov s5;
	v14 =	vmov s20;
	s5 =	sadd.s32 $0x6, s25;
	s20 =	sadd.s32 $0x7, s25;
	[tilespmem:v12+s0+$0x0] =	vst.idx.msk $0xffff, v24;
	v24 =	vld [tilespmem:s6+$0x130]  }
0xb1: {  	s23 =	sadd.s32 $0x8, s14;
	s25 =	sadd.s32 $0x10, s25;
	v15 =	vmov s5;
	v13 =	vmov s20;
	s20 =	sadd.s32 $0xF, s14;
	v12 =	vor.u32 v3, v16;
	[tilespmem:v28+s0+$0x0] =	vst.idx.msk $0xffff, v27;
	v26 =	vld [tilespmem:s6+$0x1B0]  }
0xb2: {  	_ =	sdelay $0x3  }
0xb3: {  	v27 =	vmov s20;
	[tilespmem:v20+s0+$0x0] =	vst.idx.msk $0xffff, v19;
	v19 =	vld [tilespmem:s6+$0x230];
	v7 =	vor.u32 v3, v7  }
0xb4: {  	v29 =	vor.u32 v3, v4;
	v27 =	vand.u32 $0x7F, v27;
	[tilespmem:v22+s0+$0x0] =	vst.idx.msk $0xffff, v21;
	v21 =	vld [tilespmem:s6+$0x2B0];
	v22 =	vor.u32 v3, v5  }
0xb5: {  	s5 =	sadd.s32 $0x9, s14;
	v27 =	vbroadcast v27, $0x0;
	[tilespmem:v25+s0+$0x0] =	vst.idx.msk $0xffff, v23;
	v23 =	vld [tilespmem:s6+$0x330];
	v25 =	vor.u32 v3, v6;
	v6 =	vand.u32 $0x71, v17  }
0xb6: {  	v20 =	vmov s5;
	v5 =	vbroadcast v8, $0x0;
	v17 =	vld [tilespmem:s6+$0xFFFFFC30];
	s6 =	sadd.s32 $0x800, s6;
	[tilespmem:v18+s0+$0x0] =	vst.idx.msk $0xffff, v24;
	v4 =	vbroadcast v6, $0x0  }
0xb7: {  	v8 =	vand.u32 $0x73, v10;
	v6 =	vand.u32 $0x72, v9;
	v18 =	vld [tilespmem:s6+$0x380];
	v24 =	vor.u32 v0, v27;
	[tilespmem:v12+s0+$0x0] =	vst.idx.msk $0xffff, v26  }
0xb8: {  	v12 =	vld [tilespmem:s6+$0xFFFFFC00];
	v26 =	vor.u32 v0, v5;
	v6 =	vbroadcast v6, $0x0;
	[tilespmem:v7+s0+$0x0] =	vst.idx.msk $0xffff, v19;
	v30 =	vor.u32 v0, v4  }
0xb9: {  	v19 =	vld [tilespmem:s6+$0xFFFFFC80];
	v7 =	vbroadcast v8, $0x0;
	v8 =	vand.u32 $0x74, v11;
	v11 =	vand.u32 $0x77, v13;
	[tilespmem:v22+s0+$0x0] =	vst.idx.msk $0xffff, v21  }
0xba: {  	v13 =	vand.u32 $0x79, v20;
	v21 =	vld [tilespmem:s6+$0xFFFFFD00];
	v22 =	vor.u32 v0, v6;
	v8 =	vbroadcast v8, $0x0;
	[tilespmem:v25+s0+$0x0] =	vst.idx.msk $0xffff, v23  }
0xbb: {  	v13 =	vbroadcast v13, $0x0;
	v23 =	vld [tilespmem:s6+$0xFFFFFD80];
	v25 =	vor.u32 v0, v7;
	[tilespmem:v29+s0+$0x0] =	vst.idx.msk $0xffff, v17  }
0xbc: {  	v9 =	vand.u32 $0x75, v14;
	v14 =	vld [tilespmem:s6+$0xFFFFFE00];
	v17 =	vor.u32 v0, v8;
	[tilespmem:v24+s0+$0x0] =	vst.idx.msk $0xffff, v18  }
0xbd: {  	v10 =	vand.u32 $0x76, v15;
	v55 =	vld [tilespmem:s6+$0x80];
	v9 =	vbroadcast v9, $0x0;
	v56 =	vor.u32 v0, v13;
	[tilespmem:v26+s0+$0x0] =	vst.idx.msk $0xffff, v12  }
0xbe: {  	v10 =	vbroadcast v10, $0x0;
	v18 =	vor.u32 v1, v27;
	v15 =	vld [tilespmem:s6+$0x390];
	[tilespmem:v30+s0+$0x0] =	vst.idx.msk $0xffff, v19  }
0xbf: {  	v16 =	vmov s23;
	v24 =	vor.u32 v0, v9;
	v19 =	vld [tilespmem:s6+$0xFFFFFE80];
	[tilespmem:v22+s0+$0x0] =	vst.idx.msk $0xffff, v21  }
0xc0: {  	s25 =	sadd.s32 $0xA, s14;
	v11 =	vbroadcast v11, $0x0;
	v12 =	vand.u32 $0x78, v16;
	v16 =	vld [tilespmem:s6+$0xFFFFFF00];
	v21 =	vor.u32 v0, v10;
	[tilespmem:v25+s0+$0x0] =	vst.idx.msk $0xffff, v23  }
0xc1: {  	v28 =	vmov s25;
	v35 =	vor.u32 v1, v5;
	v12 =	vbroadcast v12, $0x0;
	v34 =	vld [tilespmem:s6+$0xFFFFFC10];
	[tilespmem:v17+s0+$0x0] =	vst.idx.msk $0xffff, v14  }
0xc2: {  	v20 =	vld [tilespmem:s6+$0xFFFFFF80];
	v22 =	vor.u32 v0, v11;
	v14 =	vand.u32 $0x7A, v28;
	[tilespmem:v56+s0+$0x0] =	vst.idx.msk $0xffff, v55  }
0xc3: {  	s20 =	sadd.s32 $0xB, s14;
	s23 =	sadd.s32 $0xC, s14;
	v25 =	vld [tilespmem:s6+$0x0];
	v26 =	vor.u32 v0, v12;
	v14 =	vbroadcast v14, $0x0;
	[tilespmem:v18+s0+$0x0] =	vst.idx.msk $0xffff, v15  }
0xc4: {  	v31 =	vmov s20;
	v32 =	vmov s23;
	[tilespmem:v24+s0+$0x0] =	vst.idx.msk $0xffff, v19;
	v24 =	vor.u32 v2, v27;
	v19 =	vld [tilespmem:s6+$0x3A0]  }
0xc5: {  	s25 =	sadd.s32 $0xD, s14;
	v63 =	vor.u32 v1, v9;
	v17 =	vand.u32 $0x7B, v31;
	[tilespmem:v21+s0+$0x0] =	vst.idx.msk $0xffff, v16;
	v21 =	vld [tilespmem:s6+$0x100];
	v57 =	vor.u32 v0, v14  }
0xc6: {  	v23 =	vmov s25;
	v15 =	vbroadcast v17, $0x0;
	v17 =	vand.u32 $0x7C, v32;
	[tilespmem:v35+s0+$0x0] =	vst.idx.msk $0xffff, v34;
	v62 =	vld [tilespmem:s6+$0xFFFFFE90]  }
0xc7: {  	v39 =	vor.u32 v2, v5;
	v16 =	vbroadcast v17, $0x0;
	v17 =	vand.u32 $0x7D, v23;
	[tilespmem:v22+s0+$0x0] =	vst.idx.msk $0xffff, v20;
	v29 =	vld [tilespmem:s6+$0xFFFFFC20]  }
0xc8: {  	v20 =	vld [tilespmem:s6+$0x180];
	v22 =	vor.u32 v0, v15;
	v17 =	vbroadcast v17, $0x0;
	[tilespmem:v26+s0+$0x0] =	vst.idx.msk $0xffff, v25  }
0xc9: {  	v23 =	vld [tilespmem:s6+$0x200];
	v25 =	vor.u32 v0, v16;
	[tilespmem:v24+s0+$0x0] =	vst.idx.msk $0xffff, v19  }
0xca: {  	v26 =	vld [tilespmem:s6+$0x280];
	v58 =	vor.u32 v0, v17;
	[tilespmem:v57+s0+$0x0] =	vst.idx.msk $0xffff, v21  }
0xcb: {  	s14 =	sadd.s32 $0xE, s14;
	v21 =	vor.u32 v3, v27;
	v24 =	vld [tilespmem:s6+$0xFFFFFC90];
	v27 =	vor.u32 v1, v4;
	[tilespmem:v63+s0+$0x0] =	vst.idx.msk $0xffff, v62  }
0xcc: {  	v54 =	vmov s14;
	[tilespmem:v39+s0+$0x0] =	vst.idx.msk $0xffff, v29;
	v19 =	vld [tilespmem:s6+$0x3B0]  }
0xcd: {  	v18 =	vand.u32 $0x7E, v54;
	[tilespmem:v22+s0+$0x0] =	vst.idx.msk $0xffff, v20;
	v20 =	vld [tilespmem:s6+$0xFFFFFD10];
	v22 =	vor.u32 v1, v6  }
0xce: {  	v18 =	vbroadcast v18, $0x0;
	[tilespmem:v25+s0+$0x0] =	vst.idx.msk $0xffff, v23;
	v23 =	vld [tilespmem:s6+$0xFFFFFD90];
	v25 =	vor.u32 v1, v7  }
0xcf: {  	v61 =	vor.u32 v1, v8;
	[tilespmem:v58+s0+$0x0] =	vst.idx.msk $0xffff, v26;
	v26 =	vld [tilespmem:s6+$0xFFFFFE10]  }
0xd0: {  	v59 =	vld [tilespmem:s6+$0x300];
	v60 =	vor.u32 v0, v18;
	[tilespmem:v27+s0+$0x0] =	vst.idx.msk $0xffff, v24  }
0xd1: {  	[tilespmem:v21+s0+$0x0] =	vst.idx.msk $0xffff, v19;
	v19 =	vld [tilespmem:s6+$0xFFFFFF10];
	v21 =	vor.u32 v1, v10  }
0xd2: {  	[tilespmem:v22+s0+$0x0] =	vst.idx.msk $0xffff, v20;
	v20 =	vld [tilespmem:s6+$0xFFFFFF90];
	v22 =	vor.u32 v1, v11  }
0xd3: {  	v24 =	vor.u32 v1, v12;
	[tilespmem:v25+s0+$0x0] =	vst.idx.msk $0xffff, v23;
	v23 =	vld [tilespmem:s6+$0x10]  }
0xd4: {  	v25 =	vld [tilespmem:s6+$0x90];
	[tilespmem:v61+s0+$0x0] =	vst.idx.msk $0xffff, v26;
	v26 =	vor.u32 v1, v13  }
0xd5: {  	v33 =	vor.u32 v1, v14;
	[tilespmem:v60+s0+$0x0] =	vst.idx.msk $0xffff, v59;
	v27 =	vld [tilespmem:s6+$0x110]  }
0xd6: {  	[tilespmem:v21+s0+$0x0] =	vst.idx.msk $0xffff, v19;
	v19 =	vld [tilespmem:s6+$0x190];
	v21 =	vor.u32 v1, v15  }
0xd7: {  	[tilespmem:v22+s0+$0x0] =	vst.idx.msk $0xffff, v20;
	v20 =	vld [tilespmem:s6+$0x210];
	v22 =	vor.u32 v1, v16  }
0xd8: {  	[tilespmem:v24+s0+$0x0] =	vst.idx.msk $0xffff, v23;
	v23 =	vld [tilespmem:s6+$0x290];
	v24 =	vor.u32 v1, v17  }
0xd9: {  	[tilespmem:v26+s0+$0x0] =	vst.idx.msk $0xffff, v25;
	v25 =	vld [tilespmem:s6+$0x310];
	v26 =	vor.u32 v1, v18  }
0xda: {  	v36 =	vor.u32 v2, v4;
	[tilespmem:v33+s0+$0x0] =	vst.idx.msk $0xffff, v27;
	v27 =	vld [tilespmem:s6+$0xFFFFFCA0]  }
0xdb: {  	[tilespmem:v21+s0+$0x0] =	vst.idx.msk $0xffff, v19;
	v19 =	vld [tilespmem:s6+$0xFFFFFD20];
	v21 =	vor.u32 v2, v6  }
0xdc: {  	[tilespmem:v22+s0+$0x0] =	vst.idx.msk $0xffff, v20;
	v20 =	vld [tilespmem:s6+$0xFFFFFDA0];
	v22 =	vor.u32 v2, v7  }
0xdd: {  	[tilespmem:v24+s0+$0x0] =	vst.idx.msk $0xffff, v23;
	v23 =	vld [tilespmem:s6+$0xFFFFFE20];
	v24 =	vor.u32 v2, v8  }
0xde: {  	[tilespmem:v26+s0+$0x0] =	vst.idx.msk $0xffff, v25;
	v25 =	vld [tilespmem:s6+$0xFFFFFEA0];
	v26 =	vor.u32 v2, v9  }
0xdf: {  	v37 =	vor.u32 v2, v10;
	[tilespmem:v36+s0+$0x0] =	vst.idx.msk $0xffff, v27;
	v27 =	vld [tilespmem:s6+$0xFFFFFF20]  }
0xe0: {  	[tilespmem:v21+s0+$0x0] =	vst.idx.msk $0xffff, v19;
	v19 =	vld [tilespmem:s6+$0xFFFFFFA0];
	v21 =	vor.u32 v2, v11  }
0xe1: {  	[tilespmem:v22+s0+$0x0] =	vst.idx.msk $0xffff, v20;
	v20 =	vld [tilespmem:s6+$0x20];
	v22 =	vor.u32 v2, v12  }
0xe2: {  	[tilespmem:v24+s0+$0x0] =	vst.idx.msk $0xffff, v23;
	v23 =	vld [tilespmem:s6+$0xA0];
	v24 =	vor.u32 v2, v13  }
0xe3: {  	[tilespmem:v26+s0+$0x0] =	vst.idx.msk $0xffff, v25;
	v25 =	vld [tilespmem:s6+$0x120];
	v26 =	vor.u32 v2, v14  }
0xe4: {  	v38 =	vor.u32 v2, v15;
	[tilespmem:v37+s0+$0x0] =	vst.idx.msk $0xffff, v27;
	v27 =	vld [tilespmem:s6+$0x1A0]  }
0xe5: {  	[tilespmem:v21+s0+$0x0] =	vst.idx.msk $0xffff, v19;
	v19 =	vld [tilespmem:s6+$0x220];
	v21 =	vor.u32 v2, v16  }
0xe6: {  	[tilespmem:v22+s0+$0x0] =	vst.idx.msk $0xffff, v20;
	v20 =	vld [tilespmem:s6+$0x2A0];
	v22 =	vor.u32 v2, v17  }
0xe7: {  	[tilespmem:v24+s0+$0x0] =	vst.idx.msk $0xffff, v23;
	v23 =	vld [tilespmem:s6+$0x320];
	v24 =	vor.u32 v2, v18  }
0xe8: {  	v4 =	vor.u32 v3, v4;
	[tilespmem:v26+s0+$0x0] =	vst.idx.msk $0xffff, v25;
	v25 =	vld [tilespmem:s6+$0xFFFFFCB0]  }
0xe9: {  	v6 =	vor.u32 v3, v6;
	[tilespmem:v38+s0+$0x0] =	vst.idx.msk $0xffff, v27;
	v26 =	vld [tilespmem:s6+$0xFFFFFD30]  }
0xea: {  	v7 =	vor.u32 v3, v7;
	[tilespmem:v21+s0+$0x0] =	vst.idx.msk $0xffff, v19;
	v19 =	vld [tilespmem:s6+$0xFFFFFDB0]  }
0xeb: {  	v8 =	vor.u32 v3, v8;
	[tilespmem:v22+s0+$0x0] =	vst.idx.msk $0xffff, v20;
	v20 =	vld [tilespmem:s6+$0xFFFFFE30]  }
0xec: {  	v9 =	vor.u32 v3, v9;
	v21 =	vld [tilespmem:s6+$0xFFFFFEB0];
	[tilespmem:v24+s0+$0x0] =	vst.idx.msk $0xffff, v23  }
0xed: {  	v10 =	vor.u32 v3, v10;
	[tilespmem:v4+s0+$0x0] =	vst.idx.msk $0xffff, v25;
	v4 =	vld [tilespmem:s6+$0xFFFFFF30]  }
0xee: {  	v11 =	vor.u32 v3, v11;
	[tilespmem:v6+s0+$0x0] =	vst.idx.msk $0xffff, v26;
	v6 =	vld [tilespmem:s6+$0xFFFFFFB0]  }
0xef: {  	v12 =	vor.u32 v3, v12;
	[tilespmem:v7+s0+$0x0] =	vst.idx.msk $0xffff, v19;
	v7 =	vld [tilespmem:s6+$0x30]  }
0xf0: {  	v13 =	vor.u32 v3, v13;
	[tilespmem:v8+s0+$0x0] =	vst.idx.msk $0xffff, v20;
	v8 =	vld [tilespmem:s6+$0xB0]  }
0xf1: {  	v14 =	vor.u32 v3, v14;
	[tilespmem:v9+s0+$0x0] =	vst.idx.msk $0xffff, v21;
	v9 =	vld [tilespmem:s6+$0x130]  }
0xf2: {  	[tilespmem:v10+s0+$0x0] =	vst.idx.msk $0xffff, v4;
	v4 =	vld [tilespmem:s6+$0x1B0];
	v10 =	vor.u32 v3, v15  }
0xf3: {  	[tilespmem:v11+s0+$0x0] =	vst.idx.msk $0xffff, v6;
	v6 =	vld [tilespmem:s6+$0x230];
	v11 =	vor.u32 v3, v16  }
0xf4: {  	v5 =	vor.u32 v3, v5;
	v15 =	vld [tilespmem:s6+$0xFFFFFC30];
	[tilespmem:v12+s0+$0x0] =	vst.idx.msk $0xffff, v7  }
0xf5: {  	v7 =	vld [tilespmem:s6+$0x2B0];
	v12 =	vor.u32 v3, v17;
	[tilespmem:v13+s0+$0x0] =	vst.idx.msk $0xffff, v8  }
0xf6: {  	v8 =	vld [tilespmem:s6+$0x330];
	v13 =	vor.u32 v3, v18;
	[tilespmem:v14+s0+$0x0] =	vst.idx.msk $0xffff, v9  }
0xf7: {  	[tilespmem:v10+s0+$0x0] =	vst.idx.msk $0xffff, v4  }
0xf8: {  	[tilespmem:v11+s0+$0x0] =	vst.idx.msk $0xffff, v6  }
0xf9: {  	[tilespmem:v5+s0+$0x0] =	vst.idx.msk $0xffff, v15  }
0xfa: {  	s20 =	sshll.u32 s24, $0x11;
	[tilespmem:v12+s0+$0x0] =	vst.idx.msk $0xffff, v7  }
0xfb: {  	s23 =	sadd.s32 $0x3800, s26;
	s5 =	sadd.s32 s20, s13;
	[tilespmem:v13+s0+$0x0] =	vst.idx.msk $0xffff, v8  }
0xfc: {  	[hbm4b:s5+s15] =	stream.strided.scatter [tilespmem:s0], [sflag:$0x3], $0x2000, s16, s15, $0x38;
	[tilespmem:$0x13000] =	vst v63  }
0xfd: {  	s14 =	simm.s32 $0x2;
	s20 =	simm.s32 $0x3;
	_ =	swait.ge [sflag:s1], $0x4000  }
0xfe: {  	s25 =	simm.s32 $0x0;
	s6 =	simm.s32 $0x1;
	[sflag:s1] =	ssyncset.done $0x0  }
0xff: {  	v6 =	vmov s14;
	s14 =	simm.s32 $0xF;
	v7 =	vmov s20;
	s20 =	simm.s32 @!p0 $0x4;
	[sflag:s1] =	ssyncadd.s32 $0xFFFFC000  }
0x100: {  	v8 =	vmov s14;
	[tilespmem:s29], [sflag:$0x1] =	stream.indirect.gather [hbm4b:s4+s28], $0x80, s23, s28, $0xb8;
	[tilespmem:$0x13000] =	vst v63  }
0x101: {  	v4 =	vmov s25;
	v5 =	vmov s6;
	v8 =	vand.u32 $0x7F, v8;
	_ =	swait.ge @!p0 [sflag:s20], $0x2000  }
0x102: {  	v4 =	vand.u32 $0x70, v4;
	v5 =	vand.u32 $0x71, v5;
	v20 =	vbroadcast v8, $0x0;
	[sflag:s20] =	ssyncset.done @!p0 $0x0  }
0x103: {  	s25 =	simm.s32 $0x5;
	s6 =	simm.s32 $0xB7B0;
	v4 =	vbroadcast v4, $0x0;
	v8 =	vbroadcast v5, $0x0;
	v5 =	vand.u32 $0x72, v6;
	[sflag:s20] =	ssyncadd.s32 @!p0 $0xFFFFE000  }
0x104: {  	v12 =	vmov s25;
	v9 =	vbroadcast v5, $0x0;
	v15 =	vor.u32 v0, v20;
	s23 =	simm.s32 $0x4;
	v6 =	vld [tilespmem:s6+$0xFFFFFFD0]  }
0x105: {  	v5 =	vand.u32 $0x73, v7;
	v23 =	vor.u32 v0, v8;
	v11 =	vmov s23;
	v7 =	vld [tilespmem:s6+$0xFFFFF8D0]  }
0x106: {  	v22 =	vor.u32 v0, v4;
	v10 =	vbroadcast v5, $0x0;
	v5 =	vand.u32 $0x74, v11;
	v18 =	vld [tilespmem:s6+$0xFFFFF850]  }
0x107: {  	s25 =	simm.s32 $0x7;
	v12 =	vand.u32 $0x75, v12;
	v25 =	vor.u32 v0, v9;
	v11 =	vbroadcast v5, $0x0;
	v24 =	vld [tilespmem:s6+$0xFFFFF950]  }
0x108: {  	v16 =	vmov s25;
	v14 =	vbroadcast v12, $0x0;
	s23 =	simm.s32 $0x6;
	v27 =	vor.u32 v0, v10;
	v26 =	vld [tilespmem:s6+$0xFFFFF9D0]  }
0x109: {  	v55 =	vor.u32 v1, v4;
	v13 =	vmov s23;
	s23 =	simm.s32 $0x8;
	v41 =	vld [tilespmem:s6+$0xFFFFFA50];
	v42 =	vor.u32 v0, v11;
	[tilespmem:v15+s17+$0x0] =	vst.idx.msk $0xffff, v6  }
0x10a: {  	v17 =	vmov s23;
	v12 =	vand.u32 $0x76, v13;
	[tilespmem:v23+s17+$0x0] =	vst.idx.msk $0xffff, v7;
	v7 =	vld [tilespmem:s6+$0xFFFFFAD0];
	v23 =	vor.u32 v0, v14  }
0x10b: {  	s25 =	simm.s32 $0x9;
	[tilespmem:v22+s17+$0x0] =	vst.idx.msk $0xffff, v18;
	v15 =	vbroadcast v12, $0x0;
	v6 =	vand.u32 $0x77, v16;
	v22 =	vor.u32 v1, v20;
	v12 =	vld [tilespmem:s6+$0xFFFFFFE0]  }
0x10c: {  	v19 =	vmov s25;
	[tilespmem:v25+s17+$0x0] =	vst.idx.msk $0xffff, v24;
	v18 =	vbroadcast v6, $0x0;
	v6 =	vand.u32 $0x78, v17;
	v54 =	vld [tilespmem:s6+$0xFFFFF860]  }
0x10d: {  	v24 =	vld [tilespmem:s6+$0xFFFFFB50];
	[tilespmem:v27+s17+$0x0] =	vst.idx.msk $0xffff, v26;
	v25 =	vor.u32 v0, v15;
	v16 =	vbroadcast v6, $0x0;
	v6 =	vand.u32 $0x79, v19  }
0x10e: {  	s14 =	simm.s32 $0xA;
	[tilespmem:v42+s17+$0x0] =	vst.idx.msk $0xffff, v41;
	v19 =	vld [tilespmem:s6+$0xFFFFFBD0];
	v26 =	vor.u32 v0, v18;
	v13 =	vbroadcast v6, $0x0  }
0x10f: {  	v21 =	vmov s14;
	v27 =	vld [tilespmem:s6+$0xFFFFFC50];
	v43 =	vor.u32 v0, v16;
	[tilespmem:v23+s17+$0x0] =	vst.idx.msk $0xffff, v7  }
0x110: {  	v52 =	vor.u32 v1, v14;
	s20 =	simm.s32 $0xB;
	s23 =	simm.s32 $0xC;
	v44 =	vld [tilespmem:s6+$0xFFFFFCD0];
	v17 =	vand.u32 $0x7A, v21;
	v45 =	vor.u32 v0, v13;
	[tilespmem:v22+s17+$0x0] =	vst.idx.msk $0xffff, v12  }
0x111: {  	s25 =	simm.s32 $0xD;
	v5 =	vmov s20;
	v40 =	vmov s23;
	v17 =	vbroadcast v17, $0x0;
	v51 =	vld [tilespmem:s6+$0xFFFFFAE0];
	[tilespmem:v55+s17+$0x0] =	vst.idx.msk $0xffff, v54  }
0x112: {  	v5 =	vand.u32 $0x7B, v5;
	v6 =	vmov s25;
	v23 =	vor.u32 v2, v20;
	v22 =	vld [tilespmem:s6+$0xFFFFFFF0];
	[tilespmem:v25+s17+$0x0] =	vst.idx.msk $0xffff, v24  }
0x113: {  	v12 =	vbroadcast v5, $0x0;
	v5 =	vand.u32 $0x7C, v40;
	v24 =	vld [tilespmem:s6+$0xFFFFFD50];
	v25 =	vor.u32 v0, v17;
	[tilespmem:v26+s17+$0x0] =	vst.idx.msk $0xffff, v19  }
0x114: {  	s14 =	simm.s32 $0xE;
	v59 =	vor.u32 v2, v4;
	v7 =	vbroadcast v5, $0x0;
	v5 =	vand.u32 $0x7D, v6;
	v29 =	vld [tilespmem:s6+$0xFFFFF870];
	[tilespmem:v43+s17+$0x0] =	vst.idx.msk $0xffff, v27  }
0x115: {  	v21 =	vmov s14;
	v19 =	vld [tilespmem:s6+$0xFFFFFDD0];
	v26 =	vor.u32 v0, v12;
	v5 =	vbroadcast v5, $0x0;
	[tilespmem:v45+s17+$0x0] =	vst.idx.msk $0xffff, v44  }
0x116: {  	v6 =	vand.u32 $0x7E, v21;
	v21 =	vld [tilespmem:s6+$0xFFFFFE50];
	v27 =	vor.u32 v0, v7;
	[tilespmem:v52+s17+$0x0] =	vst.idx.msk $0xffff, v51  }
0x117: {  	v46 =	vld [tilespmem:s6+$0xFFFFFED0];
	v47 =	vor.u32 v0, v5;
	[tilespmem:v23+s17+$0x0] =	vst.idx.msk $0xffff, v22  }
0x118: {  	[tilespmem:v25+s17+$0x0] =	vst.idx.msk $0xffff, v24;
	v23 =	vld [tilespmem:s6+$0xFFFFF8E0];
	v24 =	vor.u32 v1, v8  }
0x119: {  	v20 =	vor.u32 v3, v20;
	[tilespmem:v59+s17+$0x0] =	vst.idx.msk $0xffff, v29;
	v22 =	vld [tilespmem:s6+$0x0]  }
0x11a: {  	v6 =	vbroadcast v6, $0x0;
	v25 =	vor.u32 v1, v9;
	[tilespmem:v26+s17+$0x0] =	vst.idx.msk $0xffff, v19;
	v19 =	vld [tilespmem:s6+$0xFFFFF960]  }
0x11b: {  	v26 =	vor.u32 v1, v10;
	[tilespmem:v27+s17+$0x0] =	vst.idx.msk $0xffff, v21;
	v21 =	vld [tilespmem:s6+$0xFFFFF9E0]  }
0x11c: {  	v48 =	vld [tilespmem:s6+$0xFFFFFF50];
	v49 =	vor.u32 v0, v6;
	[tilespmem:v47+s17+$0x0] =	vst.idx.msk $0xffff, v46  }
0x11d: {  	v50 =	vor.u32 v1, v11;
	v27 =	vld [tilespmem:s6+$0xFFFFFA60];
	[tilespmem:v24+s17+$0x0] =	vst.idx.msk $0xffff, v23  }
0x11e: {  	[tilespmem:v20+s17+$0x0] =	vst.idx.msk $0xffff, v22;
	v20 =	vld [tilespmem:s6+$0xFFFFFB60];
	v22 =	vor.u32 v1, v15  }
0x11f: {  	v23 =	vor.u32 v1, v18;
	[tilespmem:v25+s17+$0x0] =	vst.idx.msk $0xffff, v19;
	v19 =	vld [tilespmem:s6+$0xFFFFFBE0]  }
0x120: {  	v24 =	vor.u32 v1, v16;
	[tilespmem:v26+s17+$0x0] =	vst.idx.msk $0xffff, v21;
	v21 =	vld [tilespmem:s6+$0xFFFFFC60]  }
0x121: {  	[tilespmem:v49+s17+$0x0] =	vst.idx.msk $0xffff, v48;
	v25 =	vld [tilespmem:s6+$0xFFFFFCE0];
	v26 =	vor.u32 v1, v13  }
0x122: {  	v53 =	vor.u32 v1, v17;
	[tilespmem:v50+s17+$0x0] =	vst.idx.msk $0xffff, v27;
	v27 =	vld [tilespmem:s6+$0xFFFFFD60]  }
0x123: {  	[tilespmem:v22+s17+$0x0] =	vst.idx.msk $0xffff, v20;
	v20 =	vld [tilespmem:s6+$0xFFFFFDE0];
	v22 =	vor.u32 v1, v12  }
0x124: {  	[tilespmem:v23+s17+$0x0] =	vst.idx.msk $0xffff, v19;
	v19 =	vld [tilespmem:s6+$0xFFFFFE60];
	v23 =	vor.u32 v1, v7  }
0x125: {  	[tilespmem:v24+s17+$0x0] =	vst.idx.msk $0xffff, v21;
	v21 =	vld [tilespmem:s6+$0xFFFFFEE0];
	v24 =	vor.u32 v1, v5  }
0x126: {  	[tilespmem:v26+s17+$0x0] =	vst.idx.msk $0xffff, v25;
	v25 =	vld [tilespmem:s6+$0xFFFFFF60];
	v26 =	vor.u32 v1, v6  }
0x127: {  	v56 =	vor.u32 v2, v8;
	[tilespmem:v53+s17+$0x0] =	vst.idx.msk $0xffff, v27;
	v27 =	vld [tilespmem:s6+$0xFFFFF8F0]  }
0x128: {  	[tilespmem:v22+s17+$0x0] =	vst.idx.msk $0xffff, v20;
	v20 =	vld [tilespmem:s6+$0xFFFFF970];
	v22 =	vor.u32 v2, v9  }
0x129: {  	[tilespmem:v23+s17+$0x0] =	vst.idx.msk $0xffff, v19;
	v19 =	vld [tilespmem:s6+$0xFFFFF9F0];
	v23 =	vor.u32 v2, v10  }
0x12a: {  	[tilespmem:v24+s17+$0x0] =	vst.idx.msk $0xffff, v21;
	v21 =	vld [tilespmem:s6+$0xFFFFFA70];
	v24 =	vor.u32 v2, v11  }
0x12b: {  	[tilespmem:v26+s17+$0x0] =	vst.idx.msk $0xffff, v25;
	v25 =	vld [tilespmem:s6+$0xFFFFFAF0];
	v26 =	vor.u32 v2, v14  }
0x12c: {  	v57 =	vor.u32 v2, v15;
	[tilespmem:v56+s17+$0x0] =	vst.idx.msk $0xffff, v27;
	v27 =	vld [tilespmem:s6+$0xFFFFFB70]  }
0x12d: {  	[tilespmem:v22+s17+$0x0] =	vst.idx.msk $0xffff, v20;
	v20 =	vld [tilespmem:s6+$0xFFFFFBF0];
	v22 =	vor.u32 v2, v18  }
0x12e: {  	[tilespmem:v23+s17+$0x0] =	vst.idx.msk $0xffff, v19;
	v19 =	vld [tilespmem:s6+$0xFFFFFC70];
	v23 =	vor.u32 v2, v16  }
0x12f: {  	[tilespmem:v24+s17+$0x0] =	vst.idx.msk $0xffff, v21;
	v21 =	vld [tilespmem:s6+$0xFFFFFCF0];
	v24 =	vor.u32 v2, v13  }
0x130: {  	[tilespmem:v26+s17+$0x0] =	vst.idx.msk $0xffff, v25;
	v25 =	vld [tilespmem:s6+$0xFFFFFD70];
	v26 =	vor.u32 v2, v17  }
0x131: {  	v58 =	vor.u32 v2, v12;
	[tilespmem:v57+s17+$0x0] =	vst.idx.msk $0xffff, v27;
	v27 =	vld [tilespmem:s6+$0xFFFFFDF0]  }
0x132: {  	v61 =	vor.u32 v3, v14;
	v60 =	vld [tilespmem:s6+$0xFFFFFB00];
	[tilespmem:v22+s17+$0x0] =	vst.idx.msk $0xffff, v20  }
0x133: {  	v20 =	vld [tilespmem:s6+$0xFFFFFE70];
	v22 =	vor.u32 v2, v7;
	[tilespmem:v23+s17+$0x0] =	vst.idx.msk $0xffff, v19  }
0x134: {  	v63 =	vor.u32 v3, v15;
	v62 =	vld [tilespmem:s6+$0xFFFFFB80];
	[tilespmem:v24+s17+$0x0] =	vst.idx.msk $0xffff, v21  }
0x135: {  	v19 =	vld [tilespmem:s6+$0xFFFFFEF0];
	v23 =	vor.u32 v2, v5;
	[tilespmem:v26+s17+$0x0] =	vst.idx.msk $0xffff, v25  }
0x136: {  	v21 =	vld [tilespmem:s6+$0xFFFFFF70];
	v24 =	vor.u32 v2, v6;
	[tilespmem:v58+s17+$0x0] =	vst.idx.msk $0xffff, v27  }
0x137: {  	v8 =	vor.u32 v3, v8;
	v25 =	vld [tilespmem:s6+$0xFFFFF900];
	[tilespmem:v61+s17+$0x0] =	vst.idx.msk $0xffff, v60  }
0x138: {  	v10 =	vor.u32 v3, v10;
	[tilespmem:v22+s17+$0x0] =	vst.idx.msk $0xffff, v20;
	v22 =	vld [tilespmem:s6+$0xFFFFFA00]  }
0x139: {  	v9 =	vor.u32 v3, v9;
	v26 =	vld [tilespmem:s6+$0xFFFFF980];
	[tilespmem:v63+s17+$0x0] =	vst.idx.msk $0xffff, v62  }
0x13a: {  	v11 =	vor.u32 v3, v11;
	v27 =	vld [tilespmem:s6+$0xFFFFFA80];
	[tilespmem:v23+s17+$0x0] =	vst.idx.msk $0xffff, v19  }
0x13b: {  	[tilespmem:v24+s17+$0x0] =	vst.idx.msk $0xffff, v21  }
0x13c: {  	s20 =	simm.s32 $0x11;
	v12 =	vor.u32 v3, v12;
	v20 =	vld [tilespmem:s6+$0xFFFFFC00];
	[tilespmem:v8+s17+$0x0] =	vst.idx.msk $0xffff, v25;
	v21 =	vor.u32 v3, v18  }
0x13d: {  	s23 =	simm.s32 $0x12;
	s14 =	simm.s32 $0x10;
	v17 =	vor.u32 v3, v17;
	v19 =	vmov s20;
	v23 =	vor.u32 v3, v16;
	[tilespmem:v10+s17+$0x0] =	vst.idx.msk $0xffff, v22;
	v22 =	vld [tilespmem:s6+$0xFFFFFC80]  }
0x13e: {  	s5 =	simm.s32 $0x18;
	s20 =	simm.s32 $0x14;
	v8 =	vmov s14;
	[tilespmem:v9+s17+$0x0] =	vst.idx.msk $0xffff, v26;
	v9 =	vmov s23;
	s23 =	simm.s32 $0x15;
	v24 =	vld [tilespmem:s6+$0xFFFFFD00];
	v26 =	vor.u32 v3, v13  }
0x13f: {  	s25 =	simm.s32 $0x13;
	[tilespmem:v11+s17+$0x0] =	vst.idx.msk $0xffff, v27;
	v11 =	vmov s20;
	s20 =	simm.s32 $0x16;
	v25 =	vld [tilespmem:s6+$0xFFFFFD80];
	v8 =	vand.u32 $0x70, v8;
	v14 =	vmov s23;
	s23 =	simm.s32 $0x17  }
0x140: {  	v18 =	vld [tilespmem:s6+$0xFFFFFE00];
	v15 =	vmov s20;
	s20 =	simm.s32 $0x20;
	v13 =	vmov s23;
	s23 =	simm.s32 $0x1F;
	v10 =	vmov s25;
	s25 =	sshll.u32 s24, $0x14  }
.LBB2_5:
0x141: {  	p0 =	slt.u32 s20, $0x70;
	v16 =	vmov s5;
	s5 =	sadd.s32 $0x9, s14;
	v27 =	vmov s23;
	[tilespmem:v21+s17+$0x0] =	vst.idx.msk $0xffff, v20;
	v20 =	vld [tilespmem:s6+$0xFFFFFE80];
	v7 =	vor.u32 v3, v7  }
0x142: {  	v5 =	vor.u32 v3, v5;
	v21 =	vmov s5;
	s5 =	sadd.s32 $0xA, s14;
	v27 =	vand.u32 $0x7F, v27;
	[tilespmem:v23+s17+$0x0] =	vst.idx.msk $0xffff, v22;
	v22 =	vld [tilespmem:s6+$0xFFFFFF00]  }
0x143: {  	v6 =	vor.u32 v3, v6;
	v23 =	vmov s5;
	v27 =	vbroadcast v27, $0x0;
	[tilespmem:v26+s17+$0x0] =	vst.idx.msk $0xffff, v24;
	v24 =	vld [tilespmem:s6+$0xFFFFFF80]  }
0x144: {  	v19 =	vand.u32 $0x71, v19;
	v28 =	vor.u32 v3, v4;
	v4 =	vbroadcast v8, $0x0;
	v26 =	vld [tilespmem:s6+$0xFFFFF880];
	[tilespmem:v17+s17+$0x0] =	vst.idx.msk $0xffff, v25;
	s6 =	sadd.s32 $0x800, s6  }
0x145: {  	v9 =	vand.u32 $0x72, v9;
	v8 =	vbroadcast v19, $0x0;
	v17 =	vld [tilespmem:s6+$0xFFFFFFD0];
	v19 =	vor.u32 v0, v27;
	[tilespmem:v12+s17+$0x0] =	vst.idx.msk $0xffff, v18  }
0x146: {  	v10 =	vand.u32 $0x73, v10;
	v9 =	vbroadcast v9, $0x0;
	v25 =	vor.u32 v0, v4;
	v18 =	vld [tilespmem:s6+$0xFFFFF850];
	[tilespmem:v7+s17+$0x0] =	vst.idx.msk $0xffff, v20  }
0x147: {  	v11 =	vand.u32 $0x74, v11;
	v10 =	vbroadcast v10, $0x0;
	s5 =	sadd.s32 $0xB, s14;
	v20 =	vor.u32 v0, v8;
	v7 =	vld [tilespmem:s6+$0xFFFFF8D0];
	[tilespmem:v5+s17+$0x0] =	vst.idx.msk $0xffff, v22  }
0x148: {  	v11 =	vbroadcast v11, $0x0;
	v29 =	vmov s5;
	s5 =	sadd.s32 $0xC, s14;
	v22 =	vor.u32 v0, v9;
	v5 =	vld [tilespmem:s6+$0xFFFFF950];
	[tilespmem:v6+s17+$0x0] =	vst.idx.msk $0xffff, v24  }
0x149: {  	v12 =	vand.u32 $0x75, v14;
	v30 =	vmov s5;
	v24 =	vor.u32 v0, v10;
	v6 =	vld [tilespmem:s6+$0xFFFFF9D0];
	[tilespmem:v28+s17+$0x0] =	vst.idx.msk $0xffff, v26  }
0x14a: {  	v14 =	vand.u32 $0x76, v15;
	v12 =	vbroadcast v12, $0x0;
	v28 =	vor.u32 v0, v11;
	v26 =	vld [tilespmem:s6+$0xFFFFFA50];
	[tilespmem:v19+s17+$0x0] =	vst.idx.msk $0xffff, v17  }
0x14b: {  	v13 =	vand.u32 $0x77, v13;
	v14 =	vbroadcast v14, $0x0;
	[tilespmem:v25+s17+$0x0] =	vst.idx.msk $0xffff, v18;
	v19 =	vld [tilespmem:s6+$0xFFFFFFE0];
	v25 =	vor.u32 v1, v27  }
0x14c: {  	v17 =	vbroadcast v13, $0x0;
	v13 =	vand.u32 $0x78, v16;
	[tilespmem:v20+s17+$0x0] =	vst.idx.msk $0xffff, v7;
	v7 =	vld [tilespmem:s6+$0xFFFFFAD0];
	v20 =	vor.u32 v0, v12  }
0x14d: {  	s5 =	sadd.s32 $0xD, s14;
	v15 =	vbroadcast v13, $0x0;
	v13 =	vand.u32 $0x79, v21;
	[tilespmem:v22+s17+$0x0] =	vst.idx.msk $0xffff, v5;
	v5 =	vld [tilespmem:s6+$0xFFFFFB50];
	v22 =	vor.u32 v0, v14  }
0x14e: {  	v21 =	vor.u32 v0, v17;
	v13 =	vbroadcast v13, $0x0;
	[tilespmem:v24+s17+$0x0] =	vst.idx.msk $0xffff, v6;
	v6 =	vld [tilespmem:s6+$0xFFFFFBD0];
	v24 =	vmov s5;
	s5 =	sadd.s32 $0xE, s14;
	s14 =	smov.u32 s20  }
0x14f: {  	v16 =	vand.u32 $0x7A, v23;
	[tilespmem:v28+s17+$0x0] =	vst.idx.msk $0xffff, v26;
	v26 =	vld [tilespmem:s6+$0xFFFFFC50];
	v28 =	vor.u32 v0, v15;
	v23 =	vmov s5  }
0x150: {  	v18 =	vbroadcast v16, $0x0;
	v16 =	vand.u32 $0x7B, v29;
	v32 =	vor.u32 v0, v13;
	v31 =	vld [tilespmem:s6+$0xFFFFFCD0];
	[tilespmem:v25+s17+$0x0] =	vst.idx.msk $0xffff, v19  }
0x151: {  	v16 =	vbroadcast v16, $0x0;
	[tilespmem:v20+s17+$0x0] =	vst.idx.msk $0xffff, v7;
	v7 =	vand.u32 $0x7C, v30;
	v19 =	vld [tilespmem:s6+$0xFFFFFFF0];
	v20 =	vor.u32 v2, v27  }
0x152: {  	v25 =	vor.u32 v0, v18;
	[tilespmem:v22+s17+$0x0] =	vst.idx.msk $0xffff, v5;
	v22 =	vld [tilespmem:s6+$0xFFFFFD50];
	v7 =	vbroadcast v7, $0x0;
	v5 =	vand.u32 $0x7D, v24  }
0x153: {  	v24 =	vor.u32 v0, v16;
	[tilespmem:v21+s17+$0x0] =	vst.idx.msk $0xffff, v6;
	v21 =	vld [tilespmem:s6+$0xFFFFFDD0];
	v5 =	vbroadcast v5, $0x0;
	v6 =	vand.u32 $0x7E, v23  }
0x154: {  	[tilespmem:v28+s17+$0x0] =	vst.idx.msk $0xffff, v26;
	v23 =	vld [tilespmem:s6+$0xFFFFFE50];
	v26 =	vor.u32 v0, v7;
	v6 =	vbroadcast v6, $0x0  }
0x155: {  	[tilespmem:v32+s17+$0x0] =	vst.idx.msk $0xffff, v31;
	v28 =	vld [tilespmem:s6+$0xFFFFFED0];
	v29 =	vor.u32 v0, v5  }
0x156: {  	v30 =	vld [tilespmem:s6+$0xFFFFFF50];
	v31 =	vor.u32 v0, v6;
	[tilespmem:v20+s17+$0x0] =	vst.idx.msk $0xffff, v19  }
0x157: {  	v20 =	vor.u32 v3, v27;
	[tilespmem:v25+s17+$0x0] =	vst.idx.msk $0xffff, v22;
	v19 =	vld [tilespmem:s6+$0x0]  }
0x158: {  	v25 =	vor.u32 v1, v8;
	v22 =	vld [tilespmem:s6+$0xFFFFF8E0];
	[tilespmem:v24+s17+$0x0] =	vst.idx.msk $0xffff, v21  }
0x159: {  	v24 =	vor.u32 v1, v9;
	v21 =	vld [tilespmem:s6+$0xFFFFF960];
	[tilespmem:v26+s17+$0x0] =	vst.idx.msk $0xffff, v23  }
0x15a: {  	v26 =	vor.u32 v1, v10;
	v23 =	vld [tilespmem:s6+$0xFFFFF9E0];
	[tilespmem:v29+s17+$0x0] =	vst.idx.msk $0xffff, v28  }
0x15b: {  	v28 =	vor.u32 v1, v11;
	v27 =	vld [tilespmem:s6+$0xFFFFFA60];
	[tilespmem:v31+s17+$0x0] =	vst.idx.msk $0xffff, v30  }
0x15c: {  	v30 =	vor.u32 v1, v12;
	v29 =	vld [tilespmem:s6+$0xFFFFFAE0];
	[tilespmem:v20+s17+$0x0] =	vst.idx.msk $0xffff, v19  }
0x15d: {  	v20 =	vor.u32 v1, v14;
	[tilespmem:v25+s17+$0x0] =	vst.idx.msk $0xffff, v22;
	v19 =	vld [tilespmem:s6+$0xFFFFFB60]  }
0x15e: {  	v22 =	vor.u32 v1, v17;
	[tilespmem:v24+s17+$0x0] =	vst.idx.msk $0xffff, v21;
	v21 =	vld [tilespmem:s6+$0xFFFFFBE0]  }
0x15f: {  	v24 =	vor.u32 v1, v15;
	[tilespmem:v26+s17+$0x0] =	vst.idx.msk $0xffff, v23;
	v23 =	vld [tilespmem:s6+$0xFFFFFC60]  }
0x160: {  	v26 =	vor.u32 v1, v13;
	[tilespmem:v28+s17+$0x0] =	vst.idx.msk $0xffff, v27;
	v25 =	vld [tilespmem:s6+$0xFFFFFCE0]  }
0x161: {  	v28 =	vor.u32 v1, v18;
	[tilespmem:v30+s17+$0x0] =	vst.idx.msk $0xffff, v29;
	v27 =	vld [tilespmem:s6+$0xFFFFFD60]  }
0x162: {  	[tilespmem:v20+s17+$0x0] =	vst.idx.msk $0xffff, v19;
	v19 =	vld [tilespmem:s6+$0xFFFFFDE0];
	v20 =	vor.u32 v1, v16  }
0x163: {  	[tilespmem:v22+s17+$0x0] =	vst.idx.msk $0xffff, v21;
	v21 =	vld [tilespmem:s6+$0xFFFFFE60];
	v22 =	vor.u32 v1, v7  }
0x164: {  	[tilespmem:v24+s17+$0x0] =	vst.idx.msk $0xffff, v23;
	v23 =	vld [tilespmem:s6+$0xFFFFFEE0];
	v24 =	vor.u32 v1, v5  }
0x165: {  	[tilespmem:v26+s17+$0x0] =	vst.idx.msk $0xffff, v25;
	v25 =	vld [tilespmem:s6+$0xFFFFFF60];
	v26 =	vor.u32 v1, v6  }
0x166: {  	v30 =	vor.u32 v1, v4;
	v29 =	vld [tilespmem:s6+$0xFFFFF860];
	[tilespmem:v28+s17+$0x0] =	vst.idx.msk $0xffff, v27  }
0x167: {  	v28 =	vor.u32 v2, v8;
	v27 =	vld [tilespmem:s6+$0xFFFFF8F0];
	[tilespmem:v20+s17+$0x0] =	vst.idx.msk $0xffff, v19  }
0x168: {  	v20 =	vor.u32 v2, v9;
	v19 =	vld [tilespmem:s6+$0xFFFFF970];
	[tilespmem:v22+s17+$0x0] =	vst.idx.msk $0xffff, v21  }
0x169: {  	v22 =	vor.u32 v2, v10;
	v21 =	vld [tilespmem:s6+$0xFFFFF9F0];
	[tilespmem:v24+s17+$0x0] =	vst.idx.msk $0xffff, v23  }
0x16a: {  	v24 =	vor.u32 v2, v11;
	v23 =	vld [tilespmem:s6+$0xFFFFFA70];
	[tilespmem:v26+s17+$0x0] =	vst.idx.msk $0xffff, v25  }
0x16b: {  	v26 =	vor.u32 v2, v12;
	[tilespmem:v30+s17+$0x0] =	vst.idx.msk $0xffff, v29;
	v25 =	vld [tilespmem:s6+$0xFFFFFAF0]  }
0x16c: {  	[tilespmem:v28+s17+$0x0] =	vst.idx.msk $0xffff, v27;
	v27 =	vld [tilespmem:s6+$0xFFFFFB70];
	v28 =	vor.u32 v2, v14  }
0x16d: {  	[tilespmem:v20+s17+$0x0] =	vst.idx.msk $0xffff, v19;
	v19 =	vld [tilespmem:s6+$0xFFFFFBF0];
	v20 =	vor.u32 v2, v17  }
0x16e: {  	[tilespmem:v22+s17+$0x0] =	vst.idx.msk $0xffff, v21;
	v21 =	vld [tilespmem:s6+$0xFFFFFC70];
	v22 =	vor.u32 v2, v15  }
0x16f: {  	[tilespmem:v24+s17+$0x0] =	vst.idx.msk $0xffff, v23;
	v23 =	vld [tilespmem:s6+$0xFFFFFCF0];
	v24 =	vor.u32 v2, v13  }
0x170: {  	[tilespmem:v26+s17+$0x0] =	vst.idx.msk $0xffff, v25;
	v25 =	vld [tilespmem:s6+$0xFFFFFD70];
	v26 =	vor.u32 v2, v18  }
0x171: {  	[tilespmem:v28+s17+$0x0] =	vst.idx.msk $0xffff, v27;
	v27 =	vld [tilespmem:s6+$0xFFFFFDF0];
	v28 =	vor.u32 v2, v16  }
0x172: {  	[tilespmem:v20+s17+$0x0] =	vst.idx.msk $0xffff, v19;
	v19 =	vld [tilespmem:s6+$0xFFFFFE70];
	v20 =	vor.u32 v2, v7  }
0x173: {  	[tilespmem:v22+s17+$0x0] =	vst.idx.msk $0xffff, v21;
	v21 =	vld [tilespmem:s6+$0xFFFFFEF0];
	v22 =	vor.u32 v2, v5  }
0x174: {  	[tilespmem:v24+s17+$0x0] =	vst.idx.msk $0xffff, v23;
	v23 =	vld [tilespmem:s6+$0xFFFFFF70];
	v24 =	vor.u32 v2, v6  }
0x175: {  	v30 =	vor.u32 v2, v4;
	v29 =	vld [tilespmem:s6+$0xFFFFF870];
	[tilespmem:v26+s17+$0x0] =	vst.idx.msk $0xffff, v25  }
0x176: {  	v8 =	vor.u32 v3, v8;
	v25 =	vld [tilespmem:s6+$0xFFFFF900];
	[tilespmem:v28+s17+$0x0] =	vst.idx.msk $0xffff, v27  }
0x177: {  	v9 =	vor.u32 v3, v9;
	v26 =	vld [tilespmem:s6+$0xFFFFF980];
	[tilespmem:v20+s17+$0x0] =	vst.idx.msk $0xffff, v19  }
0x178: {  	v10 =	vor.u32 v3, v10;
	v27 =	vld [tilespmem:s6+$0xFFFFFA00];
	[tilespmem:v22+s17+$0x0] =	vst.idx.msk $0xffff, v21  }
0x179: {  	v11 =	vor.u32 v3, v11;
	v28 =	vld [tilespmem:s6+$0xFFFFFA80];
	[tilespmem:v24+s17+$0x0] =	vst.idx.msk $0xffff, v23  }
0x17a: {  	v12 =	vor.u32 v3, v12;
	[tilespmem:v30+s17+$0x0] =	vst.idx.msk $0xffff, v29;
	v29 =	vld [tilespmem:s6+$0xFFFFFB00]  }
0x17b: {  	v31 =	vor.u32 v3, v14;
	[tilespmem:v8+s17+$0x0] =	vst.idx.msk $0xffff, v25;
	v30 =	vld [tilespmem:s6+$0xFFFFFB80]  }
.Ltmp1:
0x17c: {  	s5 =	sadd.s32 $0x1, s20;
	v21 =	vor.u32 v3, v17;
	v8 =	vmov s20;
	[tilespmem:v9+s17+$0x0] =	vst.idx.msk $0xffff, v26;
	v20 =	vld [tilespmem:s6+$0xFFFFFC00];
	(pc) =	sbr.rel @p0 .LBB2_5-.Ltmp1, $4  }
0x17d: {  	s23 =	sadd.s32 $0x3, s20;
	v19 =	vmov s5;
	s5 =	sadd.s32 $0x2, s20;
	v23 =	vor.u32 v3, v15;
	v8 =	vand.u32 $0x70, v8;
	[tilespmem:v10+s17+$0x0] =	vst.idx.msk $0xffff, v27;
	v22 =	vld [tilespmem:s6+$0xFFFFFC80]  }
0x17e: {  	v9 =	vmov s5;
	s5 =	sadd.s32 $0x4, s20;
	v26 =	vor.u32 v3, v13;
	v10 =	vmov s23;
	s23 =	sadd.s32 $0x5, s20;
	[tilespmem:v11+s17+$0x0] =	vst.idx.msk $0xffff, v28;
	v24 =	vld [tilespmem:s6+$0xFFFFFD00]  }
0x17f: {  	v17 =	vor.u32 v3, v18;
	v11 =	vmov s5;
	v14 =	vmov s23;
	s5 =	sadd.s32 $0x6, s20;
	s23 =	sadd.s32 $0x7, s20;
	[tilespmem:v12+s17+$0x0] =	vst.idx.msk $0xffff, v29;
	v25 =	vld [tilespmem:s6+$0xFFFFFD80]  }
0x180: {  	s20 =	sadd.s32 $0x10, s20;
	v15 =	vmov s5;
	v13 =	vmov s23;
	s5 =	sadd.s32 $0x8, s14;
	s23 =	sadd.s32 $0xF, s14;
	v12 =	vor.u32 v3, v16;
	[tilespmem:v31+s17+$0x0] =	vst.idx.msk $0xffff, v30;
	v18 =	vld [tilespmem:s6+$0xFFFFFE00]  }
0x181: {  	_ =	sdelay $0x3  }
0x182: {  	v27 =	vmov s23;
	[tilespmem:v21+s17+$0x0] =	vst.idx.msk $0xffff, v20;
	v20 =	vld [tilespmem:s6+$0xFFFFFE80];
	v7 =	vor.u32 v3, v7  }
0x183: {  	v29 =	vor.u32 v3, v4;
	v27 =	vand.u32 $0x7F, v27;
	[tilespmem:v23+s17+$0x0] =	vst.idx.msk $0xffff, v22;
	v22 =	vld [tilespmem:s6+$0xFFFFFF00];
	v23 =	vor.u32 v3, v5  }
0x184: {  	s20 =	sadd.s32 $0x9, s14;
	v27 =	vbroadcast v27, $0x0;
	[tilespmem:v26+s17+$0x0] =	vst.idx.msk $0xffff, v24;
	v24 =	vld [tilespmem:s6+$0xFFFFFF80];
	v26 =	vor.u32 v3, v6;
	v6 =	vand.u32 $0x71, v19  }
0x185: {  	v21 =	vmov s20;
	v5 =	vbroadcast v8, $0x0;
	v19 =	vld [tilespmem:s6+$0xFFFFF880];
	s6 =	sadd.s32 $0x800, s6;
	[tilespmem:v17+s17+$0x0] =	vst.idx.msk $0xffff, v25;
	v4 =	vbroadcast v6, $0x0  }
0x186: {  	v8 =	vand.u32 $0x73, v10;
	v6 =	vand.u32 $0x72, v9;
	v17 =	vld [tilespmem:s6+$0xFFFFFFD0];
	v25 =	vor.u32 v0, v27;
	[tilespmem:v12+s17+$0x0] =	vst.idx.msk $0xffff, v18  }
0x187: {  	v12 =	vld [tilespmem:s6+$0xFFFFF850];
	v18 =	vor.u32 v0, v5;
	v6 =	vbroadcast v6, $0x0;
	[tilespmem:v7+s17+$0x0] =	vst.idx.msk $0xffff, v20;
	v30 =	vor.u32 v0, v4  }
0x188: {  	v20 =	vld [tilespmem:s6+$0xFFFFF8D0];
	v7 =	vbroadcast v8, $0x0;
	v8 =	vand.u32 $0x74, v11;
	v11 =	vand.u32 $0x77, v13;
	[tilespmem:v23+s17+$0x0] =	vst.idx.msk $0xffff, v22  }
0x189: {  	v13 =	vand.u32 $0x79, v21;
	v22 =	vld [tilespmem:s6+$0xFFFFF950];
	v23 =	vor.u32 v0, v6;
	v8 =	vbroadcast v8, $0x0;
	[tilespmem:v26+s17+$0x0] =	vst.idx.msk $0xffff, v24  }
0x18a: {  	v13 =	vbroadcast v13, $0x0;
	v24 =	vld [tilespmem:s6+$0xFFFFF9D0];
	v26 =	vor.u32 v0, v7;
	[tilespmem:v29+s17+$0x0] =	vst.idx.msk $0xffff, v19  }
0x18b: {  	v9 =	vand.u32 $0x75, v14;
	v14 =	vld [tilespmem:s6+$0xFFFFFA50];
	v19 =	vor.u32 v0, v8;
	[tilespmem:v25+s17+$0x0] =	vst.idx.msk $0xffff, v17  }
0x18c: {  	v10 =	vand.u32 $0x76, v15;
	v56 =	vld [tilespmem:s6+$0xFFFFFCD0];
	v9 =	vbroadcast v9, $0x0;
	v57 =	vor.u32 v0, v13;
	[tilespmem:v18+s17+$0x0] =	vst.idx.msk $0xffff, v12  }
0x18d: {  	v10 =	vbroadcast v10, $0x0;
	v17 =	vor.u32 v1, v27;
	v15 =	vld [tilespmem:s6+$0xFFFFFFE0];
	[tilespmem:v30+s17+$0x0] =	vst.idx.msk $0xffff, v20  }
0x18e: {  	v16 =	vmov s5;
	v18 =	vld [tilespmem:s6+$0xFFFFFAD0];
	v20 =	vor.u32 v0, v9;
	[tilespmem:v23+s17+$0x0] =	vst.idx.msk $0xffff, v22  }
0x18f: {  	s20 =	sadd.s32 $0xA, s14;
	v11 =	vbroadcast v11, $0x0;
	v12 =	vand.u32 $0x78, v16;
	v16 =	vld [tilespmem:s6+$0xFFFFFB50];
	v22 =	vor.u32 v0, v10;
	[tilespmem:v26+s17+$0x0] =	vst.idx.msk $0xffff, v24  }
0x190: {  	v28 =	vmov s20;
	v37 =	vor.u32 v1, v5;
	v12 =	vbroadcast v12, $0x0;
	v36 =	vld [tilespmem:s6+$0xFFFFF860];
	[tilespmem:v19+s17+$0x0] =	vst.idx.msk $0xffff, v14  }
0x191: {  	s23 =	sadd.s32 $0xB, s14;
	v21 =	vld [tilespmem:s6+$0xFFFFFBD0];
	v23 =	vor.u32 v0, v11;
	v14 =	vand.u32 $0x7A, v28;
	[tilespmem:v57+s17+$0x0] =	vst.idx.msk $0xffff, v56  }
0x192: {  	v31 =	vmov s23;
	v25 =	vor.u32 v0, v12;
	v19 =	vld [tilespmem:s6+$0xFFFFFC50];
	v14 =	vbroadcast v14, $0x0;
	[tilespmem:v17+s17+$0x0] =	vst.idx.msk $0xffff, v15  }
0x193: {  	s20 =	sadd.s32 $0xC, s14;
	v58 =	vand.u32 $0x7B, v31;
	v41 =	vor.u32 v2, v5;
	v59 =	vor.u32 v2, v27;
	[tilespmem:v20+s17+$0x0] =	vst.idx.msk $0xffff, v18;
	v20 =	vld [tilespmem:s6+$0xFFFFFFF0]  }
0x194: {  	s23 =	sadd.s32 $0xD, s14;
	v32 =	vmov s20;
	v34 =	vor.u32 v1, v9;
	[tilespmem:v22+s17+$0x0] =	vst.idx.msk $0xffff, v16;
	v22 =	vld [tilespmem:s6+$0xFFFFFD50];
	v60 =	vor.u32 v0, v14  }
0x195: {  	s20 =	sadd.s32 $0xE, s14;
	v24 =	vmov s23;
	v15 =	vbroadcast v58, $0x0;
	v17 =	vand.u32 $0x7C, v32;
	[tilespmem:v37+s17+$0x0] =	vst.idx.msk $0xffff, v36;
	v33 =	vld [tilespmem:s6+$0xFFFFFAE0]  }
0x196: {  	v26 =	vmov s20;
	v16 =	vbroadcast v17, $0x0;
	v17 =	vand.u32 $0x7D, v24;
	[tilespmem:v23+s17+$0x0] =	vst.idx.msk $0xffff, v21;
	v29 =	vld [tilespmem:s6+$0xFFFFF870]  }
0x197: {  	v18 =	vand.u32 $0x7E, v26;
	v21 =	vld [tilespmem:s6+$0xFFFFFDD0];
	v23 =	vor.u32 v0, v15;
	v17 =	vbroadcast v17, $0x0;
	[tilespmem:v25+s17+$0x0] =	vst.idx.msk $0xffff, v19  }
0x198: {  	v18 =	vbroadcast v18, $0x0;
	v19 =	vld [tilespmem:s6+$0xFFFFFE50];
	v24 =	vor.u32 v0, v16;
	[tilespmem:v59+s17+$0x0] =	vst.idx.msk $0xffff, v20  }
0x199: {  	v25 =	vld [tilespmem:s6+$0xFFFFFED0];
	v26 =	vor.u32 v0, v17;
	[tilespmem:v60+s17+$0x0] =	vst.idx.msk $0xffff, v22  }
0x19a: {  	v61 =	vld [tilespmem:s6+$0xFFFFFF50];
	v62 =	vor.u32 v0, v18;
	[tilespmem:v34+s17+$0x0] =	vst.idx.msk $0xffff, v33  }
0x19b: {  	v22 =	vor.u32 v3, v27;
	[tilespmem:v41+s17+$0x0] =	vst.idx.msk $0xffff, v29;
	v20 =	vld [tilespmem:s6+$0x0]  }
0x19c: {  	[tilespmem:v23+s17+$0x0] =	vst.idx.msk $0xffff, v21;
	v21 =	vld [tilespmem:s6+$0xFFFFF960];
	v23 =	vor.u32 v1, v6  }
0x19d: {  	[tilespmem:v24+s17+$0x0] =	vst.idx.msk $0xffff, v19;
	v19 =	vld [tilespmem:s6+$0xFFFFF9E0];
	v24 =	vor.u32 v1, v7  }
0x19e: {  	[tilespmem:v26+s17+$0x0] =	vst.idx.msk $0xffff, v25;
	v25 =	vld [tilespmem:s6+$0xFFFFFA60];
	v26 =	vor.u32 v1, v8  }
0x19f: {  	v63 =	vor.u32 v1, v4;
	v27 =	vld [tilespmem:s6+$0xFFFFF8E0];
	[tilespmem:v62+s17+$0x0] =	vst.idx.msk $0xffff, v61  }
0x1a0: {  	[tilespmem:v22+s17+$0x0] =	vst.idx.msk $0xffff, v20;
	v20 =	vld [tilespmem:s6+$0xFFFFFB60];
	v22 =	vor.u32 v1, v10  }
0x1a1: {  	[tilespmem:v23+s17+$0x0] =	vst.idx.msk $0xffff, v21;
	v21 =	vld [tilespmem:s6+$0xFFFFFBE0];
	v23 =	vor.u32 v1, v11  }
0x1a2: {  	[tilespmem:v24+s17+$0x0] =	vst.idx.msk $0xffff, v19;
	v19 =	vld [tilespmem:s6+$0xFFFFFC60];
	v24 =	vor.u32 v1, v12  }
0x1a3: {  	[tilespmem:v26+s17+$0x0] =	vst.idx.msk $0xffff, v25;
	v25 =	vld [tilespmem:s6+$0xFFFFFCE0];
	v26 =	vor.u32 v1, v13  }
0x1a4: {  	v35 =	vor.u32 v1, v14;
	[tilespmem:v63+s17+$0x0] =	vst.idx.msk $0xffff, v27;
	v27 =	vld [tilespmem:s6+$0xFFFFFD60]  }
0x1a5: {  	[tilespmem:v22+s17+$0x0] =	vst.idx.msk $0xffff, v20;
	v20 =	vld [tilespmem:s6+$0xFFFFFDE0];
	v22 =	vor.u32 v1, v15  }
0x1a6: {  	[tilespmem:v23+s17+$0x0] =	vst.idx.msk $0xffff, v21;
	v21 =	vld [tilespmem:s6+$0xFFFFFE60];
	v23 =	vor.u32 v1, v16  }
0x1a7: {  	[tilespmem:v24+s17+$0x0] =	vst.idx.msk $0xffff, v19;
	v19 =	vld [tilespmem:s6+$0xFFFFFEE0];
	v24 =	vor.u32 v1, v17  }
0x1a8: {  	[tilespmem:v26+s17+$0x0] =	vst.idx.msk $0xffff, v25;
	v25 =	vld [tilespmem:s6+$0xFFFFFF60];
	v26 =	vor.u32 v1, v18  }
0x1a9: {  	v38 =	vor.u32 v2, v4;
	[tilespmem:v35+s17+$0x0] =	vst.idx.msk $0xffff, v27;
	v27 =	vld [tilespmem:s6+$0xFFFFF8F0]  }
0x1aa: {  	[tilespmem:v22+s17+$0x0] =	vst.idx.msk $0xffff, v20;
	v20 =	vld [tilespmem:s6+$0xFFFFF970];
	v22 =	vor.u32 v2, v6  }
0x1ab: {  	[tilespmem:v23+s17+$0x0] =	vst.idx.msk $0xffff, v21;
	v21 =	vld [tilespmem:s6+$0xFFFFF9F0];
	v23 =	vor.u32 v2, v7  }
0x1ac: {  	[tilespmem:v24+s17+$0x0] =	vst.idx.msk $0xffff, v19;
	v19 =	vld [tilespmem:s6+$0xFFFFFA70];
	v24 =	vor.u32 v2, v8  }
0x1ad: {  	[tilespmem:v26+s17+$0x0] =	vst.idx.msk $0xffff, v25;
	v25 =	vld [tilespmem:s6+$0xFFFFFAF0];
	v26 =	vor.u32 v2, v9  }
0x1ae: {  	v39 =	vor.u32 v2, v10;
	[tilespmem:v38+s17+$0x0] =	vst.idx.msk $0xffff, v27;
	v27 =	vld [tilespmem:s6+$0xFFFFFB70]  }
0x1af: {  	[tilespmem:v22+s17+$0x0] =	vst.idx.msk $0xffff, v20;
	v20 =	vld [tilespmem:s6+$0xFFFFFBF0];
	v22 =	vor.u32 v2, v11  }
0x1b0: {  	[tilespmem:v23+s17+$0x0] =	vst.idx.msk $0xffff, v21;
	v21 =	vld [tilespmem:s6+$0xFFFFFC70];
	v23 =	vor.u32 v2, v12  }
0x1b1: {  	[tilespmem:v24+s17+$0x0] =	vst.idx.msk $0xffff, v19;
	v19 =	vld [tilespmem:s6+$0xFFFFFCF0];
	v24 =	vor.u32 v2, v13  }
0x1b2: {  	[tilespmem:v26+s17+$0x0] =	vst.idx.msk $0xffff, v25;
	v25 =	vld [tilespmem:s6+$0xFFFFFD70];
	v26 =	vor.u32 v2, v14  }
0x1b3: {  	v40 =	vor.u32 v2, v15;
	[tilespmem:v39+s17+$0x0] =	vst.idx.msk $0xffff, v27;
	v27 =	vld [tilespmem:s6+$0xFFFFFDF0]  }
0x1b4: {  	[tilespmem:v22+s17+$0x0] =	vst.idx.msk $0xffff, v20;
	v20 =	vld [tilespmem:s6+$0xFFFFFE70];
	v22 =	vor.u32 v2, v16  }
0x1b5: {  	[tilespmem:v23+s17+$0x0] =	vst.idx.msk $0xffff, v21;
	v21 =	vld [tilespmem:s6+$0xFFFFFEF0];
	v23 =	vor.u32 v2, v17  }
0x1b6: {  	[tilespmem:v24+s17+$0x0] =	vst.idx.msk $0xffff, v19;
	v19 =	vld [tilespmem:s6+$0xFFFFFF70];
	v24 =	vor.u32 v2, v18  }
0x1b7: {  	v4 =	vor.u32 v3, v4;
	[tilespmem:v26+s17+$0x0] =	vst.idx.msk $0xffff, v25;
	v25 =	vld [tilespmem:s6+$0xFFFFF900]  }
0x1b8: {  	v6 =	vor.u32 v3, v6;
	[tilespmem:v40+s17+$0x0] =	vst.idx.msk $0xffff, v27;
	v26 =	vld [tilespmem:s6+$0xFFFFF980]  }
0x1b9: {  	v7 =	vor.u32 v3, v7;
	[tilespmem:v22+s17+$0x0] =	vst.idx.msk $0xffff, v20;
	v20 =	vld [tilespmem:s6+$0xFFFFFA00]  }
0x1ba: {  	v8 =	vor.u32 v3, v8;
	[tilespmem:v23+s17+$0x0] =	vst.idx.msk $0xffff, v21;
	v21 =	vld [tilespmem:s6+$0xFFFFFA80]  }
0x1bb: {  	v9 =	vor.u32 v3, v9;
	[tilespmem:v24+s17+$0x0] =	vst.idx.msk $0xffff, v19;
	v19 =	vld [tilespmem:s6+$0xFFFFFB00]  }
0x1bc: {  	v10 =	vor.u32 v3, v10;
	[tilespmem:v4+s17+$0x0] =	vst.idx.msk $0xffff, v25;
	v4 =	vld [tilespmem:s6+$0xFFFFFB80]  }
0x1bd: {  	v11 =	vor.u32 v3, v11;
	[tilespmem:v6+s17+$0x0] =	vst.idx.msk $0xffff, v26;
	v6 =	vld [tilespmem:s6+$0xFFFFFC00]  }
0x1be: {  	v12 =	vor.u32 v3, v12;
	[tilespmem:v7+s17+$0x0] =	vst.idx.msk $0xffff, v20;
	v7 =	vld [tilespmem:s6+$0xFFFFFC80]  }
0x1bf: {  	v13 =	vor.u32 v3, v13;
	[tilespmem:v8+s17+$0x0] =	vst.idx.msk $0xffff, v21;
	v8 =	vld [tilespmem:s6+$0xFFFFFD00]  }
0x1c0: {  	v14 =	vor.u32 v3, v14;
	[tilespmem:v9+s17+$0x0] =	vst.idx.msk $0xffff, v19;
	v9 =	vld [tilespmem:s6+$0xFFFFFD80]  }
0x1c1: {  	[tilespmem:v10+s17+$0x0] =	vst.idx.msk $0xffff, v4;
	v4 =	vld [tilespmem:s6+$0xFFFFFE00];
	v10 =	vor.u32 v3, v15  }
0x1c2: {  	[tilespmem:v11+s17+$0x0] =	vst.idx.msk $0xffff, v6;
	v6 =	vld [tilespmem:s6+$0xFFFFFE80];
	v11 =	vor.u32 v3, v16  }
0x1c3: {  	v5 =	vor.u32 v3, v5;
	v15 =	vld [tilespmem:s6+$0xFFFFF880];
	[tilespmem:v12+s17+$0x0] =	vst.idx.msk $0xffff, v7  }
0x1c4: {  	v7 =	vld [tilespmem:s6+$0xFFFFFF00];
	v12 =	vor.u32 v3, v17;
	[tilespmem:v13+s17+$0x0] =	vst.idx.msk $0xffff, v8  }
0x1c5: {  	v8 =	vld [tilespmem:s6+$0xFFFFFF80];
	v13 =	vor.u32 v3, v18;
	[tilespmem:v14+s17+$0x0] =	vst.idx.msk $0xffff, v9  }
0x1c6: {  	[tilespmem:v10+s17+$0x0] =	vst.idx.msk $0xffff, v4  }
0x1c7: {  	[tilespmem:v11+s17+$0x0] =	vst.idx.msk $0xffff, v6  }
0x1c8: {  	s23 =	sor.u32 s7, s25;
	[tilespmem:v5+s17+$0x0] =	vst.idx.msk $0xffff, v15  }
0x1c9: {  	s5 =	sshrl.u32 s23, $0x3;
	[tilespmem:v12+s17+$0x0] =	vst.idx.msk $0xffff, v7  }
0x1ca: {  	s5 =	sadd.s32 s2, s5;
	[tilespmem:v13+s17+$0x0] =	vst.idx.msk $0xffff, v8  }
0x1cb: {  	[hbm4b:s5+s15] =	stream.strided.scatter [tilespmem:s17], [sflag:$0x4], $0x2000, s16, s15, $0x38;
	[tilespmem:$0x13000] =	vst v63  }
0x1cc: {  	s14 =	simm.s32 $0x0;
	_ =	swait.ge [sflag:s30], $0x4000  }
0x1cd: {  	s20 =	simm.s32 $0x1;
	s23 =	simm.s32 $0x2;
	[sflag:s30] =	ssyncset.done $0x0  }
0x1ce: {  	s6 =	sadd.s32 $0x5400, s26;
	v4 =	vmov s14;
	v5 =	vmov s20;
	s20 =	simm.s32 $0xF;
	[sflag:s30] =	ssyncadd.s32 $0xFFFFC000  }
0x1cf: {  	v6 =	vmov s23;
	v8 =	vmov s20;
	[tilespmem:s31], [sflag:$0x2] =	stream.indirect.gather [hbm4b:s4+s28], $0x80, s6, s28, $0xb8;
	[tilespmem:$0x13000] =	vst v63  }
0x1d0: {  	v4 =	vand.u32 $0x70, v4;
	v5 =	vand.u32 $0x71, v5;
	v8 =	vand.u32 $0x7F, v8;
	s6 =	simm.s32 $0x4;
	_ =	swait.ge [sflag:s19], $0x2000  }
0x1d1: {  	s26 =	simm.s32 $0x3;
	v4 =	vbroadcast v4, $0x0;
	v20 =	vbroadcast v8, $0x0;
	v11 =	vmov s6;
	s6 =	simm.s32 $0x8;
	[sflag:s19] =	ssyncset.done $0x0  }
0x1d2: {  	s14 =	simm.s32 $0x5;
	v7 =	vmov s26;
	v8 =	vbroadcast v5, $0x0;
	v18 =	vmov s6;
	s6 =	simm.s32 $0x7400;
	[sflag:s19] =	ssyncadd.s32 $0xFFFFE000  }
0x1d3: {  	v12 =	vmov s14;
	v5 =	vand.u32 $0x72, v6;
	v15 =	vor.u32 v0, v20;
	v6 =	vld [tilespmem:s6+$0x380]  }
0x1d4: {  	v9 =	vbroadcast v5, $0x0;
	v5 =	vand.u32 $0x73, v7;
	v23 =	vor.u32 v0, v8;
	v7 =	vld [tilespmem:s6+$0xFFFFFC80]  }
0x1d5: {  	v22 =	vor.u32 v0, v4;
	v10 =	vbroadcast v5, $0x0;
	v5 =	vand.u32 $0x74, v11;
	v17 =	vld [tilespmem:s6+$0xFFFFFC00]  }
0x1d6: {  	v12 =	vand.u32 $0x75, v12;
	v25 =	vor.u32 v0, v9;
	v11 =	vbroadcast v5, $0x0;
	v24 =	vld [tilespmem:s6+$0xFFFFFD00]  }
0x1d7: {  	s23 =	simm.s32 $0x6;
	s26 =	simm.s32 $0x7;
	v14 =	vbroadcast v12, $0x0;
	v27 =	vor.u32 v0, v10;
	v26 =	vld [tilespmem:s6+$0xFFFFFD80]  }
0x1d8: {  	v13 =	vmov s23;
	s14 =	simm.s32 $0x9;
	v16 =	vmov s26;
	v43 =	vld [tilespmem:s6+$0xFFFFFE00];
	v44 =	vor.u32 v0, v11;
	[tilespmem:v15+s0+$0x0] =	vst.idx.msk $0xffff, v6  }
0x1d9: {  	v19 =	vmov s14;
	v12 =	vand.u32 $0x76, v13;
	[tilespmem:v23+s0+$0x0] =	vst.idx.msk $0xffff, v7;
	v7 =	vld [tilespmem:s6+$0xFFFFFE80];
	v23 =	vor.u32 v0, v14  }
0x1da: {  	[tilespmem:v22+s0+$0x0] =	vst.idx.msk $0xffff, v17;
	v15 =	vbroadcast v12, $0x0;
	v6 =	vand.u32 $0x77, v16;
	v22 =	vor.u32 v1, v20;
	v12 =	vld [tilespmem:s6+$0x390]  }
0x1db: {  	v57 =	vor.u32 v1, v4;
	[tilespmem:v25+s0+$0x0] =	vst.idx.msk $0xffff, v24;
	v17 =	vbroadcast v6, $0x0;
	v6 =	vand.u32 $0x78, v18;
	v56 =	vld [tilespmem:s6+$0xFFFFFC10]  }
0x1dc: {  	v24 =	vld [tilespmem:s6+$0xFFFFFF00];
	[tilespmem:v27+s0+$0x0] =	vst.idx.msk $0xffff, v26;
	v25 =	vor.u32 v0, v15;
	v16 =	vbroadcast v6, $0x0;
	v6 =	vand.u32 $0x79, v19  }
0x1dd: {  	s20 =	simm.s32 $0xA;
	[tilespmem:v44+s0+$0x0] =	vst.idx.msk $0xffff, v43;
	v19 =	vld [tilespmem:s6+$0xFFFFFF80];
	v26 =	vor.u32 v0, v17;
	v13 =	vbroadcast v6, $0x0  }
0x1de: {  	v21 =	vmov s20;
	s26 =	simm.s32 $0xC;
	v27 =	vld [tilespmem:s6+$0x0];
	v45 =	vor.u32 v0, v16;
	[tilespmem:v23+s0+$0x0] =	vst.idx.msk $0xffff, v7  }
0x1df: {  	s23 =	simm.s32 $0xB;
	v42 =	vmov s26;
	v46 =	vld [tilespmem:s6+$0x80];
	v18 =	vand.u32 $0x7A, v21;
	v47 =	vor.u32 v0, v13;
	[tilespmem:v22+s0+$0x0] =	vst.idx.msk $0xffff, v12  }
0x1e0: {  	s14 =	simm.s32 $0xD;
	v54 =	vor.u32 v1, v14;
	v5 =	vmov s23;
	v18 =	vbroadcast v18, $0x0;
	v53 =	vld [tilespmem:s6+$0xFFFFFE90];
	[tilespmem:v57+s0+$0x0] =	vst.idx.msk $0xffff, v56  }
0x1e1: {  	v5 =	vand.u32 $0x7B, v5;
	v6 =	vmov s14;
	v23 =	vor.u32 v2, v20;
	v22 =	vld [tilespmem:s6+$0x3A0];
	[tilespmem:v25+s0+$0x0] =	vst.idx.msk $0xffff, v24  }
0x1e2: {  	v12 =	vbroadcast v5, $0x0;
	v5 =	vand.u32 $0x7C, v42;
	v24 =	vld [tilespmem:s6+$0x100];
	v25 =	vor.u32 v0, v18;
	[tilespmem:v26+s0+$0x0] =	vst.idx.msk $0xffff, v19  }
0x1e3: {  	s20 =	simm.s32 $0xE;
	v61 =	vor.u32 v2, v4;
	v7 =	vbroadcast v5, $0x0;
	v5 =	vand.u32 $0x7D, v6;
	v29 =	vld [tilespmem:s6+$0xFFFFFC20];
	[tilespmem:v45+s0+$0x0] =	vst.idx.msk $0xffff, v27  }
0x1e4: {  	v21 =	vmov s20;
	v19 =	vld [tilespmem:s6+$0x180];
	v26 =	vor.u32 v0, v12;
	v5 =	vbroadcast v5, $0x0;
	[tilespmem:v47+s0+$0x0] =	vst.idx.msk $0xffff, v46  }
0x1e5: {  	v6 =	vand.u32 $0x7E, v21;
	v21 =	vld [tilespmem:s6+$0x200];
	v27 =	vor.u32 v0, v7;
	[tilespmem:v54+s0+$0x0] =	vst.idx.msk $0xffff, v53  }
0x1e6: {  	v48 =	vld [tilespmem:s6+$0x280];
	v49 =	vor.u32 v0, v5;
	[tilespmem:v23+s0+$0x0] =	vst.idx.msk $0xffff, v22  }
0x1e7: {  	[tilespmem:v25+s0+$0x0] =	vst.idx.msk $0xffff, v24;
	v23 =	vld [tilespmem:s6+$0xFFFFFC90];
	v24 =	vor.u32 v1, v8  }
0x1e8: {  	v20 =	vor.u32 v3, v20;
	[tilespmem:v61+s0+$0x0] =	vst.idx.msk $0xffff, v29;
	v22 =	vld [tilespmem:s6+$0x3B0]  }
0x1e9: {  	v6 =	vbroadcast v6, $0x0;
	v25 =	vor.u32 v1, v9;
	[tilespmem:v26+s0+$0x0] =	vst.idx.msk $0xffff, v19;
	v19 =	vld [tilespmem:s6+$0xFFFFFD10]  }
0x1ea: {  	v26 =	vor.u32 v1, v10;
	[tilespmem:v27+s0+$0x0] =	vst.idx.msk $0xffff, v21;
	v21 =	vld [tilespmem:s6+$0xFFFFFD90]  }
0x1eb: {  	v50 =	vld [tilespmem:s6+$0x300];
	v51 =	vor.u32 v0, v6;
	[tilespmem:v49+s0+$0x0] =	vst.idx.msk $0xffff, v48  }
0x1ec: {  	v52 =	vor.u32 v1, v11;
	v27 =	vld [tilespmem:s6+$0xFFFFFE10];
	[tilespmem:v24+s0+$0x0] =	vst.idx.msk $0xffff, v23  }
0x1ed: {  	[tilespmem:v20+s0+$0x0] =	vst.idx.msk $0xffff, v22;
	v20 =	vld [tilespmem:s6+$0xFFFFFF10];
	v22 =	vor.u32 v1, v15  }
0x1ee: {  	v23 =	vor.u32 v1, v17;
	[tilespmem:v25+s0+$0x0] =	vst.idx.msk $0xffff, v19;
	v19 =	vld [tilespmem:s6+$0xFFFFFF90]  }
0x1ef: {  	v24 =	vor.u32 v1, v16;
	[tilespmem:v26+s0+$0x0] =	vst.idx.msk $0xffff, v21;
	v21 =	vld [tilespmem:s6+$0x10]  }
0x1f0: {  	[tilespmem:v51+s0+$0x0] =	vst.idx.msk $0xffff, v50;
	v25 =	vld [tilespmem:s6+$0x90];
	v26 =	vor.u32 v1, v13  }
0x1f1: {  	v55 =	vor.u32 v1, v18;
	[tilespmem:v52+s0+$0x0] =	vst.idx.msk $0xffff, v27;
	v27 =	vld [tilespmem:s6+$0x110]  }
0x1f2: {  	[tilespmem:v22+s0+$0x0] =	vst.idx.msk $0xffff, v20;
	v20 =	vld [tilespmem:s6+$0x190];
	v22 =	vor.u32 v1, v12  }
0x1f3: {  	[tilespmem:v23+s0+$0x0] =	vst.idx.msk $0xffff, v19;
	v19 =	vld [tilespmem:s6+$0x210];
	v23 =	vor.u32 v1, v7  }
0x1f4: {  	[tilespmem:v24+s0+$0x0] =	vst.idx.msk $0xffff, v21;
	v21 =	vld [tilespmem:s6+$0x290];
	v24 =	vor.u32 v1, v5  }
0x1f5: {  	[tilespmem:v26+s0+$0x0] =	vst.idx.msk $0xffff, v25;
	v25 =	vld [tilespmem:s6+$0x310];
	v26 =	vor.u32 v1, v6  }
0x1f6: {  	v58 =	vor.u32 v2, v8;
	[tilespmem:v55+s0+$0x0] =	vst.idx.msk $0xffff, v27;
	v27 =	vld [tilespmem:s6+$0xFFFFFCA0]  }
0x1f7: {  	[tilespmem:v22+s0+$0x0] =	vst.idx.msk $0xffff, v20;
	v20 =	vld [tilespmem:s6+$0xFFFFFD20];
	v22 =	vor.u32 v2, v9  }
0x1f8: {  	[tilespmem:v23+s0+$0x0] =	vst.idx.msk $0xffff, v19;
	v19 =	vld [tilespmem:s6+$0xFFFFFDA0];
	v23 =	vor.u32 v2, v10  }
0x1f9: {  	[tilespmem:v24+s0+$0x0] =	vst.idx.msk $0xffff, v21;
	v21 =	vld [tilespmem:s6+$0xFFFFFE20];
	v24 =	vor.u32 v2, v11  }
0x1fa: {  	[tilespmem:v26+s0+$0x0] =	vst.idx.msk $0xffff, v25;
	v25 =	vld [tilespmem:s6+$0xFFFFFEA0];
	v26 =	vor.u32 v2, v14  }
0x1fb: {  	v59 =	vor.u32 v2, v15;
	[tilespmem:v58+s0+$0x0] =	vst.idx.msk $0xffff, v27;
	v27 =	vld [tilespmem:s6+$0xFFFFFF20]  }
0x1fc: {  	[tilespmem:v22+s0+$0x0] =	vst.idx.msk $0xffff, v20;
	v20 =	vld [tilespmem:s6+$0xFFFFFFA0];
	v22 =	vor.u32 v2, v17  }
0x1fd: {  	[tilespmem:v23+s0+$0x0] =	vst.idx.msk $0xffff, v19;
	v19 =	vld [tilespmem:s6+$0x20];
	v23 =	vor.u32 v2, v16  }
0x1fe: {  	[tilespmem:v24+s0+$0x0] =	vst.idx.msk $0xffff, v21;
	v21 =	vld [tilespmem:s6+$0xA0];
	v24 =	vor.u32 v2, v13  }
0x1ff: {  	[tilespmem:v26+s0+$0x0] =	vst.idx.msk $0xffff, v25;
	v25 =	vld [tilespmem:s6+$0x120];
	v26 =	vor.u32 v2, v18  }
0x200: {  	v60 =	vor.u32 v2, v12;
	[tilespmem:v59+s0+$0x0] =	vst.idx.msk $0xffff, v27;
	v27 =	vld [tilespmem:s6+$0x1A0]  }
0x201: {  	v63 =	vor.u32 v3, v15;
	v62 =	vld [tilespmem:s6+$0xFFFFFF30];
	[tilespmem:v22+s0+$0x0] =	vst.idx.msk $0xffff, v20  }
0x202: {  	v20 =	vld [tilespmem:s6+$0x220];
	v22 =	vor.u32 v2, v7;
	[tilespmem:v23+s0+$0x0] =	vst.idx.msk $0xffff, v19  }
0x203: {  	v19 =	vld [tilespmem:s6+$0x2A0];
	v23 =	vor.u32 v2, v5;
	[tilespmem:v24+s0+$0x0] =	vst.idx.msk $0xffff, v21  }
0x204: {  	v21 =	vld [tilespmem:s6+$0x320];
	v24 =	vor.u32 v2, v6;
	[tilespmem:v26+s0+$0x0] =	vst.idx.msk $0xffff, v25  }
0x205: {  	v8 =	vor.u32 v3, v8;
	v25 =	vld [tilespmem:s6+$0xFFFFFCB0];
	[tilespmem:v60+s0+$0x0] =	vst.idx.msk $0xffff, v27  }
0x206: {  	v9 =	vor.u32 v3, v9;
	v26 =	vld [tilespmem:s6+$0xFFFFFD30];
	[tilespmem:v63+s0+$0x0] =	vst.idx.msk $0xffff, v62  }
0x207: {  	v10 =	vor.u32 v3, v10;
	[tilespmem:v22+s0+$0x0] =	vst.idx.msk $0xffff, v20;
	v22 =	vld [tilespmem:s6+$0xFFFFFDB0]  }
0x208: {  	v11 =	vor.u32 v3, v11;
	[tilespmem:v23+s0+$0x0] =	vst.idx.msk $0xffff, v19;
	v23 =	vld [tilespmem:s6+$0xFFFFFE30]  }
0x209: {  	v27 =	vor.u32 v3, v14;
	[tilespmem:v24+s0+$0x0] =	vst.idx.msk $0xffff, v21;
	v24 =	vld [tilespmem:s6+$0xFFFFFEB0]  }
0x20a: {  	[tilespmem:v8+s0+$0x0] =	vst.idx.msk $0xffff, v25  }
0x20b: {  	s23 =	simm.s32 $0x11;
	v12 =	vor.u32 v3, v12;
	v19 =	vld [tilespmem:s6+$0xFFFFFFB0];
	v20 =	vor.u32 v3, v17;
	[tilespmem:v9+s0+$0x0] =	vst.idx.msk $0xffff, v26  }
0x20c: {  	s26 =	simm.s32 $0x12;
	s14 =	simm.s32 $0x10;
	v18 =	vor.u32 v3, v18;
	v17 =	vmov s23;
	v21 =	vld [tilespmem:s6+$0x30];
	[tilespmem:v10+s0+$0x0] =	vst.idx.msk $0xffff, v22;
	v22 =	vor.u32 v3, v16  }
0x20d: {  	s23 =	simm.s32 $0x14;
	v8 =	vmov s14;
	v9 =	vmov s26;
	s26 =	simm.s32 $0x15;
	v25 =	vor.u32 v3, v13;
	[tilespmem:v11+s0+$0x0] =	vst.idx.msk $0xffff, v23;
	v23 =	vld [tilespmem:s6+$0xB0]  }
0x20e: {  	s20 =	simm.s32 $0x13;
	v8 =	vand.u32 $0x70, v8;
	v14 =	vmov s26;
	s26 =	simm.s32 $0x17;
	v11 =	vmov s23;
	s23 =	simm.s32 $0x16;
	[tilespmem:v27+s0+$0x0] =	vst.idx.msk $0xffff, v24;
	v24 =	vld [tilespmem:s6+$0x130]  }
0x20f: {  	s5 =	simm.s32 $0x18;
	v26 =	vld [tilespmem:s6+$0x1B0];
	v13 =	vmov s26;
	v10 =	vmov s20;
	s20 =	simm.s32 $0x20;
	v15 =	vmov s23;
	s23 =	simm.s32 $0x1F  }
.LBB2_7:
0x210: {  	p0 =	slt.u32 s20, $0x70;
	v16 =	vmov s5;
	s5 =	sadd.s32 $0x9, s14;
	v27 =	vmov s23;
	[tilespmem:v20+s0+$0x0] =	vst.idx.msk $0xffff, v19;
	v19 =	vld [tilespmem:s6+$0x230];
	v7 =	vor.u32 v3, v7  }
0x211: {  	v5 =	vor.u32 v3, v5;
	v20 =	vmov s5;
	s5 =	sadd.s32 $0xA, s14;
	v27 =	vand.u32 $0x7F, v27;
	[tilespmem:v22+s0+$0x0] =	vst.idx.msk $0xffff, v21;
	v21 =	vld [tilespmem:s6+$0x2B0]  }
0x212: {  	v6 =	vor.u32 v3, v6;
	v22 =	vmov s5;
	v27 =	vbroadcast v27, $0x0;
	[tilespmem:v25+s0+$0x0] =	vst.idx.msk $0xffff, v23;
	v23 =	vld [tilespmem:s6+$0x330]  }
0x213: {  	v17 =	vand.u32 $0x71, v17;
	v28 =	vor.u32 v3, v4;
	v4 =	vbroadcast v8, $0x0;
	v25 =	vld [tilespmem:s6+$0xFFFFFC30];
	[tilespmem:v18+s0+$0x0] =	vst.idx.msk $0xffff, v24;
	s6 =	sadd.s32 $0x800, s6  }
0x214: {  	v9 =	vand.u32 $0x72, v9;
	v8 =	vbroadcast v17, $0x0;
	v17 =	vld [tilespmem:s6+$0x380];
	v18 =	vor.u32 v0, v27;
	[tilespmem:v12+s0+$0x0] =	vst.idx.msk $0xffff, v26  }
0x215: {  	v10 =	vand.u32 $0x73, v10;
	v9 =	vbroadcast v9, $0x0;
	v26 =	vor.u32 v0, v4;
	v24 =	vld [tilespmem:s6+$0xFFFFFC00];
	[tilespmem:v7+s0+$0x0] =	vst.idx.msk $0xffff, v19  }
0x216: {  	v11 =	vand.u32 $0x74, v11;
	v10 =	vbroadcast v10, $0x0;
	s5 =	sadd.s32 $0xB, s14;
	v19 =	vor.u32 v0, v8;
	v7 =	vld [tilespmem:s6+$0xFFFFFC80];
	[tilespmem:v5+s0+$0x0] =	vst.idx.msk $0xffff, v21  }
0x217: {  	v11 =	vbroadcast v11, $0x0;
	v29 =	vmov s5;
	s5 =	sadd.s32 $0xC, s14;
	v21 =	vor.u32 v0, v9;
	v5 =	vld [tilespmem:s6+$0xFFFFFD00];
	[tilespmem:v6+s0+$0x0] =	vst.idx.msk $0xffff, v23  }
0x218: {  	v12 =	vand.u32 $0x75, v14;
	v30 =	vmov s5;
	v23 =	vor.u32 v0, v10;
	v6 =	vld [tilespmem:s6+$0xFFFFFD80];
	[tilespmem:v28+s0+$0x0] =	vst.idx.msk $0xffff, v25  }
0x219: {  	v14 =	vand.u32 $0x76, v15;
	v12 =	vbroadcast v12, $0x0;
	v28 =	vor.u32 v0, v11;
	v25 =	vld [tilespmem:s6+$0xFFFFFE00];
	[tilespmem:v18+s0+$0x0] =	vst.idx.msk $0xffff, v17  }
0x21a: {  	v13 =	vand.u32 $0x77, v13;
	v14 =	vbroadcast v14, $0x0;
	[tilespmem:v26+s0+$0x0] =	vst.idx.msk $0xffff, v24;
	v24 =	vld [tilespmem:s6+$0x390];
	v26 =	vor.u32 v1, v27  }
0x21b: {  	v17 =	vbroadcast v13, $0x0;
	v13 =	vand.u32 $0x78, v16;
	[tilespmem:v19+s0+$0x0] =	vst.idx.msk $0xffff, v7;
	v7 =	vld [tilespmem:s6+$0xFFFFFE80];
	v19 =	vor.u32 v0, v12  }
0x21c: {  	s5 =	sadd.s32 $0xD, s14;
	v15 =	vbroadcast v13, $0x0;
	v13 =	vand.u32 $0x79, v20;
	[tilespmem:v21+s0+$0x0] =	vst.idx.msk $0xffff, v5;
	v5 =	vld [tilespmem:s6+$0xFFFFFF00];
	v21 =	vor.u32 v0, v14  }
0x21d: {  	v20 =	vor.u32 v0, v17;
	v13 =	vbroadcast v13, $0x0;
	[tilespmem:v23+s0+$0x0] =	vst.idx.msk $0xffff, v6;
	v6 =	vld [tilespmem:s6+$0xFFFFFF80];
	v23 =	vmov s5;
	s5 =	sadd.s32 $0xE, s14;
	s14 =	smov.u32 s20  }
0x21e: {  	v16 =	vand.u32 $0x7A, v22;
	[tilespmem:v28+s0+$0x0] =	vst.idx.msk $0xffff, v25;
	v25 =	vld [tilespmem:s6+$0x0];
	v28 =	vor.u32 v0, v15;
	v22 =	vmov s5  }
0x21f: {  	v18 =	vbroadcast v16, $0x0;
	v16 =	vand.u32 $0x7B, v29;
	v32 =	vor.u32 v0, v13;
	v31 =	vld [tilespmem:s6+$0x80];
	[tilespmem:v26+s0+$0x0] =	vst.idx.msk $0xffff, v24  }
0x220: {  	v16 =	vbroadcast v16, $0x0;
	v24 =	vor.u32 v2, v27;
	[tilespmem:v19+s0+$0x0] =	vst.idx.msk $0xffff, v7;
	v7 =	vand.u32 $0x7C, v30;
	v19 =	vld [tilespmem:s6+$0x3A0]  }
0x221: {  	v26 =	vor.u32 v0, v18;
	[tilespmem:v21+s0+$0x0] =	vst.idx.msk $0xffff, v5;
	v21 =	vld [tilespmem:s6+$0x100];
	v7 =	vbroadcast v7, $0x0;
	v5 =	vand.u32 $0x7D, v23  }
0x222: {  	v23 =	vor.u32 v0, v16;
	[tilespmem:v20+s0+$0x0] =	vst.idx.msk $0xffff, v6;
	v20 =	vld [tilespmem:s6+$0x180];
	v5 =	vbroadcast v5, $0x0;
	v6 =	vand.u32 $0x7E, v22  }
0x223: {  	[tilespmem:v28+s0+$0x0] =	vst.idx.msk $0xffff, v25;
	v22 =	vld [tilespmem:s6+$0x200];
	v25 =	vor.u32 v0, v7;
	v6 =	vbroadcast v6, $0x0  }
0x224: {  	[tilespmem:v32+s0+$0x0] =	vst.idx.msk $0xffff, v31;
	v28 =	vld [tilespmem:s6+$0x280];
	v29 =	vor.u32 v0, v5  }
0x225: {  	v30 =	vld [tilespmem:s6+$0x300];
	v31 =	vor.u32 v0, v6;
	[tilespmem:v24+s0+$0x0] =	vst.idx.msk $0xffff, v19  }
0x226: {  	[tilespmem:v26+s0+$0x0] =	vst.idx.msk $0xffff, v21;
	v19 =	vld [tilespmem:s6+$0x3B0];
	v21 =	vor.u32 v3, v27  }
0x227: {  	v26 =	vor.u32 v1, v8;
	v24 =	vld [tilespmem:s6+$0xFFFFFC90];
	[tilespmem:v23+s0+$0x0] =	vst.idx.msk $0xffff, v20  }
0x228: {  	v23 =	vor.u32 v1, v9;
	v20 =	vld [tilespmem:s6+$0xFFFFFD10];
	[tilespmem:v25+s0+$0x0] =	vst.idx.msk $0xffff, v22  }
0x229: {  	v25 =	vor.u32 v1, v10;
	v22 =	vld [tilespmem:s6+$0xFFFFFD90];
	[tilespmem:v29+s0+$0x0] =	vst.idx.msk $0xffff, v28  }
0x22a: {  	v28 =	vor.u32 v1, v11;
	v27 =	vld [tilespmem:s6+$0xFFFFFE10];
	[tilespmem:v31+s0+$0x0] =	vst.idx.msk $0xffff, v30  }
0x22b: {  	v30 =	vor.u32 v1, v12;
	v29 =	vld [tilespmem:s6+$0xFFFFFE90];
	[tilespmem:v21+s0+$0x0] =	vst.idx.msk $0xffff, v19  }
0x22c: {  	v21 =	vor.u32 v1, v14;
	[tilespmem:v26+s0+$0x0] =	vst.idx.msk $0xffff, v24;
	v19 =	vld [tilespmem:s6+$0xFFFFFF10]  }
0x22d: {  	[tilespmem:v23+s0+$0x0] =	vst.idx.msk $0xffff, v20;
	v20 =	vld [tilespmem:s6+$0xFFFFFF90];
	v23 =	vor.u32 v1, v17  }
0x22e: {  	v24 =	vor.u32 v1, v15;
	[tilespmem:v25+s0+$0x0] =	vst.idx.msk $0xffff, v22;
	v22 =	vld [tilespmem:s6+$0x10]  }
0x22f: {  	v26 =	vor.u32 v1, v13;
	[tilespmem:v28+s0+$0x0] =	vst.idx.msk $0xffff, v27;
	v25 =	vld [tilespmem:s6+$0x90]  }
0x230: {  	v28 =	vor.u32 v1, v18;
	[tilespmem:v30+s0+$0x0] =	vst.idx.msk $0xffff, v29;
	v27 =	vld [tilespmem:s6+$0x110]  }
0x231: {  	[tilespmem:v21+s0+$0x0] =	vst.idx.msk $0xffff, v19;
	v19 =	vld [tilespmem:s6+$0x190];
	v21 =	vor.u32 v1, v16  }
0x232: {  	[tilespmem:v23+s0+$0x0] =	vst.idx.msk $0xffff, v20;
	v20 =	vld [tilespmem:s6+$0x210];
	v23 =	vor.u32 v1, v7  }
0x233: {  	[tilespmem:v24+s0+$0x0] =	vst.idx.msk $0xffff, v22;
	v22 =	vld [tilespmem:s6+$0x290];
	v24 =	vor.u32 v1, v5  }
0x234: {  	[tilespmem:v26+s0+$0x0] =	vst.idx.msk $0xffff, v25;
	v25 =	vld [tilespmem:s6+$0x310];
	v26 =	vor.u32 v1, v6  }
0x235: {  	v30 =	vor.u32 v1, v4;
	v29 =	vld [tilespmem:s6+$0xFFFFFC10];
	[tilespmem:v28+s0+$0x0] =	vst.idx.msk $0xffff, v27  }
0x236: {  	v28 =	vor.u32 v2, v8;
	v27 =	vld [tilespmem:s6+$0xFFFFFCA0];
	[tilespmem:v21+s0+$0x0] =	vst.idx.msk $0xffff, v19  }
0x237: {  	v21 =	vor.u32 v2, v9;
	v19 =	vld [tilespmem:s6+$0xFFFFFD20];
	[tilespmem:v23+s0+$0x0] =	vst.idx.msk $0xffff, v20  }
0x238: {  	v23 =	vor.u32 v2, v10;
	v20 =	vld [tilespmem:s6+$0xFFFFFDA0];
	[tilespmem:v24+s0+$0x0] =	vst.idx.msk $0xffff, v22  }
0x239: {  	v24 =	vor.u32 v2, v11;
	v22 =	vld [tilespmem:s6+$0xFFFFFE20];
	[tilespmem:v26+s0+$0x0] =	vst.idx.msk $0xffff, v25  }
0x23a: {  	v26 =	vor.u32 v2, v12;
	[tilespmem:v30+s0+$0x0] =	vst.idx.msk $0xffff, v29;
	v25 =	vld [tilespmem:s6+$0xFFFFFEA0]  }
0x23b: {  	[tilespmem:v28+s0+$0x0] =	vst.idx.msk $0xffff, v27;
	v27 =	vld [tilespmem:s6+$0xFFFFFF20];
	v28 =	vor.u32 v2, v14  }
0x23c: {  	[tilespmem:v21+s0+$0x0] =	vst.idx.msk $0xffff, v19;
	v19 =	vld [tilespmem:s6+$0xFFFFFFA0];
	v21 =	vor.u32 v2, v17  }
0x23d: {  	[tilespmem:v23+s0+$0x0] =	vst.idx.msk $0xffff, v20;
	v20 =	vld [tilespmem:s6+$0x20];
	v23 =	vor.u32 v2, v15  }
0x23e: {  	[tilespmem:v24+s0+$0x0] =	vst.idx.msk $0xffff, v22;
	v22 =	vld [tilespmem:s6+$0xA0];
	v24 =	vor.u32 v2, v13  }
0x23f: {  	[tilespmem:v26+s0+$0x0] =	vst.idx.msk $0xffff, v25;
	v25 =	vld [tilespmem:s6+$0x120];
	v26 =	vor.u32 v2, v18  }
0x240: {  	[tilespmem:v28+s0+$0x0] =	vst.idx.msk $0xffff, v27;
	v27 =	vld [tilespmem:s6+$0x1A0];
	v28 =	vor.u32 v2, v16  }
0x241: {  	[tilespmem:v21+s0+$0x0] =	vst.idx.msk $0xffff, v19;
	v19 =	vld [tilespmem:s6+$0x220];
	v21 =	vor.u32 v2, v7  }
0x242: {  	[tilespmem:v23+s0+$0x0] =	vst.idx.msk $0xffff, v20;
	v20 =	vld [tilespmem:s6+$0x2A0];
	v23 =	vor.u32 v2, v5  }
0x243: {  	[tilespmem:v24+s0+$0x0] =	vst.idx.msk $0xffff, v22;
	v22 =	vld [tilespmem:s6+$0x320];
	v24 =	vor.u32 v2, v6  }
0x244: {  	v30 =	vor.u32 v2, v4;
	v29 =	vld [tilespmem:s6+$0xFFFFFC20];
	[tilespmem:v26+s0+$0x0] =	vst.idx.msk $0xffff, v25  }
0x245: {  	v8 =	vor.u32 v3, v8;
	v25 =	vld [tilespmem:s6+$0xFFFFFCB0];
	[tilespmem:v28+s0+$0x0] =	vst.idx.msk $0xffff, v27  }
0x246: {  	v9 =	vor.u32 v3, v9;
	v26 =	vld [tilespmem:s6+$0xFFFFFD30];
	[tilespmem:v21+s0+$0x0] =	vst.idx.msk $0xffff, v19  }
0x247: {  	v10 =	vor.u32 v3, v10;
	v21 =	vld [tilespmem:s6+$0xFFFFFDB0];
	[tilespmem:v23+s0+$0x0] =	vst.idx.msk $0xffff, v20  }
0x248: {  	v11 =	vor.u32 v3, v11;
	v23 =	vld [tilespmem:s6+$0xFFFFFE30];
	[tilespmem:v24+s0+$0x0] =	vst.idx.msk $0xffff, v22  }
0x249: {  	v12 =	vor.u32 v3, v12;
	[tilespmem:v30+s0+$0x0] =	vst.idx.msk $0xffff, v29;
	v24 =	vld [tilespmem:s6+$0xFFFFFEB0]  }
0x24a: {  	v28 =	vor.u32 v3, v14;
	[tilespmem:v8+s0+$0x0] =	vst.idx.msk $0xffff, v25;
	v27 =	vld [tilespmem:s6+$0xFFFFFF30]  }
.Ltmp2:
0x24b: {  	s5 =	sadd.s32 $0x1, s20;
	v20 =	vor.u32 v3, v17;
	v8 =	vmov s20;
	[tilespmem:v9+s0+$0x0] =	vst.idx.msk $0xffff, v26;
	v19 =	vld [tilespmem:s6+$0xFFFFFFB0];
	(pc) =	sbr.rel @p0 .LBB2_7-.Ltmp2, $4  }
0x24c: {  	s23 =	sadd.s32 $0x3, s20;
	v17 =	vmov s5;
	s5 =	sadd.s32 $0x2, s20;
	v22 =	vor.u32 v3, v15;
	v8 =	vand.u32 $0x70, v8;
	[tilespmem:v10+s0+$0x0] =	vst.idx.msk $0xffff, v21;
	v21 =	vld [tilespmem:s6+$0x30]  }
0x24d: {  	v25 =	vor.u32 v3, v13;
	v9 =	vmov s5;
	s5 =	sadd.s32 $0x4, s20;
	v10 =	vmov s23;
	s23 =	sadd.s32 $0x5, s20;
	[tilespmem:v11+s0+$0x0] =	vst.idx.msk $0xffff, v23;
	v23 =	vld [tilespmem:s6+$0xB0]  }
0x24e: {  	v18 =	vor.u32 v3, v18;
	v11 =	vmov s5;
	v14 =	vmov s23;
	s5 =	sadd.s32 $0x6, s20;
	s23 =	sadd.s32 $0x7, s20;
	[tilespmem:v12+s0+$0x0] =	vst.idx.msk $0xffff, v24;
	v24 =	vld [tilespmem:s6+$0x130]  }
0x24f: {  	s20 =	sadd.s32 $0x10, s20;
	v15 =	vmov s5;
	v13 =	vmov s23;
	s5 =	sadd.s32 $0x8, s14;
	s23 =	sadd.s32 $0xF, s14;
	v12 =	vor.u32 v3, v16;
	[tilespmem:v28+s0+$0x0] =	vst.idx.msk $0xffff, v27;
	v26 =	vld [tilespmem:s6+$0x1B0]  }
0x250: {  	_ =	sdelay $0x3  }
0x251: {  	v27 =	vmov s23;
	[tilespmem:v20+s0+$0x0] =	vst.idx.msk $0xffff, v19;
	v19 =	vld [tilespmem:s6+$0x230];
	v7 =	vor.u32 v3, v7  }
0x252: {  	v29 =	vor.u32 v3, v4;
	v27 =	vand.u32 $0x7F, v27;
	[tilespmem:v22+s0+$0x0] =	vst.idx.msk $0xffff, v21;
	v21 =	vld [tilespmem:s6+$0x2B0];
	v22 =	vor.u32 v3, v5  }
0x253: {  	s20 =	sadd.s32 $0x9, s14;
	v27 =	vbroadcast v27, $0x0;
	[tilespmem:v25+s0+$0x0] =	vst.idx.msk $0xffff, v23;
	v23 =	vld [tilespmem:s6+$0x330];
	v25 =	vor.u32 v3, v6;
	v6 =	vand.u32 $0x71, v17  }
0x254: {  	v20 =	vmov s20;
	v5 =	vbroadcast v8, $0x0;
	v17 =	vld [tilespmem:s6+$0xFFFFFC30];
	s6 =	sadd.s32 $0x800, s6;
	[tilespmem:v18+s0+$0x0] =	vst.idx.msk $0xffff, v24;
	v4 =	vbroadcast v6, $0x0  }
0x255: {  	v8 =	vand.u32 $0x73, v10;
	v6 =	vand.u32 $0x72, v9;
	v18 =	vld [tilespmem:s6+$0x380];
	v24 =	vor.u32 v0, v27;
	[tilespmem:v12+s0+$0x0] =	vst.idx.msk $0xffff, v26  }
0x256: {  	v12 =	vld [tilespmem:s6+$0xFFFFFC00];
	v26 =	vor.u32 v0, v5;
	v6 =	vbroadcast v6, $0x0;
	[tilespmem:v7+s0+$0x0] =	vst.idx.msk $0xffff, v19;
	v30 =	vor.u32 v0, v4  }
0x257: {  	v19 =	vld [tilespmem:s6+$0xFFFFFC80];
	v7 =	vbroadcast v8, $0x0;
	v8 =	vand.u32 $0x74, v11;
	v11 =	vand.u32 $0x77, v13;
	[tilespmem:v22+s0+$0x0] =	vst.idx.msk $0xffff, v21  }
0x258: {  	v13 =	vand.u32 $0x79, v20;
	v21 =	vld [tilespmem:s6+$0xFFFFFD00];
	v22 =	vor.u32 v0, v6;
	v8 =	vbroadcast v8, $0x0;
	[tilespmem:v25+s0+$0x0] =	vst.idx.msk $0xffff, v23  }
0x259: {  	v13 =	vbroadcast v13, $0x0;
	v23 =	vld [tilespmem:s6+$0xFFFFFD80];
	v25 =	vor.u32 v0, v7;
	[tilespmem:v29+s0+$0x0] =	vst.idx.msk $0xffff, v17  }
0x25a: {  	v9 =	vand.u32 $0x75, v14;
	v14 =	vld [tilespmem:s6+$0xFFFFFE00];
	v17 =	vor.u32 v0, v8;
	[tilespmem:v24+s0+$0x0] =	vst.idx.msk $0xffff, v18  }
0x25b: {  	v10 =	vand.u32 $0x76, v15;
	v57 =	vld [tilespmem:s6+$0x80];
	v9 =	vbroadcast v9, $0x0;
	v58 =	vor.u32 v0, v13;
	[tilespmem:v26+s0+$0x0] =	vst.idx.msk $0xffff, v12  }
0x25c: {  	v10 =	vbroadcast v10, $0x0;
	v18 =	vor.u32 v1, v27;
	v15 =	vld [tilespmem:s6+$0x390];
	[tilespmem:v30+s0+$0x0] =	vst.idx.msk $0xffff, v19  }
0x25d: {  	v16 =	vmov s5;
	v24 =	vor.u32 v0, v9;
	v19 =	vld [tilespmem:s6+$0xFFFFFE80];
	[tilespmem:v22+s0+$0x0] =	vst.idx.msk $0xffff, v21  }
0x25e: {  	s23 =	sadd.s32 $0xA, s14;
	v11 =	vbroadcast v11, $0x0;
	v12 =	vand.u32 $0x78, v16;
	v16 =	vld [tilespmem:s6+$0xFFFFFF00];
	v21 =	vor.u32 v0, v10;
	[tilespmem:v25+s0+$0x0] =	vst.idx.msk $0xffff, v23  }
0x25f: {  	v28 =	vmov s23;
	v37 =	vor.u32 v1, v5;
	v12 =	vbroadcast v12, $0x0;
	v36 =	vld [tilespmem:s6+$0xFFFFFC10];
	[tilespmem:v17+s0+$0x0] =	vst.idx.msk $0xffff, v14  }
0x260: {  	v20 =	vld [tilespmem:s6+$0xFFFFFF80];
	v22 =	vor.u32 v0, v11;
	v14 =	vand.u32 $0x7A, v28;
	[tilespmem:v58+s0+$0x0] =	vst.idx.msk $0xffff, v57  }
0x261: {  	s26 =	sadd.s32 $0xB, s14;
	s20 =	sadd.s32 $0xC, s14;
	v25 =	vld [tilespmem:s6+$0x0];
	v26 =	vor.u32 v0, v12;
	v14 =	vbroadcast v14, $0x0;
	[tilespmem:v18+s0+$0x0] =	vst.idx.msk $0xffff, v15  }
0x262: {  	v31 =	vmov s26;
	v32 =	vmov s20;
	[tilespmem:v24+s0+$0x0] =	vst.idx.msk $0xffff, v19;
	v24 =	vor.u32 v2, v27;
	v19 =	vld [tilespmem:s6+$0x3A0]  }
0x263: {  	s23 =	sadd.s32 $0xD, s14;
	v34 =	vor.u32 v1, v9;
	v17 =	vand.u32 $0x7B, v31;
	[tilespmem:v21+s0+$0x0] =	vst.idx.msk $0xffff, v16;
	v21 =	vld [tilespmem:s6+$0x100];
	v59 =	vor.u32 v0, v14  }
0x264: {  	v23 =	vmov s23;
	v15 =	vbroadcast v17, $0x0;
	v17 =	vand.u32 $0x7C, v32;
	[tilespmem:v37+s0+$0x0] =	vst.idx.msk $0xffff, v36;
	v33 =	vld [tilespmem:s6+$0xFFFFFE90]  }
0x265: {  	v41 =	vor.u32 v2, v5;
	v16 =	vbroadcast v17, $0x0;
	v17 =	vand.u32 $0x7D, v23;
	[tilespmem:v22+s0+$0x0] =	vst.idx.msk $0xffff, v20;
	v29 =	vld [tilespmem:s6+$0xFFFFFC20]  }
0x266: {  	v20 =	vld [tilespmem:s6+$0x180];
	v22 =	vor.u32 v0, v15;
	v17 =	vbroadcast v17, $0x0;
	[tilespmem:v26+s0+$0x0] =	vst.idx.msk $0xffff, v25  }
0x267: {  	v23 =	vld [tilespmem:s6+$0x200];
	v25 =	vor.u32 v0, v16;
	[tilespmem:v24+s0+$0x0] =	vst.idx.msk $0xffff, v19  }
0x268: {  	v26 =	vld [tilespmem:s6+$0x280];
	v60 =	vor.u32 v0, v17;
	[tilespmem:v59+s0+$0x0] =	vst.idx.msk $0xffff, v21  }
0x269: {  	s26 =	sadd.s32 $0xE, s14;
	v21 =	vor.u32 v3, v27;
	v24 =	vld [tilespmem:s6+$0xFFFFFC90];
	v27 =	vor.u32 v1, v4;
	[tilespmem:v34+s0+$0x0] =	vst.idx.msk $0xffff, v33  }
0x26a: {  	v56 =	vmov s26;
	[tilespmem:v41+s0+$0x0] =	vst.idx.msk $0xffff, v29;
	v19 =	vld [tilespmem:s6+$0x3B0]  }
0x26b: {  	v18 =	vand.u32 $0x7E, v56;
	[tilespmem:v22+s0+$0x0] =	vst.idx.msk $0xffff, v20;
	v20 =	vld [tilespmem:s6+$0xFFFFFD10];
	v22 =	vor.u32 v1, v6  }
0x26c: {  	v18 =	vbroadcast v18, $0x0;
	[tilespmem:v25+s0+$0x0] =	vst.idx.msk $0xffff, v23;
	v23 =	vld [tilespmem:s6+$0xFFFFFD90];
	v25 =	vor.u32 v1, v7  }
0x26d: {  	v63 =	vor.u32 v1, v8;
	[tilespmem:v60+s0+$0x0] =	vst.idx.msk $0xffff, v26;
	v26 =	vld [tilespmem:s6+$0xFFFFFE10]  }
0x26e: {  	v61 =	vld [tilespmem:s6+$0x300];
	v62 =	vor.u32 v0, v18;
	[tilespmem:v27+s0+$0x0] =	vst.idx.msk $0xffff, v24  }
0x26f: {  	[tilespmem:v21+s0+$0x0] =	vst.idx.msk $0xffff, v19;
	v19 =	vld [tilespmem:s6+$0xFFFFFF10];
	v21 =	vor.u32 v1, v10  }
0x270: {  	[tilespmem:v22+s0+$0x0] =	vst.idx.msk $0xffff, v20;
	v20 =	vld [tilespmem:s6+$0xFFFFFF90];
	v22 =	vor.u32 v1, v11  }
0x271: {  	v24 =	vor.u32 v1, v12;
	[tilespmem:v25+s0+$0x0] =	vst.idx.msk $0xffff, v23;
	v23 =	vld [tilespmem:s6+$0x10]  }
0x272: {  	v25 =	vld [tilespmem:s6+$0x90];
	[tilespmem:v63+s0+$0x0] =	vst.idx.msk $0xffff, v26;
	v26 =	vor.u32 v1, v13  }
0x273: {  	v35 =	vor.u32 v1, v14;
	[tilespmem:v62+s0+$0x0] =	vst.idx.msk $0xffff, v61;
	v27 =	vld [tilespmem:s6+$0x110]  }
0x274: {  	[tilespmem:v21+s0+$0x0] =	vst.idx.msk $0xffff, v19;
	v19 =	vld [tilespmem:s6+$0x190];
	v21 =	vor.u32 v1, v15  }
0x275: {  	[tilespmem:v22+s0+$0x0] =	vst.idx.msk $0xffff, v20;
	v20 =	vld [tilespmem:s6+$0x210];
	v22 =	vor.u32 v1, v16  }
0x276: {  	[tilespmem:v24+s0+$0x0] =	vst.idx.msk $0xffff, v23;
	v23 =	vld [tilespmem:s6+$0x290];
	v24 =	vor.u32 v1, v17  }
0x277: {  	[tilespmem:v26+s0+$0x0] =	vst.idx.msk $0xffff, v25;
	v25 =	vld [tilespmem:s6+$0x310];
	v26 =	vor.u32 v1, v18  }
0x278: {  	v38 =	vor.u32 v2, v4;
	[tilespmem:v35+s0+$0x0] =	vst.idx.msk $0xffff, v27;
	v27 =	vld [tilespmem:s6+$0xFFFFFCA0]  }
0x279: {  	[tilespmem:v21+s0+$0x0] =	vst.idx.msk $0xffff, v19;
	v19 =	vld [tilespmem:s6+$0xFFFFFD20];
	v21 =	vor.u32 v2, v6  }
0x27a: {  	[tilespmem:v22+s0+$0x0] =	vst.idx.msk $0xffff, v20;
	v20 =	vld [tilespmem:s6+$0xFFFFFDA0];
	v22 =	vor.u32 v2, v7  }
0x27b: {  	[tilespmem:v24+s0+$0x0] =	vst.idx.msk $0xffff, v23;
	v23 =	vld [tilespmem:s6+$0xFFFFFE20];
	v24 =	vor.u32 v2, v8  }
0x27c: {  	[tilespmem:v26+s0+$0x0] =	vst.idx.msk $0xffff, v25;
	v25 =	vld [tilespmem:s6+$0xFFFFFEA0];
	v26 =	vor.u32 v2, v9  }
0x27d: {  	v39 =	vor.u32 v2, v10;
	[tilespmem:v38+s0+$0x0] =	vst.idx.msk $0xffff, v27;
	v27 =	vld [tilespmem:s6+$0xFFFFFF20]  }
0x27e: {  	[tilespmem:v21+s0+$0x0] =	vst.idx.msk $0xffff, v19;
	v19 =	vld [tilespmem:s6+$0xFFFFFFA0];
	v21 =	vor.u32 v2, v11  }
0x27f: {  	[tilespmem:v22+s0+$0x0] =	vst.idx.msk $0xffff, v20;
	v20 =	vld [tilespmem:s6+$0x20];
	v22 =	vor.u32 v2, v12  }
0x280: {  	[tilespmem:v24+s0+$0x0] =	vst.idx.msk $0xffff, v23;
	v23 =	vld [tilespmem:s6+$0xA0];
	v24 =	vor.u32 v2, v13  }
0x281: {  	[tilespmem:v26+s0+$0x0] =	vst.idx.msk $0xffff, v25;
	v25 =	vld [tilespmem:s6+$0x120];
	v26 =	vor.u32 v2, v14  }
0x282: {  	v40 =	vor.u32 v2, v15;
	[tilespmem:v39+s0+$0x0] =	vst.idx.msk $0xffff, v27;
	v27 =	vld [tilespmem:s6+$0x1A0]  }
0x283: {  	[tilespmem:v21+s0+$0x0] =	vst.idx.msk $0xffff, v19;
	v19 =	vld [tilespmem:s6+$0x220];
	v21 =	vor.u32 v2, v16  }
0x284: {  	[tilespmem:v22+s0+$0x0] =	vst.idx.msk $0xffff, v20;
	v20 =	vld [tilespmem:s6+$0x2A0];
	v22 =	vor.u32 v2, v17  }
0x285: {  	[tilespmem:v24+s0+$0x0] =	vst.idx.msk $0xffff, v23;
	v23 =	vld [tilespmem:s6+$0x320];
	v24 =	vor.u32 v2, v18  }
0x286: {  	v4 =	vor.u32 v3, v4;
	[tilespmem:v26+s0+$0x0] =	vst.idx.msk $0xffff, v25;
	v25 =	vld [tilespmem:s6+$0xFFFFFCB0]  }
0x287: {  	v6 =	vor.u32 v3, v6;
	[tilespmem:v40+s0+$0x0] =	vst.idx.msk $0xffff, v27;
	v26 =	vld [tilespmem:s6+$0xFFFFFD30]  }
0x288: {  	v7 =	vor.u32 v3, v7;
	[tilespmem:v21+s0+$0x0] =	vst.idx.msk $0xffff, v19;
	v19 =	vld [tilespmem:s6+$0xFFFFFDB0]  }
0x289: {  	v8 =	vor.u32 v3, v8;
	[tilespmem:v22+s0+$0x0] =	vst.idx.msk $0xffff, v20;
	v20 =	vld [tilespmem:s6+$0xFFFFFE30]  }
0x28a: {  	v9 =	vor.u32 v3, v9;
	v21 =	vld [tilespmem:s6+$0xFFFFFEB0];
	[tilespmem:v24+s0+$0x0] =	vst.idx.msk $0xffff, v23  }
0x28b: {  	v10 =	vor.u32 v3, v10;
	[tilespmem:v4+s0+$0x0] =	vst.idx.msk $0xffff, v25;
	v4 =	vld [tilespmem:s6+$0xFFFFFF30]  }
0x28c: {  	v11 =	vor.u32 v3, v11;
	[tilespmem:v6+s0+$0x0] =	vst.idx.msk $0xffff, v26;
	v6 =	vld [tilespmem:s6+$0xFFFFFFB0]  }
0x28d: {  	v12 =	vor.u32 v3, v12;
	[tilespmem:v7+s0+$0x0] =	vst.idx.msk $0xffff, v19;
	v7 =	vld [tilespmem:s6+$0x30]  }
0x28e: {  	v13 =	vor.u32 v3, v13;
	[tilespmem:v8+s0+$0x0] =	vst.idx.msk $0xffff, v20;
	v8 =	vld [tilespmem:s6+$0xB0]  }
0x28f: {  	v14 =	vor.u32 v3, v14;
	[tilespmem:v9+s0+$0x0] =	vst.idx.msk $0xffff, v21;
	v9 =	vld [tilespmem:s6+$0x130]  }
0x290: {  	[tilespmem:v10+s0+$0x0] =	vst.idx.msk $0xffff, v4;
	v4 =	vld [tilespmem:s6+$0x1B0];
	v10 =	vor.u32 v3, v15  }
0x291: {  	[tilespmem:v11+s0+$0x0] =	vst.idx.msk $0xffff, v6;
	v6 =	vld [tilespmem:s6+$0x230];
	v11 =	vor.u32 v3, v16  }
0x292: {  	v5 =	vor.u32 v3, v5;
	v15 =	vld [tilespmem:s6+$0xFFFFFC30];
	[tilespmem:v12+s0+$0x0] =	vst.idx.msk $0xffff, v7  }
0x293: {  	v7 =	vld [tilespmem:s6+$0x2B0];
	v12 =	vor.u32 v3, v17;
	[tilespmem:v13+s0+$0x0] =	vst.idx.msk $0xffff, v8  }
0x294: {  	v8 =	vld [tilespmem:s6+$0x330];
	v13 =	vor.u32 v3, v18;
	[tilespmem:v14+s0+$0x0] =	vst.idx.msk $0xffff, v9  }
0x295: {  	[tilespmem:v10+s0+$0x0] =	vst.idx.msk $0xffff, v4  }
0x296: {  	[tilespmem:v11+s0+$0x0] =	vst.idx.msk $0xffff, v6  }
0x297: {  	p0 =	seq.s32 s24, $0x31;
	s14 =	sor.u32 s8, s25;
	[tilespmem:v5+s0+$0x0] =	vst.idx.msk $0xffff, v15  }
0x298: {  	s5 =	sshrl.u32 s14, $0x3;
	s26 =	sadd.s32 $0x1, s24;
	s14 =	simm.s32 @!p0 $0x7000;
	[tilespmem:v12+s0+$0x0] =	vst.idx.msk $0xffff, v7  }
0x299: {  	s20 =	simm.s32 $0x0;
	s24 =	simm.s32 $0x3;
	s5 =	sadd.s32 s2, s5;
	[tilespmem:v13+s0+$0x0] =	vst.idx.msk $0xffff, v8  }
0x29a: {  	[hbm4b:s5+s15] =	stream.strided.scatter [tilespmem:s0], [sflag:$0x3], $0x2000, s16, s15, $0x38;
	[tilespmem:$0x13000] =	vst v63  }
0x29b: {  	s23 =	simm.s32 $0x2;
	s6 =	simm.s32 @!p0 $0x80;
	_ =	swait.ge [sflag:s1], $0x4000  }
0x29c: {  	v4 =	vmov s20;
	s20 =	simm.s32 $0x1;
	s5 =	sshll.u32 @!p0 s26, $0x7;
	[sflag:s1] =	ssyncset.done $0x0  }
0x29d: {  	v7 =	vmov s24;
	s24 =	simm.s32 $0xF;
	s5 =	sand.u32 @!p0 $0x3FFFFF80, s5;
	[sflag:s1] =	ssyncadd.s32 $0xFFFFC000  }
0x29e: {  	v6 =	vmov s23;
	v8 =	vmov s24;
	[tilespmem:s14], [sflag:$0x1] =	stream.indirect.gather @!p0 [hbm4b:s4+s6], $0x80, s5, s6, $0xb8;
	[tilespmem:$0x13000] =	vst v63  }
0x29f: {  	v4 =	vand.u32 $0x70, v4;
	v5 =	vmov s20;
	s20 =	simm.s32 $0x4;
	v8 =	vand.u32 $0x7F, v8;
	_ =	swait.ge [sflag:s21], $0x2000  }
0x2a0: {  	v11 =	vmov s20;
	v5 =	vand.u32 $0x71, v5;
	v20 =	vbroadcast v8, $0x0;
	s6 =	simm.s32 $0x6;
	[sflag:s21] =	ssyncset.done $0x0  }
0x2a1: {  	s23 =	simm.s32 $0x5;
	v4 =	vbroadcast v4, $0x0;
	v8 =	vbroadcast v5, $0x0;
	v13 =	vmov s6;
	s6 =	simm.s32 $0xB7B0;
	[sflag:s21] =	ssyncadd.s32 $0xFFFFE000  }
0x2a2: {  	v12 =	vmov s23;
	v5 =	vand.u32 $0x72, v6;
	v15 =	vor.u32 v0, v20;
	v6 =	vld [tilespmem:s6+$0xFFFFFFD0]  }
0x2a3: {  	v9 =	vbroadcast v5, $0x0;
	v5 =	vand.u32 $0x73, v7;
	v23 =	vor.u32 v0, v8;
	v7 =	vld [tilespmem:s6+$0xFFFFF8D0]  }
0x2a4: {  	v22 =	vor.u32 v0, v4;
	v10 =	vbroadcast v5, $0x0;
	v5 =	vand.u32 $0x74, v11;
	v17 =	vld [tilespmem:s6+$0xFFFFF850]  }
0x2a5: {  	v12 =	vand.u32 $0x75, v12;
	v25 =	vor.u32 v0, v9;
	v11 =	vbroadcast v5, $0x0;
	v24 =	vld [tilespmem:s6+$0xFFFFF950]  }
0x2a6: {  	s20 =	simm.s32 $0x7;
	s23 =	simm.s32 $0x8;
	v14 =	vbroadcast v12, $0x0;
	v27 =	vor.u32 v0, v10;
	v26 =	vld [tilespmem:s6+$0xFFFFF9D0]  }
0x2a7: {  	v16 =	vmov s20;
	v18 =	vmov s23;
	v44 =	vor.u32 v0, v11;
	v43 =	vld [tilespmem:s6+$0xFFFFFA50];
	[tilespmem:v15+s17+$0x0] =	vst.idx.msk $0xffff, v6  }
0x2a8: {  	v57 =	vor.u32 v1, v4;
	v12 =	vand.u32 $0x76, v13;
	[tilespmem:v23+s17+$0x0] =	vst.idx.msk $0xffff, v7;
	v7 =	vld [tilespmem:s6+$0xFFFFFAD0];
	v23 =	vor.u32 v0, v14  }
0x2a9: {  	s24 =	simm.s32 $0x9;
	[tilespmem:v22+s17+$0x0] =	vst.idx.msk $0xffff, v17;
	v15 =	vbroadcast v12, $0x0;
	v6 =	vand.u32 $0x77, v16;
	v22 =	vor.u32 v1, v20;
	v12 =	vld [tilespmem:s6+$0xFFFFFFE0]  }
0x2aa: {  	v19 =	vmov s24;
	[tilespmem:v25+s17+$0x0] =	vst.idx.msk $0xffff, v24;
	v17 =	vbroadcast v6, $0x0;
	v6 =	vand.u32 $0x78, v18;
	v56 =	vld [tilespmem:s6+$0xFFFFF860]  }
0x2ab: {  	v24 =	vld [tilespmem:s6+$0xFFFFFB50];
	[tilespmem:v27+s17+$0x0] =	vst.idx.msk $0xffff, v26;
	v25 =	vor.u32 v0, v15;
	v16 =	vbroadcast v6, $0x0;
	v6 =	vand.u32 $0x79, v19  }
0x2ac: {  	s14 =	simm.s32 $0xA;
	[tilespmem:v44+s17+$0x0] =	vst.idx.msk $0xffff, v43;
	v19 =	vld [tilespmem:s6+$0xFFFFFBD0];
	v26 =	vor.u32 v0, v17;
	v13 =	vbroadcast v6, $0x0  }
0x2ad: {  	s23 =	simm.s32 $0xC;
	v21 =	vmov s14;
	v27 =	vld [tilespmem:s6+$0xFFFFFC50];
	v45 =	vor.u32 v0, v16;
	[tilespmem:v23+s17+$0x0] =	vst.idx.msk $0xffff, v7  }
0x2ae: {  	s20 =	simm.s32 $0xB;
	v42 =	vmov s23;
	v46 =	vld [tilespmem:s6+$0xFFFFFCD0];
	v18 =	vand.u32 $0x7A, v21;
	v47 =	vor.u32 v0, v13;
	[tilespmem:v22+s17+$0x0] =	vst.idx.msk $0xffff, v12  }
0x2af: {  	s24 =	simm.s32 $0xD;
	v54 =	vor.u32 v1, v14;
	v5 =	vmov s20;
	v18 =	vbroadcast v18, $0x0;
	v53 =	vld [tilespmem:s6+$0xFFFFFAE0];
	[tilespmem:v57+s17+$0x0] =	vst.idx.msk $0xffff, v56  }
0x2b0: {  	v5 =	vand.u32 $0x7B, v5;
	v6 =	vmov s24;
	v23 =	vor.u32 v2, v20;
	v22 =	vld [tilespmem:s6+$0xFFFFFFF0];
	[tilespmem:v25+s17+$0x0] =	vst.idx.msk $0xffff, v24  }
0x2b1: {  	v12 =	vbroadcast v5, $0x0;
	v5 =	vand.u32 $0x7C, v42;
	v24 =	vld [tilespmem:s6+$0xFFFFFD50];
	v25 =	vor.u32 v0, v18;
	[tilespmem:v26+s17+$0x0] =	vst.idx.msk $0xffff, v19  }
0x2b2: {  	v61 =	vor.u32 v2, v4;
	s14 =	simm.s32 $0xE;
	v7 =	vbroadcast v5, $0x0;
	v5 =	vand.u32 $0x7D, v6;
	v29 =	vld [tilespmem:s6+$0xFFFFF870];
	[tilespmem:v45+s17+$0x0] =	vst.idx.msk $0xffff, v27  }
0x2b3: {  	v21 =	vmov s14;
	v19 =	vld [tilespmem:s6+$0xFFFFFDD0];
	v26 =	vor.u32 v0, v12;
	v5 =	vbroadcast v5, $0x0;
	[tilespmem:v47+s17+$0x0] =	vst.idx.msk $0xffff, v46  }
0x2b4: {  	v6 =	vand.u32 $0x7E, v21;
	v21 =	vld [tilespmem:s6+$0xFFFFFE50];
	v27 =	vor.u32 v0, v7;
	[tilespmem:v54+s17+$0x0] =	vst.idx.msk $0xffff, v53  }
0x2b5: {  	v48 =	vld [tilespmem:s6+$0xFFFFFED0];
	v49 =	vor.u32 v0, v5;
	[tilespmem:v23+s17+$0x0] =	vst.idx.msk $0xffff, v22  }
0x2b6: {  	[tilespmem:v25+s17+$0x0] =	vst.idx.msk $0xffff, v24;
	v23 =	vld [tilespmem:s6+$0xFFFFF8E0];
	v24 =	vor.u32 v1, v8  }
0x2b7: {  	v20 =	vor.u32 v3, v20;
	[tilespmem:v61+s17+$0x0] =	vst.idx.msk $0xffff, v29;
	v22 =	vld [tilespmem:s6+$0x0]  }
0x2b8: {  	v6 =	vbroadcast v6, $0x0;
	v25 =	vor.u32 v1, v9;
	[tilespmem:v26+s17+$0x0] =	vst.idx.msk $0xffff, v19;
	v19 =	vld [tilespmem:s6+$0xFFFFF960]  }
0x2b9: {  	v26 =	vor.u32 v1, v10;
	[tilespmem:v27+s17+$0x0] =	vst.idx.msk $0xffff, v21;
	v21 =	vld [tilespmem:s6+$0xFFFFF9E0]  }
0x2ba: {  	v50 =	vld [tilespmem:s6+$0xFFFFFF50];
	v51 =	vor.u32 v0, v6;
	[tilespmem:v49+s17+$0x0] =	vst.idx.msk $0xffff, v48  }
0x2bb: {  	v52 =	vor.u32 v1, v11;
	v27 =	vld [tilespmem:s6+$0xFFFFFA60];
	[tilespmem:v24+s17+$0x0] =	vst.idx.msk $0xffff, v23  }
0x2bc: {  	[tilespmem:v20+s17+$0x0] =	vst.idx.msk $0xffff, v22;
	v20 =	vld [tilespmem:s6+$0xFFFFFB60];
	v22 =	vor.u32 v1, v15  }
0x2bd: {  	v23 =	vor.u32 v1, v17;
	[tilespmem:v25+s17+$0x0] =	vst.idx.msk $0xffff, v19;
	v19 =	vld [tilespmem:s6+$0xFFFFFBE0]  }
0x2be: {  	v24 =	vor.u32 v1, v16;
	[tilespmem:v26+s17+$0x0] =	vst.idx.msk $0xffff, v21;
	v21 =	vld [tilespmem:s6+$0xFFFFFC60]  }
0x2bf: {  	[tilespmem:v51+s17+$0x0] =	vst.idx.msk $0xffff, v50;
	v25 =	vld [tilespmem:s6+$0xFFFFFCE0];
	v26 =	vor.u32 v1, v13  }
0x2c0: {  	v55 =	vor.u32 v1, v18;
	[tilespmem:v52+s17+$0x0] =	vst.idx.msk $0xffff, v27;
	v27 =	vld [tilespmem:s6+$0xFFFFFD60]  }
0x2c1: {  	[tilespmem:v22+s17+$0x0] =	vst.idx.msk $0xffff, v20;
	v20 =	vld [tilespmem:s6+$0xFFFFFDE0];
	v22 =	vor.u32 v1, v12  }
0x2c2: {  	[tilespmem:v23+s17+$0x0] =	vst.idx.msk $0xffff, v19;
	v19 =	vld [tilespmem:s6+$0xFFFFFE60];
	v23 =	vor.u32 v1, v7  }
0x2c3: {  	[tilespmem:v24+s17+$0x0] =	vst.idx.msk $0xffff, v21;
	v21 =	vld [tilespmem:s6+$0xFFFFFEE0];
	v24 =	vor.u32 v1, v5  }
0x2c4: {  	[tilespmem:v26+s17+$0x0] =	vst.idx.msk $0xffff, v25;
	v25 =	vld [tilespmem:s6+$0xFFFFFF60];
	v26 =	vor.u32 v1, v6  }
0x2c5: {  	v58 =	vor.u32 v2, v8;
	[tilespmem:v55+s17+$0x0] =	vst.idx.msk $0xffff, v27;
	v27 =	vld [tilespmem:s6+$0xFFFFF8F0]  }
0x2c6: {  	[tilespmem:v22+s17+$0x0] =	vst.idx.msk $0xffff, v20;
	v20 =	vld [tilespmem:s6+$0xFFFFF970];
	v22 =	vor.u32 v2, v9  }
0x2c7: {  	[tilespmem:v23+s17+$0x0] =	vst.idx.msk $0xffff, v19;
	v19 =	vld [tilespmem:s6+$0xFFFFF9F0];
	v23 =	vor.u32 v2, v10  }
0x2c8: {  	[tilespmem:v24+s17+$0x0] =	vst.idx.msk $0xffff, v21;
	v21 =	vld [tilespmem:s6+$0xFFFFFA70];
	v24 =	vor.u32 v2, v11  }
0x2c9: {  	[tilespmem:v26+s17+$0x0] =	vst.idx.msk $0xffff, v25;
	v25 =	vld [tilespmem:s6+$0xFFFFFAF0];
	v26 =	vor.u32 v2, v14  }
0x2ca: {  	v59 =	vor.u32 v2, v15;
	[tilespmem:v58+s17+$0x0] =	vst.idx.msk $0xffff, v27;
	v27 =	vld [tilespmem:s6+$0xFFFFFB70]  }
0x2cb: {  	[tilespmem:v22+s17+$0x0] =	vst.idx.msk $0xffff, v20;
	v20 =	vld [tilespmem:s6+$0xFFFFFBF0];
	v22 =	vor.u32 v2, v17  }
0x2cc: {  	[tilespmem:v23+s17+$0x0] =	vst.idx.msk $0xffff, v19;
	v19 =	vld [tilespmem:s6+$0xFFFFFC70];
	v23 =	vor.u32 v2, v16  }
0x2cd: {  	[tilespmem:v24+s17+$0x0] =	vst.idx.msk $0xffff, v21;
	v21 =	vld [tilespmem:s6+$0xFFFFFCF0];
	v24 =	vor.u32 v2, v13  }
0x2ce: {  	[tilespmem:v26+s17+$0x0] =	vst.idx.msk $0xffff, v25;
	v25 =	vld [tilespmem:s6+$0xFFFFFD70];
	v26 =	vor.u32 v2, v18  }
0x2cf: {  	v60 =	vor.u32 v2, v12;
	[tilespmem:v59+s17+$0x0] =	vst.idx.msk $0xffff, v27;
	v27 =	vld [tilespmem:s6+$0xFFFFFDF0]  }
0x2d0: {  	[tilespmem:v22+s17+$0x0] =	vst.idx.msk $0xffff, v20;
	v20 =	vld [tilespmem:s6+$0xFFFFFE70];
	v22 =	vor.u32 v2, v7  }
0x2d1: {  	[tilespmem:v23+s17+$0x0] =	vst.idx.msk $0xffff, v19;
	v19 =	vld [tilespmem:s6+$0xFFFFFEF0];
	v23 =	vor.u32 v2, v5  }
0x2d2: {  	[tilespmem:v24+s17+$0x0] =	vst.idx.msk $0xffff, v21;
	v21 =	vld [tilespmem:s6+$0xFFFFFF70];
	v24 =	vor.u32 v2, v6  }
0x2d3: {  	v8 =	vor.u32 v3, v8;
	[tilespmem:v26+s17+$0x0] =	vst.idx.msk $0xffff, v25;
	v25 =	vld [tilespmem:s6+$0xFFFFF900]  }
0x2d4: {  	v9 =	vor.u32 v3, v9;
	[tilespmem:v60+s17+$0x0] =	vst.idx.msk $0xffff, v27;
	v26 =	vld [tilespmem:s6+$0xFFFFF980]  }
0x2d5: {  	v10 =	vor.u32 v3, v10;
	[tilespmem:v22+s17+$0x0] =	vst.idx.msk $0xffff, v20;
	v22 =	vld [tilespmem:s6+$0xFFFFFA00]  }
0x2d6: {  	v11 =	vor.u32 v3, v11;
	[tilespmem:v23+s17+$0x0] =	vst.idx.msk $0xffff, v19;
	v23 =	vld [tilespmem:s6+$0xFFFFFA80]  }
0x2d7: {  	v27 =	vor.u32 v3, v14;
	[tilespmem:v24+s17+$0x0] =	vst.idx.msk $0xffff, v21;
	v24 =	vld [tilespmem:s6+$0xFFFFFB00]  }
0x2d8: {  	v63 =	vor.u32 v3, v15;
	v62 =	vld [tilespmem:s6+$0xFFFFFB80];
	[tilespmem:v8+s17+$0x0] =	vst.idx.msk $0xffff, v25  }
0x2d9: {  	s20 =	simm.s32 $0x11;
	s14 =	simm.s32 $0x10;
	v12 =	vor.u32 v3, v12;
	v19 =	vld [tilespmem:s6+$0xFFFFFC00];
	v20 =	vor.u32 v3, v17;
	[tilespmem:v9+s17+$0x0] =	vst.idx.msk $0xffff, v26  }
0x2da: {  	s23 =	simm.s32 $0x12;
	s24 =	simm.s32 $0x13;
	v17 =	vmov s20;
	v8 =	vmov s14;
	v21 =	vld [tilespmem:s6+$0xFFFFFC80];
	[tilespmem:v10+s17+$0x0] =	vst.idx.msk $0xffff, v22;
	v22 =	vor.u32 v3, v16  }
0x2db: {  	v9 =	vmov s23;
	s23 =	simm.s32 $0x14;
	v25 =	vor.u32 v3, v13;
	v10 =	vmov s24;
	s24 =	simm.s32 $0x15;
	[tilespmem:v11+s17+$0x0] =	vst.idx.msk $0xffff, v23;
	v23 =	vld [tilespmem:s6+$0xFFFFFD00]  }
0x2dc: {  	v18 =	vor.u32 v3, v18;
	v11 =	vmov s23;
	s23 =	simm.s32 $0x16;
	v14 =	vmov s24;
	s24 =	simm.s32 $0x17;
	[tilespmem:v27+s17+$0x0] =	vst.idx.msk $0xffff, v24;
	v24 =	vld [tilespmem:s6+$0xFFFFFD80]  }
0x2dd: {  	s5 =	simm.s32 $0x18;
	[tilespmem:v63+s17+$0x0] =	vst.idx.msk $0xffff, v62;
	s20 =	simm.s32 $0x20;
	v26 =	vld [tilespmem:s6+$0xFFFFFE00];
	v8 =	vand.u32 $0x70, v8;
	v15 =	vmov s23;
	s23 =	simm.s32 $0x1F;
	v13 =	vmov s24  }
.LBB2_9:
0x2de: {  	p0 =	slt.u32 s20, $0x70;
	v16 =	vmov s5;
	s5 =	sadd.s32 $0x9, s14;
	v27 =	vmov s23;
	[tilespmem:v20+s17+$0x0] =	vst.idx.msk $0xffff, v19;
	v19 =	vld [tilespmem:s6+$0xFFFFFE80];
	v7 =	vor.u32 v3, v7  }
0x2df: {  	v5 =	vor.u32 v3, v5;
	v20 =	vmov s5;
	s5 =	sadd.s32 $0xA, s14;
	v27 =	vand.u32 $0x7F, v27;
	[tilespmem:v22+s17+$0x0] =	vst.idx.msk $0xffff, v21;
	v21 =	vld [tilespmem:s6+$0xFFFFFF00]  }
0x2e0: {  	v6 =	vor.u32 v3, v6;
	v22 =	vmov s5;
	v27 =	vbroadcast v27, $0x0;
	[tilespmem:v25+s17+$0x0] =	vst.idx.msk $0xffff, v23;
	v23 =	vld [tilespmem:s6+$0xFFFFFF80]  }
0x2e1: {  	v17 =	vand.u32 $0x71, v17;
	v28 =	vor.u32 v3, v4;
	v4 =	vbroadcast v8, $0x0;
	v25 =	vld [tilespmem:s6+$0xFFFFF880];
	[tilespmem:v18+s17+$0x0] =	vst.idx.msk $0xffff, v24;
	s6 =	sadd.s32 $0x800, s6  }
0x2e2: {  	v9 =	vand.u32 $0x72, v9;
	v8 =	vbroadcast v17, $0x0;
	v17 =	vld [tilespmem:s6+$0xFFFFFFD0];
	v18 =	vor.u32 v0, v27;
	[tilespmem:v12+s17+$0x0] =	vst.idx.msk $0xffff, v26  }
0x2e3: {  	v10 =	vand.u32 $0x73, v10;
	v9 =	vbroadcast v9, $0x0;
	v26 =	vor.u32 v0, v4;
	v24 =	vld [tilespmem:s6+$0xFFFFF850];
	[tilespmem:v7+s17+$0x0] =	vst.idx.msk $0xffff, v19  }
0x2e4: {  	v11 =	vand.u32 $0x74, v11;
	v10 =	vbroadcast v10, $0x0;
	s5 =	sadd.s32 $0xB, s14;
	v19 =	vor.u32 v0, v8;
	v7 =	vld [tilespmem:s6+$0xFFFFF8D0];
	[tilespmem:v5+s17+$0x0] =	vst.idx.msk $0xffff, v21  }
0x2e5: {  	v11 =	vbroadcast v11, $0x0;
	v29 =	vmov s5;
	s5 =	sadd.s32 $0xC, s14;
	v21 =	vor.u32 v0, v9;
	v5 =	vld [tilespmem:s6+$0xFFFFF950];
	[tilespmem:v6+s17+$0x0] =	vst.idx.msk $0xffff, v23  }
0x2e6: {  	v12 =	vand.u32 $0x75, v14;
	v30 =	vmov s5;
	v23 =	vor.u32 v0, v10;
	v6 =	vld [tilespmem:s6+$0xFFFFF9D0];
	[tilespmem:v28+s17+$0x0] =	vst.idx.msk $0xffff, v25  }
0x2e7: {  	v14 =	vand.u32 $0x76, v15;
	v12 =	vbroadcast v12, $0x0;
	v28 =	vor.u32 v0, v11;
	v25 =	vld [tilespmem:s6+$0xFFFFFA50];
	[tilespmem:v18+s17+$0x0] =	vst.idx.msk $0xffff, v17  }
0x2e8: {  	v13 =	vand.u32 $0x77, v13;
	v14 =	vbroadcast v14, $0x0;
	[tilespmem:v26+s17+$0x0] =	vst.idx.msk $0xffff, v24;
	v24 =	vld [tilespmem:s6+$0xFFFFFFE0];
	v26 =	vor.u32 v1, v27  }
0x2e9: {  	v17 =	vbroadcast v13, $0x0;
	v13 =	vand.u32 $0x78, v16;
	[tilespmem:v19+s17+$0x0] =	vst.idx.msk $0xffff, v7;
	v7 =	vld [tilespmem:s6+$0xFFFFFAD0];
	v19 =	vor.u32 v0, v12  }
0x2ea: {  	s5 =	sadd.s32 $0xD, s14;
	v15 =	vbroadcast v13, $0x0;
	v13 =	vand.u32 $0x79, v20;
	[tilespmem:v21+s17+$0x0] =	vst.idx.msk $0xffff, v5;
	v5 =	vld [tilespmem:s6+$0xFFFFFB50];
	v21 =	vor.u32 v0, v14  }
0x2eb: {  	v20 =	vor.u32 v0, v17;
	v13 =	vbroadcast v13, $0x0;
	[tilespmem:v23+s17+$0x0] =	vst.idx.msk $0xffff, v6;
	v6 =	vld [tilespmem:s6+$0xFFFFFBD0];
	v23 =	vmov s5;
	s5 =	sadd.s32 $0xE, s14;
	s14 =	smov.u32 s20  }
0x2ec: {  	v16 =	vand.u32 $0x7A, v22;
	[tilespmem:v28+s17+$0x0] =	vst.idx.msk $0xffff, v25;
	v25 =	vld [tilespmem:s6+$0xFFFFFC50];
	v28 =	vor.u32 v0, v15;
	v22 =	vmov s5  }
0x2ed: {  	v18 =	vbroadcast v16, $0x0;
	v16 =	vand.u32 $0x7B, v29;
	v32 =	vor.u32 v0, v13;
	v31 =	vld [tilespmem:s6+$0xFFFFFCD0];
	[tilespmem:v26+s17+$0x0] =	vst.idx.msk $0xffff, v24  }
0x2ee: {  	v16 =	vbroadcast v16, $0x0;
	v24 =	vor.u32 v2, v27;
	[tilespmem:v19+s17+$0x0] =	vst.idx.msk $0xffff, v7;
	v7 =	vand.u32 $0x7C, v30;
	v19 =	vld [tilespmem:s6+$0xFFFFFFF0]  }
0x2ef: {  	v26 =	vor.u32 v0, v18;
	[tilespmem:v21+s17+$0x0] =	vst.idx.msk $0xffff, v5;
	v21 =	vld [tilespmem:s6+$0xFFFFFD50];
	v7 =	vbroadcast v7, $0x0;
	v5 =	vand.u32 $0x7D, v23  }
0x2f0: {  	v23 =	vor.u32 v0, v16;
	[tilespmem:v20+s17+$0x0] =	vst.idx.msk $0xffff, v6;
	v20 =	vld [tilespmem:s6+$0xFFFFFDD0];
	v5 =	vbroadcast v5, $0x0;
	v6 =	vand.u32 $0x7E, v22  }
0x2f1: {  	[tilespmem:v28+s17+$0x0] =	vst.idx.msk $0xffff, v25;
	v22 =	vld [tilespmem:s6+$0xFFFFFE50];
	v25 =	vor.u32 v0, v7;
	v6 =	vbroadcast v6, $0x0  }
0x2f2: {  	[tilespmem:v32+s17+$0x0] =	vst.idx.msk $0xffff, v31;
	v28 =	vld [tilespmem:s6+$0xFFFFFED0];
	v29 =	vor.u32 v0, v5  }
0x2f3: {  	v30 =	vld [tilespmem:s6+$0xFFFFFF50];
	v31 =	vor.u32 v0, v6;
	[tilespmem:v24+s17+$0x0] =	vst.idx.msk $0xffff, v19  }
0x2f4: {  	[tilespmem:v26+s17+$0x0] =	vst.idx.msk $0xffff, v21;
	v19 =	vld [tilespmem:s6+$0x0];
	v21 =	vor.u32 v3, v27  }
0x2f5: {  	v26 =	vor.u32 v1, v8;
	v24 =	vld [tilespmem:s6+$0xFFFFF8E0];
	[tilespmem:v23+s17+$0x0] =	vst.idx.msk $0xffff, v20  }
0x2f6: {  	v23 =	vor.u32 v1, v9;
	v20 =	vld [tilespmem:s6+$0xFFFFF960];
	[tilespmem:v25+s17+$0x0] =	vst.idx.msk $0xffff, v22  }
0x2f7: {  	v25 =	vor.u32 v1, v10;
	v22 =	vld [tilespmem:s6+$0xFFFFF9E0];
	[tilespmem:v29+s17+$0x0] =	vst.idx.msk $0xffff, v28  }
0x2f8: {  	v28 =	vor.u32 v1, v11;
	v27 =	vld [tilespmem:s6+$0xFFFFFA60];
	[tilespmem:v31+s17+$0x0] =	vst.idx.msk $0xffff, v30  }
0x2f9: {  	v30 =	vor.u32 v1, v12;
	v29 =	vld [tilespmem:s6+$0xFFFFFAE0];
	[tilespmem:v21+s17+$0x0] =	vst.idx.msk $0xffff, v19  }
0x2fa: {  	v21 =	vor.u32 v1, v14;
	[tilespmem:v26+s17+$0x0] =	vst.idx.msk $0xffff, v24;
	v19 =	vld [tilespmem:s6+$0xFFFFFB60]  }
0x2fb: {  	[tilespmem:v23+s17+$0x0] =	vst.idx.msk $0xffff, v20;
	v20 =	vld [tilespmem:s6+$0xFFFFFBE0];
	v23 =	vor.u32 v1, v17  }
0x2fc: {  	v24 =	vor.u32 v1, v15;
	[tilespmem:v25+s17+$0x0] =	vst.idx.msk $0xffff, v22;
	v22 =	vld [tilespmem:s6+$0xFFFFFC60]  }
0x2fd: {  	v26 =	vor.u32 v1, v13;
	[tilespmem:v28+s17+$0x0] =	vst.idx.msk $0xffff, v27;
	v25 =	vld [tilespmem:s6+$0xFFFFFCE0]  }
0x2fe: {  	v28 =	vor.u32 v1, v18;
	[tilespmem:v30+s17+$0x0] =	vst.idx.msk $0xffff, v29;
	v27 =	vld [tilespmem:s6+$0xFFFFFD60]  }
0x2ff: {  	[tilespmem:v21+s17+$0x0] =	vst.idx.msk $0xffff, v19;
	v19 =	vld [tilespmem:s6+$0xFFFFFDE0];
	v21 =	vor.u32 v1, v16  }
0x300: {  	[tilespmem:v23+s17+$0x0] =	vst.idx.msk $0xffff, v20;
	v20 =	vld [tilespmem:s6+$0xFFFFFE60];
	v23 =	vor.u32 v1, v7  }
0x301: {  	[tilespmem:v24+s17+$0x0] =	vst.idx.msk $0xffff, v22;
	v22 =	vld [tilespmem:s6+$0xFFFFFEE0];
	v24 =	vor.u32 v1, v5  }
0x302: {  	[tilespmem:v26+s17+$0x0] =	vst.idx.msk $0xffff, v25;
	v25 =	vld [tilespmem:s6+$0xFFFFFF60];
	v26 =	vor.u32 v1, v6  }
0x303: {  	v30 =	vor.u32 v1, v4;
	v29 =	vld [tilespmem:s6+$0xFFFFF860];
	[tilespmem:v28+s17+$0x0] =	vst.idx.msk $0xffff, v27  }
0x304: {  	v28 =	vor.u32 v2, v8;
	v27 =	vld [tilespmem:s6+$0xFFFFF8F0];
	[tilespmem:v21+s17+$0x0] =	vst.idx.msk $0xffff, v19  }
0x305: {  	v21 =	vor.u32 v2, v9;
	v19 =	vld [tilespmem:s6+$0xFFFFF970];
	[tilespmem:v23+s17+$0x0] =	vst.idx.msk $0xffff, v20  }
0x306: {  	v23 =	vor.u32 v2, v10;
	v20 =	vld [tilespmem:s6+$0xFFFFF9F0];
	[tilespmem:v24+s17+$0x0] =	vst.idx.msk $0xffff, v22  }
0x307: {  	v24 =	vor.u32 v2, v11;
	v22 =	vld [tilespmem:s6+$0xFFFFFA70];
	[tilespmem:v26+s17+$0x0] =	vst.idx.msk $0xffff, v25  }
0x308: {  	v26 =	vor.u32 v2, v12;
	[tilespmem:v30+s17+$0x0] =	vst.idx.msk $0xffff, v29;
	v25 =	vld [tilespmem:s6+$0xFFFFFAF0]  }
0x309: {  	[tilespmem:v28+s17+$0x0] =	vst.idx.msk $0xffff, v27;
	v27 =	vld [tilespmem:s6+$0xFFFFFB70];
	v28 =	vor.u32 v2, v14  }
0x30a: {  	[tilespmem:v21+s17+$0x0] =	vst.idx.msk $0xffff, v19;
	v19 =	vld [tilespmem:s6+$0xFFFFFBF0];
	v21 =	vor.u32 v2, v17  }
0x30b: {  	[tilespmem:v23+s17+$0x0] =	vst.idx.msk $0xffff, v20;
	v20 =	vld [tilespmem:s6+$0xFFFFFC70];
	v23 =	vor.u32 v2, v15  }
0x30c: {  	[tilespmem:v24+s17+$0x0] =	vst.idx.msk $0xffff, v22;
	v22 =	vld [tilespmem:s6+$0xFFFFFCF0];
	v24 =	vor.u32 v2, v13  }
0x30d: {  	[tilespmem:v26+s17+$0x0] =	vst.idx.msk $0xffff, v25;
	v25 =	vld [tilespmem:s6+$0xFFFFFD70];
	v26 =	vor.u32 v2, v18  }
0x30e: {  	[tilespmem:v28+s17+$0x0] =	vst.idx.msk $0xffff, v27;
	v27 =	vld [tilespmem:s6+$0xFFFFFDF0];
	v28 =	vor.u32 v2, v16  }
0x30f: {  	[tilespmem:v21+s17+$0x0] =	vst.idx.msk $0xffff, v19;
	v19 =	vld [tilespmem:s6+$0xFFFFFE70];
	v21 =	vor.u32 v2, v7  }
0x310: {  	[tilespmem:v23+s17+$0x0] =	vst.idx.msk $0xffff, v20;
	v20 =	vld [tilespmem:s6+$0xFFFFFEF0];
	v23 =	vor.u32 v2, v5  }
0x311: {  	[tilespmem:v24+s17+$0x0] =	vst.idx.msk $0xffff, v22;
	v22 =	vld [tilespmem:s6+$0xFFFFFF70];
	v24 =	vor.u32 v2, v6  }
0x312: {  	v30 =	vor.u32 v2, v4;
	v29 =	vld [tilespmem:s6+$0xFFFFF870];
	[tilespmem:v26+s17+$0x0] =	vst.idx.msk $0xffff, v25  }
0x313: {  	v8 =	vor.u32 v3, v8;
	v25 =	vld [tilespmem:s6+$0xFFFFF900];
	[tilespmem:v28+s17+$0x0] =	vst.idx.msk $0xffff, v27  }
0x314: {  	v9 =	vor.u32 v3, v9;
	v26 =	vld [tilespmem:s6+$0xFFFFF980];
	[tilespmem:v21+s17+$0x0] =	vst.idx.msk $0xffff, v19  }
0x315: {  	v10 =	vor.u32 v3, v10;
	v21 =	vld [tilespmem:s6+$0xFFFFFA00];
	[tilespmem:v23+s17+$0x0] =	vst.idx.msk $0xffff, v20  }
0x316: {  	v11 =	vor.u32 v3, v11;
	v23 =	vld [tilespmem:s6+$0xFFFFFA80];
	[tilespmem:v24+s17+$0x0] =	vst.idx.msk $0xffff, v22  }
0x317: {  	v12 =	vor.u32 v3, v12;
	[tilespmem:v30+s17+$0x0] =	vst.idx.msk $0xffff, v29;
	v24 =	vld [tilespmem:s6+$0xFFFFFB00]  }
0x318: {  	v28 =	vor.u32 v3, v14;
	[tilespmem:v8+s17+$0x0] =	vst.idx.msk $0xffff, v25;
	v27 =	vld [tilespmem:s6+$0xFFFFFB80]  }
.Ltmp3:
0x319: {  	s5 =	sadd.s32 $0x1, s20;
	v20 =	vor.u32 v3, v17;
	v8 =	vmov s20;
	[tilespmem:v9+s17+$0x0] =	vst.idx.msk $0xffff, v26;
	v19 =	vld [tilespmem:s6+$0xFFFFFC00];
	(pc) =	sbr.rel @p0 .LBB2_9-.Ltmp3, $4  }
0x31a: {  	s23 =	sadd.s32 $0x3, s20;
	v17 =	vmov s5;
	s5 =	sadd.s32 $0x2, s20;
	v22 =	vor.u32 v3, v15;
	v8 =	vand.u32 $0x70, v8;
	[tilespmem:v10+s17+$0x0] =	vst.idx.msk $0xffff, v21;
	v21 =	vld [tilespmem:s6+$0xFFFFFC80]  }
0x31b: {  	v25 =	vor.u32 v3, v13;
	v9 =	vmov s5;
	s5 =	sadd.s32 $0x4, s20;
	v10 =	vmov s23;
	s23 =	sadd.s32 $0x5, s20;
	[tilespmem:v11+s17+$0x0] =	vst.idx.msk $0xffff, v23;
	v23 =	vld [tilespmem:s6+$0xFFFFFD00]  }
0x31c: {  	v18 =	vor.u32 v3, v18;
	v11 =	vmov s5;
	v14 =	vmov s23;
	s5 =	sadd.s32 $0x6, s20;
	s23 =	sadd.s32 $0x7, s20;
	[tilespmem:v12+s17+$0x0] =	vst.idx.msk $0xffff, v24;
	v24 =	vld [tilespmem:s6+$0xFFFFFD80]  }
0x31d: {  	s20 =	sadd.s32 $0x10, s20;
	v15 =	vmov s5;
	v13 =	vmov s23;
	s5 =	sadd.s32 $0x8, s14;
	s23 =	sadd.s32 $0xF, s14;
	v12 =	vor.u32 v3, v16;
	[tilespmem:v28+s17+$0x0] =	vst.idx.msk $0xffff, v27;
	v26 =	vld [tilespmem:s6+$0xFFFFFE00]  }
0x31e: {  	_ =	sdelay $0x3  }
0x31f: {  	v16 =	vmov s5;
	[tilespmem:v20+s17+$0x0] =	vst.idx.msk $0xffff, v19;
	v53 =	vld [tilespmem:s6+$0xFFFFFE80];
	v7 =	vor.u32 v3, v7  }
0x320: {  	v27 =	vmov s23;
	v54 =	vld [tilespmem:s6+$0xFFFFFF00];
	v55 =	vor.u32 v3, v5;
	v57 =	vor.u32 v3, v6;
	[tilespmem:v22+s17+$0x0] =	vst.idx.msk $0xffff, v21  }
0x321: {  	v56 =	vld [tilespmem:s6+$0xFFFFFF80];
	v5 =	vbroadcast v8, $0x0;
	v58 =	vand.u32 $0x71, v17;
	v29 =	vor.u32 v3, v4;
	[tilespmem:v25+s17+$0x0] =	vst.idx.msk $0xffff, v23  }
0x322: {  	v59 =	vld [tilespmem:s6+$0xFFFFF880];
	s6 =	sadd.s32 $0x800, s6;
	v60 =	vand.u32 $0x72, v9;
	v37 =	vand.u32 $0x73, v10;
	v4 =	vbroadcast v58, $0x0;
	[tilespmem:v18+s17+$0x0] =	vst.idx.msk $0xffff, v24  }
0x323: {  	v39 =	vand.u32 $0x74, v11;
	v63 =	vld [tilespmem:s6+$0xFFFFF850];
	v6 =	vbroadcast v60, $0x0;
	v36 =	vor.u32 v0, v5;
	[tilespmem:v12+s17+$0x0] =	vst.idx.msk $0xffff, v26  }
0x324: {  	v44 =	vand.u32 $0x75, v14;
	v38 =	vld [tilespmem:s6+$0xFFFFF8D0];
	v8 =	vbroadcast v39, $0x0;
	v30 =	vor.u32 v0, v4;
	[tilespmem:v7+s17+$0x0] =	vst.idx.msk $0xffff, v53  }
0x325: {  	v27 =	vand.u32 $0x7F, v27;
	v40 =	vld [tilespmem:s6+$0xFFFFF950];
	v9 =	vbroadcast v44, $0x0;
	v41 =	vor.u32 v0, v6;
	[tilespmem:v55+s17+$0x0] =	vst.idx.msk $0xffff, v54  }
0x326: {  	v47 =	vand.u32 $0x76, v15;
	v45 =	vld [tilespmem:s6+$0xFFFFFA50];
	v27 =	vbroadcast v27, $0x0;
	v46 =	vor.u32 v0, v8;
	[tilespmem:v57+s17+$0x0] =	vst.idx.msk $0xffff, v56  }
0x327: {  	s20 =	sadd.s32 $0x9, s14;
	v48 =	vand.u32 $0x77, v13;
	v10 =	vbroadcast v47, $0x0;
	v51 =	vld [tilespmem:s6+$0xFFFFFAD0];
	v52 =	vor.u32 v0, v9;
	[tilespmem:v29+s17+$0x0] =	vst.idx.msk $0xffff, v59  }
0x328: {  	v20 =	vmov s20;
	v61 =	vld [tilespmem:s6+$0xFFFFFFD0];
	v11 =	vbroadcast v48, $0x0;
	v62 =	vor.u32 v0, v27;
	[tilespmem:v36+s17+$0x0] =	vst.idx.msk $0xffff, v63  }
0x329: {  	v7 =	vbroadcast v37, $0x0;
	v54 =	vld [tilespmem:s6+$0xFFFFFB50];
	v55 =	vor.u32 v0, v10;
	v56 =	vand.u32 $0x79, v20;
	[tilespmem:v30+s17+$0x0] =	vst.idx.msk $0xffff, v38  }
0x32a: {  	v58 =	vor.u32 v0, v11;
	v53 =	vand.u32 $0x78, v16;
	v57 =	vld [tilespmem:s6+$0xFFFFFBD0];
	v13 =	vbroadcast v56, $0x0;
	[tilespmem:v41+s17+$0x0] =	vst.idx.msk $0xffff, v40  }
0x32b: {  	s20 =	sadd.s32 $0xC, s14;
	v42 =	vld [tilespmem:s6+$0xFFFFF9D0];
	v12 =	vbroadcast v53, $0x0;
	v43 =	vor.u32 v0, v7;
	[tilespmem:v46+s17+$0x0] =	vst.idx.msk $0xffff, v45  }
0x32c: {  	v33 =	vld [tilespmem:s6+$0xFFFFFCD0];
	v32 =	vmov s20;
	v34 =	vor.u32 v0, v13;
	[tilespmem:v52+s17+$0x0] =	vst.idx.msk $0xffff, v51  }
0x32d: {  	s23 =	sadd.s32 $0xA, s14;
	v60 =	vld [tilespmem:s6+$0xFFFFFC50];
	v36 =	vand.u32 $0x7C, v32;
	[tilespmem:v62+s17+$0x0] =	vst.idx.msk $0xffff, v61;
	v61 =	vor.u32 v0, v12  }
0x32e: {  	v28 =	vmov s23;
	s23 =	sadd.s32 $0xD, s14;
	v53 =	vor.u32 v1, v4;
	v16 =	vbroadcast v36, $0x0;
	v52 =	vld [tilespmem:s6+$0xFFFFF8E0];
	[tilespmem:v55+s17+$0x0] =	vst.idx.msk $0xffff, v54  }
0x32f: {  	v50 =	vor.u32 v1, v27;
	v59 =	vmov s23;
	v49 =	vld [tilespmem:s6+$0xFFFFFFE0];
	[tilespmem:v58+s17+$0x0] =	vst.idx.msk $0xffff, v57  }
0x330: {  	s24 =	sadd.s32 $0xB, s14;
	v41 =	vand.u32 $0x7D, v59;
	v45 =	vld [tilespmem:s6+$0xFFFFFE50];
	v46 =	vor.u32 v0, v16;
	[tilespmem:v43+s17+$0x0] =	vst.idx.msk $0xffff, v42  }
0x331: {  	v31 =	vmov s24;
	v17 =	vbroadcast v41, $0x0;
	v54 =	vld [tilespmem:s6+$0xFFFFF960];
	v55 =	vor.u32 v1, v6;
	[tilespmem:v34+s17+$0x0] =	vst.idx.msk $0xffff, v33  }
0x332: {  	s24 =	sadd.s32 $0xE, s14;
	v35 =	vand.u32 $0x7B, v31;
	v59 =	vor.u32 v1, v8;
	v62 =	vand.u32 $0x7A, v28;
	v58 =	vld [tilespmem:s6+$0xFFFFFA60];
	[tilespmem:v61+s17+$0x0] =	vst.idx.msk $0xffff, v60  }
0x333: {  	v47 =	vld [tilespmem:s6+$0xFFFFFED0];
	v63 =	vmov s24;
	v14 =	vbroadcast v62, $0x0;
	v48 =	vor.u32 v0, v17;
	[tilespmem:v53+s17+$0x0] =	vst.idx.msk $0xffff, v52  }
0x334: {  	v15 =	vbroadcast v35, $0x0;
	v44 =	vand.u32 $0x7E, v63;
	v63 =	vor.u32 v1, v10;
	v62 =	vld [tilespmem:s6+$0xFFFFFB60];
	[tilespmem:v50+s17+$0x0] =	vst.idx.msk $0xffff, v49  }
0x335: {  	v39 =	vld [tilespmem:s6+$0xFFFFFD50];
	v40 =	vor.u32 v0, v14;
	[tilespmem:v46+s17+$0x0] =	vst.idx.msk $0xffff, v45  }
0x336: {  	v42 =	vld [tilespmem:s6+$0xFFFFFDD0];
	v43 =	vor.u32 v0, v15;
	[tilespmem:v55+s17+$0x0] =	vst.idx.msk $0xffff, v54  }
0x337: {  	v57 =	vor.u32 v1, v7;
	v56 =	vld [tilespmem:s6+$0xFFFFF9E0];
	[tilespmem:v59+s17+$0x0] =	vst.idx.msk $0xffff, v58  }
0x338: {  	v18 =	vbroadcast v44, $0x0;
	v32 =	vld [tilespmem:s6+$0xFFFFFBE0];
	v33 =	vor.u32 v1, v11;
	[tilespmem:v48+s17+$0x0] =	vst.idx.msk $0xffff, v47  }
0x339: {  	v60 =	vld [tilespmem:s6+$0xFFFFFAE0];
	v61 =	vor.u32 v1, v9;
	[tilespmem:v63+s17+$0x0] =	vst.idx.msk $0xffff, v62  }
0x33a: {  	v49 =	vld [tilespmem:s6+$0xFFFFFF50];
	v50 =	vor.u32 v0, v18;
	[tilespmem:v40+s17+$0x0] =	vst.idx.msk $0xffff, v39  }
0x33b: {  	v35 =	vor.u32 v1, v12;
	v34 =	vld [tilespmem:s6+$0xFFFFFC60];
	[tilespmem:v43+s17+$0x0] =	vst.idx.msk $0xffff, v42  }
0x33c: {  	v38 =	vor.u32 v2, v27;
	v37 =	vld [tilespmem:s6+$0xFFFFFFF0];
	[tilespmem:v57+s17+$0x0] =	vst.idx.msk $0xffff, v56  }
0x33d: {  	v53 =	vor.u32 v2, v6;
	v52 =	vld [tilespmem:s6+$0xFFFFF970];
	[tilespmem:v33+s17+$0x0] =	vst.idx.msk $0xffff, v32  }
0x33e: {  	v42 =	vld [tilespmem:s6+$0xFFFFFE60];
	v43 =	vor.u32 v1, v16;
	[tilespmem:v61+s17+$0x0] =	vst.idx.msk $0xffff, v60  }
0x33f: {  	v45 =	vor.u32 v1, v17;
	v44 =	vld [tilespmem:s6+$0xFFFFFEE0];
	[tilespmem:v50+s17+$0x0] =	vst.idx.msk $0xffff, v49  }
0x340: {  	v41 =	vor.u32 v1, v15;
	v40 =	vld [tilespmem:s6+$0xFFFFFDE0];
	[tilespmem:v35+s17+$0x0] =	vst.idx.msk $0xffff, v34  }
0x341: {  	v56 =	vld [tilespmem:s6+$0xFFFFFA70];
	v57 =	vor.u32 v2, v8;
	[tilespmem:v38+s17+$0x0] =	vst.idx.msk $0xffff, v37  }
0x342: {  	v55 =	vor.u32 v2, v7;
	v54 =	vld [tilespmem:s6+$0xFFFFF9F0];
	[tilespmem:v53+s17+$0x0] =	vst.idx.msk $0xffff, v52  }
0x343: {  	v60 =	vld [tilespmem:s6+$0xFFFFFB70];
	v61 =	vor.u32 v2, v10;
	[tilespmem:v43+s17+$0x0] =	vst.idx.msk $0xffff, v42  }
0x344: {  	v63 =	vor.u32 v2, v11;
	v62 =	vld [tilespmem:s6+$0xFFFFFBF0];
	[tilespmem:v45+s17+$0x0] =	vst.idx.msk $0xffff, v44  }
0x345: {  	v48 =	vld [tilespmem:s6+$0xFFFFF860];
	v49 =	vor.u32 v1, v5;
	[tilespmem:v41+s17+$0x0] =	vst.idx.msk $0xffff, v40  }
0x346: {  	v59 =	vor.u32 v2, v9;
	v58 =	vld [tilespmem:s6+$0xFFFFFAF0];
	[tilespmem:v57+s17+$0x0] =	vst.idx.msk $0xffff, v56  }
0x347: {  	v36 =	vld [tilespmem:s6+$0xFFFFFCE0];
	v37 =	vor.u32 v1, v13;
	[tilespmem:v55+s17+$0x0] =	vst.idx.msk $0xffff, v54  }
0x348: {  	v39 =	vor.u32 v1, v14;
	v38 =	vld [tilespmem:s6+$0xFFFFFD60];
	[tilespmem:v61+s17+$0x0] =	vst.idx.msk $0xffff, v60  }
0x349: {  	v47 =	vor.u32 v1, v18;
	v46 =	vld [tilespmem:s6+$0xFFFFFF60];
	[tilespmem:v63+s17+$0x0] =	vst.idx.msk $0xffff, v62  }
0x34a: {  	v33 =	vor.u32 v2, v12;
	v32 =	vld [tilespmem:s6+$0xFFFFFC70];
	[tilespmem:v49+s17+$0x0] =	vst.idx.msk $0xffff, v48  }
0x34b: {  	v51 =	vor.u32 v3, v27;
	v19 =	vld [tilespmem:s6+$0x0];
	[tilespmem:v59+s17+$0x0] =	vst.idx.msk $0xffff, v58  }
0x34c: {  	v40 =	vld [tilespmem:s6+$0xFFFFFE70];
	v41 =	vor.u32 v2, v16;
	[tilespmem:v37+s17+$0x0] =	vst.idx.msk $0xffff, v36  }
0x34d: {  	v43 =	vor.u32 v2, v17;
	v42 =	vld [tilespmem:s6+$0xFFFFFEF0];
	[tilespmem:v39+s17+$0x0] =	vst.idx.msk $0xffff, v38  }
0x34e: {  	v6 =	vor.u32 v3, v6;
	v48 =	vld [tilespmem:s6+$0xFFFFF980];
	[tilespmem:v47+s17+$0x0] =	vst.idx.msk $0xffff, v46  }
0x34f: {  	v7 =	vor.u32 v3, v7;
	v49 =	vld [tilespmem:s6+$0xFFFFFA00];
	[tilespmem:v33+s17+$0x0] =	vst.idx.msk $0xffff, v32  }
0x350: {  	v11 =	vor.u32 v3, v11;
	v52 =	vld [tilespmem:s6+$0xFFFFFC00];
	[tilespmem:v51+s17+$0x0] =	vst.idx.msk $0xffff, v19  }
0x351: {  	v38 =	vld [tilespmem:s6+$0xFFFFFDF0];
	v39 =	vor.u32 v2, v15;
	[tilespmem:v41+s17+$0x0] =	vst.idx.msk $0xffff, v40  }
0x352: {  	v50 =	vld [tilespmem:s6+$0xFFFFF8F0];
	v51 =	vor.u32 v2, v4;
	[tilespmem:v43+s17+$0x0] =	vst.idx.msk $0xffff, v42  }
0x353: {  	v29 =	vld [tilespmem:s6+$0xFFFFF870];
	v46 =	vor.u32 v2, v5;
	[tilespmem:v6+s17+$0x0] =	vst.idx.msk $0xffff, v48  }
0x354: {  	v35 =	vor.u32 v2, v13;
	v34 =	vld [tilespmem:s6+$0xFFFFFCF0];
	[tilespmem:v7+s17+$0x0] =	vst.idx.msk $0xffff, v49  }
0x355: {  	v37 =	vor.u32 v2, v14;
	v36 =	vld [tilespmem:s6+$0xFFFFFD70];
	[tilespmem:v11+s17+$0x0] =	vst.idx.msk $0xffff, v52  }
0x356: {  	v45 =	vor.u32 v2, v18;
	v44 =	vld [tilespmem:s6+$0xFFFFFF70];
	[tilespmem:v39+s17+$0x0] =	vst.idx.msk $0xffff, v38  }
0x357: {  	v12 =	vor.u32 v3, v12;
	v53 =	vld [tilespmem:s6+$0xFFFFFC80];
	[tilespmem:v51+s17+$0x0] =	vst.idx.msk $0xffff, v50  }
0x358: {  	v4 =	vor.u32 v3, v4;
	[tilespmem:v46+s17+$0x0] =	vst.idx.msk $0xffff, v29;
	v47 =	vld [tilespmem:s6+$0xFFFFF900]  }
0x359: {  	v58 =	vor.u32 v3, v16;
	v57 =	vld [tilespmem:s6+$0xFFFFFE80];
	[tilespmem:v35+s17+$0x0] =	vst.idx.msk $0xffff, v34  }
0x35a: {  	v60 =	vor.u32 v3, v17;
	v59 =	vld [tilespmem:s6+$0xFFFFFF00];
	[tilespmem:v37+s17+$0x0] =	vst.idx.msk $0xffff, v36  }
0x35b: {  	v8 =	vor.u32 v3, v8;
	v50 =	vld [tilespmem:s6+$0xFFFFFA80];
	[tilespmem:v45+s17+$0x0] =	vst.idx.msk $0xffff, v44  }
0x35c: {  	v9 =	vor.u32 v3, v9;
	v51 =	vld [tilespmem:s6+$0xFFFFFB00];
	[tilespmem:v12+s17+$0x0] =	vst.idx.msk $0xffff, v53  }
0x35d: {  	v10 =	vor.u32 v3, v10;
	[tilespmem:v4+s17+$0x0] =	vst.idx.msk $0xffff, v47;
	v4 =	vld [tilespmem:s6+$0xFFFFFB80]  }
0x35e: {  	v5 =	vor.u32 v3, v5;
	v63 =	vld [tilespmem:s6+$0xFFFFF880];
	[tilespmem:v58+s17+$0x0] =	vst.idx.msk $0xffff, v57  }
0x35f: {  	v13 =	vor.u32 v3, v13;
	v54 =	vld [tilespmem:s6+$0xFFFFFD00];
	[tilespmem:v60+s17+$0x0] =	vst.idx.msk $0xffff, v59  }
0x360: {  	v14 =	vor.u32 v3, v14;
	v55 =	vld [tilespmem:s6+$0xFFFFFD80];
	[tilespmem:v8+s17+$0x0] =	vst.idx.msk $0xffff, v50  }
0x361: {  	v62 =	vor.u32 v3, v18;
	v61 =	vld [tilespmem:s6+$0xFFFFFF80];
	[tilespmem:v9+s17+$0x0] =	vst.idx.msk $0xffff, v51  }
0x362: {  	v56 =	vor.u32 v3, v15;
	[tilespmem:v10+s17+$0x0] =	vst.idx.msk $0xffff, v4;
	v4 =	vld [tilespmem:s6+$0xFFFFFE00]  }
0x363: {  	p0 =	sne.s32 s26, $0x32;
	[tilespmem:v5+s17+$0x0] =	vst.idx.msk $0xffff, v63  }
.Ltmp4:
0x364: {  	[tilespmem:v13+s17+$0x0] =	vst.idx.msk $0xffff, v54;
	(pc) =	sbr.rel @p0 .LBB2_2-.Ltmp4, $4  }
0x365: {  	s25 =	sor.u32 s9, s25;
	[tilespmem:v14+s17+$0x0] =	vst.idx.msk $0xffff, v55  }
0x366: {  	s5 =	sshrl.u32 s25, $0x3;
	[tilespmem:v62+s17+$0x0] =	vst.idx.msk $0xffff, v61  }
0x367: {  	s5 =	sadd.s32 s2, s5;
	s24 =	smov.u32 s26;
	[tilespmem:v56+s17+$0x0] =	vst.idx.msk $0xffff, v4  }
0x368: {  	[hbm4b:s5+s15] =	stream.strided.scatter [tilespmem:s17], [sflag:$0x4], $0x2000, s16, s15, $0x38;
	[tilespmem:$0x13000] =	vst v63  }
0x369: {  	_ =	swait.ge [sflag:s19], $0x2000  }
0x36a: {  	[sflag:s19] =	ssyncset.done $0x0  }
0x36b: {  	[sflag:s19] =	ssyncadd.s32 $0xFFFFE000  }
0x36c: {  	_ =	swait.ge [sflag:s21], $0x2000  }
0x36d: {  	s22 =	sadd.s32 $0x1, s22;
	s5 =	rddreg [dreg:$0x6]  }
0x36e: {  	p0 =	sne.s32 s22, s5  }
.Ltmp5:
0x36f: {  	_ = 	snop;
	(pc) =	sbr.rel @p0 .LBB2_1-.Ltmp5, $3  }
0x370: {  	_ =	sdelay $0x1  }
0x371: {  	[sflag:s21] =	ssyncset.done $0x0  }
0x372: {  	[sflag:s21] =	ssyncadd.s32 $0xFFFFE000  }
0x373: {  	_ =	sfence.sel $0x180000  }
0x374: {  	[bflag:$0x0] =	sbarrier.arrive $0xFFFF  }
0x375: {  	_ =	strace $0x90000047  }
0x376: {  	s0 =	stileid.u32;
	[bflag:$0x2] =	sbarrier.arrive $0xFFFF  }
0x377: {  	p0 =	sne.s32 s0, $0x0;
	s0 =	rddreg [dreg:$0x3]  }
0x378: {  	s0 =	sadd.s32 @!p0 $0x100000, s0  }
0x379: {  	[sflag:s0] =	ssyncadd.tile.s32 @!p0 $0x1;
	_ =	shalt  }
.Lfunc_end2:
_tile_overlayer_lowered:
.L_overlay_start_2:
0x37a: {  	(tag) =	ssettag $0x2  }
0x37b: {  	s0 =	rddreg [dreg:$0x0];
	s2 =	stileid.u32  }
0x37c: {  	s1 =	rddreg [dreg:$0x1];
	p0 =	sne.s32 s2, $0x0  }
0x37d: {  	s3 =	rddreg [dreg:$0x2];
	[bflag:$0x3] =	sbarrier.arrive $0xFFFF;
	s2 =	simm.s32 @!p0 $0x1C05  }
0x37e: {  	[timem:s3], [sflag:s2] =	dma.local @!p0 [hbm:s0], s1  }
0x37f: {  	s0 =	simm.s32 @!p0 $0x5  }
0x380: {  	_ =	swait.ge @!p0 [sflag:s0], s1  }
0x381: {  	s1 =	ssub.s32 @!p0 $0x0, s1;
	[sflag:s0] =	ssyncset.done @!p0 $0x0  }
0x382: {  	[sflag:s0] =	ssyncadd.s32 @!p0 s1  }
0x383: {  	[bflag:$0x3] =	sbarrier.arrive $0xFFFF  }
0x384: {  	_ =	shalt  }

</sc_bundles>
